<compile_context>
chip_gen: v7x
topology: tpu7x:2x2x1
jax: 0.10.2.dev20260603
libtpu: 0.0.44.dev20260713+nightly
codegen_flags: <defaults>
</compile_context>

<pallas_src>
import functools

import jax
import jax.numpy as jnp
from jax import lax
from jax.experimental import pallas as pl
from jax.experimental.pallas import tpu as pltpu
from jax.experimental.pallas import tpu_sc as plsc

N = 50000
E = 800000
C = 64

NC = 2
NS = 16
HALF = 25088
ROWS_PER_TILE = HALF // NS
GARBAGE = HALF
ACC_ROWS = HALF + 8

EDGES_PER_TILE = E // NS
CHUNK = 80
NSLOT = 5
G_EDGES = CHUNK * NSLOT
NGROUPS = EDGES_PER_TILE // G_EDGES
CAP = G_EDGES + CHUNK

def _sc_body(x_hbm, src_hbm, tgt_hbm, out_hbm,
             stage_src, stage_tgt, tidx, rowbuf, csrc, ctgt, acc,
             ssem, tsem, isem,
             g0, g1, g2, g3, g4, c0, c1, c2, c3, c4):
    gsems = (g0, g1, g2, g3, g4)
    csems = (c0, c1, c2, c3, c4)
    c = lax.axis_index("c")
    s = lax.axis_index("s")
    base = (c * HALF).astype(jnp.int32)
    vlen = jnp.minimum(jnp.int32(HALF), jnp.int32(N) - base).astype(jnp.uint32)
    tile_rows0 = s * ROWS_PER_TILE
    edge0 = s * EDGES_PER_TILE

    zeros16 = jnp.zeros((16,), jnp.float32)

    def _zrow(r, carry):
        for q in range(C // 16):
            rowbuf[0, r, pl.ds(q * 16, 16)] = zeros16
        return carry

    lax.fori_loop(0, CHUNK, _zrow, 0)
    for j in range(19):
        pltpu.async_copy(rowbuf.at[0],
                         acc.at[pl.ds(tile_rows0 + j * CHUNK, CHUNK)], isem)
    pltpu.async_copy(rowbuf.at[0].at[pl.ds(0, 48)],
                     acc.at[pl.ds(tile_rows0 + 19 * CHUNK, 48)], isem)
    for j in range(19):
        pltpu.make_async_copy(rowbuf.at[0],
                              acc.at[pl.ds(tile_rows0 + j * CHUNK, CHUNK)],
                              isem).wait()
    pltpu.make_async_copy(rowbuf.at[0].at[pl.ds(0, 48)],
                          acc.at[pl.ds(tile_rows0 + 19 * CHUNK, 48)],
                          isem).wait()
    plsc.subcore_barrier()

    pltpu.async_copy(src_hbm.at[pl.ds(edge0, G_EDGES)],
                     stage_src.at[pl.ds(0, G_EDGES)], ssem)
    pltpu.async_copy(tgt_hbm.at[pl.ds(edge0, G_EDGES)],
                     stage_tgt.at[pl.ds(0, G_EDGES)], tsem)

    def _group(G, carry):
        lvl, nbp = carry
        cur = (G % 2) * G_EDGES
        nxt = G_EDGES - cur
        pltpu.make_async_copy(src_hbm.at[pl.ds(edge0, G_EDGES)],
                              stage_src.at[pl.ds(cur, G_EDGES)], ssem).wait()
        pltpu.make_async_copy(tgt_hbm.at[pl.ds(edge0, G_EDGES)],
                              stage_tgt.at[pl.ds(cur, G_EDGES)], tsem).wait()

        @pl.when(G + 1 < NGROUPS)
        def _prefetch():
            off = edge0 + (G + 1) * G_EDGES
            pltpu.async_copy(src_hbm.at[pl.ds(off, G_EDGES)],
                             stage_src.at[pl.ds(nxt, G_EDGES)], ssem)
            pltpu.async_copy(tgt_hbm.at[pl.ds(off, G_EDGES)],
                             stage_tgt.at[pl.ds(nxt, G_EDGES)], tsem)

        def _q(q, lc):
            t = stage_tgt[pl.ds(cur + q * 16, 16)]
            s = stage_src[pl.ds(cur + q * 16, 16)]
            lt = t - base
            ok = lt.astype(jnp.uint32) < vlen
            cs = plsc.cumsum(ok.astype(jnp.int32))
            pos = lc + cs - 1
            plsc.store_scatter(ctgt, [pos], lt, mask=ok)
            plsc.store_scatter(csrc, [pos], s, mask=ok)
            return lc + cs[15]

        lvl2 = lax.fori_loop(0, G_EDGES // 16, _q, lvl)
        nb = lvl2 // CHUNK
        rem = lvl2 - nb * CHUNK

        for i in range(NSLOT):
            @pl.when(i < nbp)
            def _drain_prev(i=i):
                pltpu.make_async_copy(rowbuf.at[i], acc.at[tidx.at[i]],
                                      csems[i]).wait()
            @pl.when(i < nb)
            def _fire_gather(i=i):
                for u in range(CHUNK // 16):
                    tidx[i, pl.ds(u * 16, 16)] = \
                        ctgt[pl.ds(i * CHUNK + u * 16, 16)]
                pltpu.async_copy(x_hbm.at[csrc.at[pl.ds(i * CHUNK, CHUNK)]],
                                 rowbuf.at[i], gsems[i])
        for i in range(NSLOT):
            @pl.when(i < nb)
            def _fire_scatter(i=i):
                pltpu.make_async_copy(
                    x_hbm.at[csrc.at[pl.ds(i * CHUNK, CHUNK)]],
                    rowbuf.at[i], gsems[i]).wait()
                pltpu.async_copy(rowbuf.at[i], acc.at[tidx.at[i]], csems[i],
                                 add=True)
        for u in range(CHUNK // 16):
            @pl.when(u * 16 < rem)
            def _move(u=u):
                vt = ctgt[pl.ds(nb * CHUNK + u * 16, 16)]
                vs = csrc[pl.ds(nb * CHUNK + u * 16, 16)]
                ctgt[pl.ds(u * 16, 16)] = vt
                csrc[pl.ds(u * 16, 16)] = vs
        return (rem, nb)

    lvl_f, nb_f = lax.fori_loop(0, NGROUPS, _group, (jnp.int32(0),
                                                     jnp.int32(0)))
    for i in range(NSLOT):
        @pl.when(i < nb_f)
        def _drain_last(i=i):
            pltpu.make_async_copy(rowbuf.at[i], acc.at[tidx.at[i]],
                                  csems[i]).wait()
    lane = lax.iota(jnp.int32, 16)
    for u in range(CHUNK // 16):
        pos = u * 16
        sel = (lane + pos) < lvl_f
        vt = jnp.where(sel, ctgt[pl.ds(pos, 16)], jnp.int32(GARBAGE))
        vs = jnp.where(sel, csrc[pl.ds(pos, 16)], jnp.int32(0))
        ctgt[pl.ds(pos, 16)] = vt
        csrc[pl.ds(pos, 16)] = vs
        tidx[0, pl.ds(pos, 16)] = vt
    pltpu.async_copy(x_hbm.at[csrc.at[pl.ds(0, CHUNK)]], rowbuf.at[0],
                     gsems[0])
    pltpu.make_async_copy(x_hbm.at[csrc.at[pl.ds(0, CHUNK)]], rowbuf.at[0],
                          gsems[0]).wait()
    pltpu.async_copy(rowbuf.at[0], acc.at[tidx.at[0]], csems[0], add=True)
    pltpu.make_async_copy(rowbuf.at[0], acc.at[tidx.at[0]], csems[0]).wait()
    plsc.subcore_barrier()
    pltpu.sync_copy(acc.at[pl.ds(tile_rows0, ROWS_PER_TILE)],
                    out_hbm.at[pl.ds(base + tile_rows0, ROWS_PER_TILE)])


_sc_scatter = functools.partial(
    pl.kernel,
    out_type=jax.ShapeDtypeStruct((NC * HALF, C), jnp.float32),
    mesh=plsc.VectorSubcoreMesh(core_axis_name="c", subcore_axis_name="s"),
    scratch_types=[
        pltpu.VMEM((2 * G_EDGES,), jnp.int32),
        pltpu.VMEM((2 * G_EDGES,), jnp.int32),
        pltpu.VMEM((NSLOT, CHUNK), jnp.int32),
        pltpu.VMEM((NSLOT, CHUNK, C), jnp.float32),
        pltpu.VMEM((CAP,), jnp.int32),
        pltpu.VMEM((CAP,), jnp.int32),
        pltpu.VMEM_SHARED((ACC_ROWS, C), jnp.float32),
        pltpu.SemaphoreType.DMA,
        pltpu.SemaphoreType.DMA,
        pltpu.SemaphoreType.DMA,
    ] + [pltpu.SemaphoreType.DMA] * (2 * NSLOT),
    compiler_params=pltpu.CompilerParams(use_tc_tiling_on_sc=False,
                                         needs_layout_passes=False),
)(_sc_body)


BLK = 5000


def _tc_body(x_ref, s_ref, n_ref, w_ref, o_ref):
    h = (x_ref[...] + s_ref[...]) * n_ref[...]
    o_ref[...] = jnp.maximum(
        jnp.dot(h, w_ref[...], preferred_element_type=jnp.float32), 0.0)


_tc_epilogue = pl.pallas_call(
    _tc_body,
    grid=(N // BLK,),
    in_specs=[
        pl.BlockSpec((BLK, C), lambda i: (i, 0)),
        pl.BlockSpec((BLK, C), lambda i: (i, 0)),
        pl.BlockSpec((BLK, 1), lambda i: (i, 0)),
        pl.BlockSpec((C, C), lambda i: (0, 0)),
    ],
    out_specs=pl.BlockSpec((BLK, C), lambda i: (i, 0)),
    out_shape=jax.ShapeDtypeStruct((N, C), jnp.float32),
)


def kernel(x, sources, targets, norm, W):
    src = sources.astype(jnp.int32)
    tgt = targets.astype(jnp.int32)
    scattered = _sc_scatter(x, src, tgt)
    return _tc_epilogue(x, scattered, norm, W.T)

# --- scband reference (transcript-rebuilt; emitter-appended) ---
"""Pipeline reference for scband-conv-40415642256024 (READ-ONLY COPY).

The authoritative reference and input builder live on the scoring server;
editing this copy changes nothing except your own understanding.
"""

import jax, jax.numpy as jnp
import numpy as np

N = 50000
E = 800000
C = 64


def setup_inputs(seed: int = 0) -> dict:
    key = jax.random.key(seed)
    k1, k2, k3, k4, k5 = jax.random.split(key, 5)
    x = jax.random.normal(k1, (N, C), dtype=jnp.float32)
    sources = jax.random.randint(k2, (E,), 0, N, dtype=jnp.int64)
    targets = jax.random.randint(k3, (E,), 0, N, dtype=jnp.int64)
    norm = jax.random.uniform(k4, (N, 1), dtype=jnp.float32)
    # Linear(CHANNELS, CHANNELS, bias=False) weight, xavier_normal init
    std = (2.0 / (C + C)) ** 0.5
    W = jax.random.normal(k5, (C, C), dtype=jnp.float32) * std
    return {"x": x, "sources": sources, "targets": targets, "norm": norm, "W": W}


def reference(x, sources, targets, norm, W):
    # x.index_add(0, targets, x[sources])  (out-of-place in torch)
    gathered = jnp.take(x, sources, axis=0)
    agg = x.at[targets].add(gathered)
    h = norm * agg
    # Linear with bias=False: h @ W.T
    return jax.nn.relu(h @ W.T)

if __name__ == "__main__":
    import jax
    _d = setup_inputs()
    print(jax.jit(kernel)(*tuple(_d.values())))

</pallas_src>

<mosaic_0001>
#map = affine_map<(d0, d1) -> (0, 0)>
#map1 = affine_map<(d0, d1) -> (0)>
module attributes {stable_mosaic.version = 14 : i64} {
  func.func @_sc_body(%arg0: i32, %arg1: i32, %arg2: memref<50000x64xf32, #tpu.memory_space<hbm>>, %arg3: memref<800000xi32, #tpu.memory_space<hbm>>, %arg4: memref<800000xi32, #tpu.memory_space<hbm>>, %arg5: memref<50176x64xf32, #tpu.memory_space<hbm>>, %arg6: memref<800xi32, #tpu.memory_space<vmem>>, %arg7: memref<800xi32, #tpu.memory_space<vmem>>, %arg8: memref<5x80xi32, #tpu.memory_space<vmem>>, %arg9: memref<5x80x64xf32, #tpu.memory_space<vmem>>, %arg10: memref<480xi32, #tpu.memory_space<vmem>>, %arg11: memref<480xi32, #tpu.memory_space<vmem>>, %arg12: memref<25096x64xf32, #tpu.memory_space<vmem_shared>>, %arg13: memref<!tpu.dma_semaphore, #tpu.memory_space<semaphore_mem>>, %arg14: memref<!tpu.dma_semaphore, #tpu.memory_space<semaphore_mem>>, %arg15: memref<!tpu.dma_semaphore, #tpu.memory_space<semaphore_mem>>, %arg16: memref<!tpu.dma_semaphore, #tpu.memory_space<semaphore_mem>>, %arg17: memref<!tpu.dma_semaphore, #tpu.memory_space<semaphore_mem>>, %arg18: memref<!tpu.dma_semaphore, #tpu.memory_space<semaphore_mem>>, %arg19: memref<!tpu.dma_semaphore, #tpu.memory_space<semaphore_mem>>, %arg20: memref<!tpu.dma_semaphore, #tpu.memory_space<semaphore_mem>>, %arg21: memref<!tpu.dma_semaphore, #tpu.memory_space<semaphore_mem>>, %arg22: memref<!tpu.dma_semaphore, #tpu.memory_space<semaphore_mem>>, %arg23: memref<!tpu.dma_semaphore, #tpu.memory_space<semaphore_mem>>, %arg24: memref<!tpu.dma_semaphore, #tpu.memory_space<semaphore_mem>>, %arg25: memref<!tpu.dma_semaphore, #tpu.memory_space<semaphore_mem>>) attributes {dimension_semantics = [#tpu.dimension_semantics<core_parallel>, #tpu.dimension_semantics<subcore_parallel>], iteration_bounds = array<i64: 2, 16>, scalar_prefetch = 0 : i64, scratch_operands = 20 : i64, tpu.core_type = #tpu.core_type<sc_vector_subcore>, window_params = [{transform_indices = #map}, {transform_indices = #map1}, {transform_indices = #map1}, {transform_indices = #map}]} {
    %mul3A = arith.constant 25088 : i32
    %mul3A_0 = arith.muli %arg0, %mul3A : i32
    %sub3A = arith.constant 50000 : i32
    %sub3A_1 = arith.subi %sub3A, %mul3A_0 : i32
    %min3A = arith.constant 25088 : i32
    %min3A_2 = arith.minsi %min3A, %sub3A_1 : i32
    %mul3A_3 = arith.constant 1568 : i32
    %mul3A_4 = arith.muli %arg1, %mul3A_3 : i32
    %mul3A_5 = arith.constant 50000 : i32
    %mul3A_6 = arith.muli %arg1, %mul3A_5 : i32
    %broadcast_in_dim3A = arith.constant 0.000000e+00 : f32
    %broadcast_in_dim3A_7 = vector.broadcast %broadcast_in_dim3A : f32 to vector<16xf32>
    %scan3A = arith.constant 0 : i32
    %scan3A_8 = arith.constant 0 : i32
    %scan3A_9 = arith.constant 80 : i32
    %scan3A_10 = arith.addi %scan3A_8, %scan3A_9 : i32
    %scan3A_11 = arith.constant 1 : i32
    scf.for %scan3A_820 = %scan3A_8 to %scan3A_10 step %scan3A_11  : i32 {
      %swap3A_821 = arith.constant 0 : i32
      %swap3A_822 = arith.index_cast %swap3A_821 : i32 to index
      %swap3A_823 = arith.index_cast %scan3A_820 : i32 to index
      %swap3A_824 = arith.constant 0 : index
      %swap3A_825 = tpu.vector_load %arg9[%swap3A_822, %swap3A_823, %swap3A_824] {strides = array<i32>} : memref<5x80x64xf32, #tpu.memory_space<vmem>>, vector<16xf32>,
      tpu.vector_store %arg9[%swap3A_822, %swap3A_823, %swap3A_824], %broadcast_in_dim3A_7 {strides = array<i32>} : memref<5x80x64xf32, #tpu.memory_space<vmem>>, vector<16xf32>,
      %swap3A_826 = arith.constant 0 : i32
      %swap3A_827 = arith.index_cast %swap3A_826 : i32 to index
      %swap3A_828 = arith.index_cast %scan3A_820 : i32 to index
      %swap3A_829 = arith.constant 16 : index
      %swap3A_830 = tpu.vector_load %arg9[%swap3A_827, %swap3A_828, %swap3A_829] {strides = array<i32>} : memref<5x80x64xf32, #tpu.memory_space<vmem>>, vector<16xf32>,
      tpu.vector_store %arg9[%swap3A_827, %swap3A_828, %swap3A_829], %broadcast_in_dim3A_7 {strides = array<i32>} : memref<5x80x64xf32, #tpu.memory_space<vmem>>, vector<16xf32>,
      %swap3A_831 = arith.constant 0 : i32
      %swap3A_832 = arith.index_cast %swap3A_831 : i32 to index
      %swap3A_833 = arith.index_cast %scan3A_820 : i32 to index
      %swap3A_834 = arith.constant 32 : index
      %swap3A_835 = tpu.vector_load %arg9[%swap3A_832, %swap3A_833, %swap3A_834] {strides = array<i32>} : memref<5x80x64xf32, #tpu.memory_space<vmem>>, vector<16xf32>,
      tpu.vector_store %arg9[%swap3A_832, %swap3A_833, %swap3A_834], %broadcast_in_dim3A_7 {strides = array<i32>} : memref<5x80x64xf32, #tpu.memory_space<vmem>>, vector<16xf32>,
      %swap3A_836 = arith.constant 0 : i32
      %swap3A_837 = arith.index_cast %swap3A_836 : i32 to index
      %swap3A_838 = arith.index_cast %scan3A_820 : i32 to index
      %swap3A_839 = arith.constant 48 : index
      %swap3A_840 = tpu.vector_load %arg9[%swap3A_837, %swap3A_838, %swap3A_839] {strides = array<i32>} : memref<5x80x64xf32, #tpu.memory_space<vmem>>, vector<16xf32>,
      tpu.vector_store %arg9[%swap3A_837, %swap3A_838, %swap3A_839], %broadcast_in_dim3A_7 {strides = array<i32>} : memref<5x80x64xf32, #tpu.memory_space<vmem>>, vector<16xf32>,
    }
    %scan3A_12 = arith.constant 80 : i32
    %add3A = arith.constant 0 : i32
    %add3A_13 = arith.addi %mul3A_4, %add3A : i32
    %dma_start3A = arith.constant 0 : i32
    %dma_start3A_14 = arith.constant 0 : i32
    %dma_start3A_15 = arith.constant 0 : i32
    %dma_start3A_16 = tpu.memref_slice %arg9[%dma_start3A, %dma_start3A_14, %dma_start3A_15] : memref<5x80x64xf32, #tpu.memory_space<vmem>> -> memref<1x80x64xf32, #tpu.memory_space<vmem>>
    %dma_start3A_17 = tpu.memref_squeeze %dma_start3A_16 : memref<1x80x64xf32, #tpu.memory_space<vmem>> -> memref<80x64xf32, #tpu.memory_space<vmem>>
    %dma_start3A_18 = arith.constant 0 : i32
    %dma_start3A_19 = tpu.memref_slice %arg12[%add3A_13, %dma_start3A_18] : memref<25096x64xf32, #tpu.memory_space<vmem_shared>> -> memref<80x64xf32, #tpu.memory_space<vmem_shared>>
    %dma_start3A_20 = arith.constant 0 : i32
    %dma_start3A_21 = tpu.memref_slice %arg12[%add3A_13, %dma_start3A_20] : memref<25096x64xf32, #tpu.memory_space<vmem_shared>> -> memref<80x64xf32, #tpu.memory_space<vmem_shared>>
    %dma_start3A_22 = arith.constant 0 : i32
    %dma_start3A_23 = arith.constant 0 : i32
    %dma_start3A_24 = tpu.memref_slice %arg9[%dma_start3A, %dma_start3A_22, %dma_start3A_23] : memref<5x80x64xf32, #tpu.memory_space<vmem>> -> memref<1x80x64xf32, #tpu.memory_space<vmem>>
    %dma_start3A_25 = tpu.memref_squeeze %dma_start3A_24 : memref<1x80x64xf32, #tpu.memory_space<vmem>> -> memref<80x64xf32, #tpu.memory_space<vmem>>
    tpu.enqueue_dma source(%dma_start3A_25 : memref<80x64xf32, #tpu.memory_space<vmem>>) target(%dma_start3A_21 : memref<80x64xf32, #tpu.memory_space<vmem_shared>>) target_semaphore(%arg15 : memref<!tpu.dma_semaphore, #tpu.memory_space<semaphore_mem>>)
    %add3A_26 = arith.constant 80 : i32
    %add3A_27 = arith.addi %mul3A_4, %add3A_26 : i32
    %dma_start3A_28 = arith.constant 0 : i32
    %dma_start3A_29 = arith.constant 0 : i32
    %dma_start3A_30 = arith.constant 0 : i32
    %dma_start3A_31 = tpu.memref_slice %arg9[%dma_start3A_28, %dma_start3A_29, %dma_start3A_30] : memref<5x80x64xf32, #tpu.memory_space<vmem>> -> memref<1x80x64xf32, #tpu.memory_space<vmem>>
    %dma_start3A_32 = tpu.memref_squeeze %dma_start3A_31 : memref<1x80x64xf32, #tpu.memory_space<vmem>> -> memref<80x64xf32, #tpu.memory_space<vmem>>
    %dma_start3A_33 = arith.constant 0 : i32
    %dma_start3A_34 = tpu.memref_slice %arg12[%add3A_27, %dma_start3A_33] : memref<25096x64xf32, #tpu.memory_space<vmem_shared>> -> memref<80x64xf32, #tpu.memory_space<vmem_shared>>
    %dma_start3A_35 = arith.constant 0 : i32
    %dma_start3A_36 = tpu.memref_slice %arg12[%add3A_27, %dma_start3A_35] : memref<25096x64xf32, #tpu.memory_space<vmem_shared>> -> memref<80x64xf32, #tpu.memory_space<vmem_shared>>
    %dma_start3A_37 = arith.constant 0 : i32
    %dma_start3A_38 = arith.constant 0 : i32
    %dma_start3A_39 = tpu.memref_slice %arg9[%dma_start3A_28, %dma_start3A_37, %dma_start3A_38] : memref<5x80x64xf32, #tpu.memory_space<vmem>> -> memref<1x80x64xf32, #tpu.memory_space<vmem>>
    %dma_start3A_40 = tpu.memref_squeeze %dma_start3A_39 : memref<1x80x64xf32, #tpu.memory_space<vmem>> -> memref<80x64xf32, #tpu.memory_space<vmem>>
    tpu.enqueue_dma source(%dma_start3A_40 : memref<80x64xf32, #tpu.memory_space<vmem>>) target(%dma_start3A_36 : memref<80x64xf32, #tpu.memory_space<vmem_shared>>) target_semaphore(%arg15 : memref<!tpu.dma_semaphore, #tpu.memory_space<semaphore_mem>>)
    %add3A_41 = arith.constant 160 : i32
    %add3A_42 = arith.addi %mul3A_4, %add3A_41 : i32
    %dma_start3A_43 = arith.constant 0 : i32
    %dma_start3A_44 = arith.constant 0 : i32
    %dma_start3A_45 = arith.constant 0 : i32
    %dma_start3A_46 = tpu.memref_slice %arg9[%dma_start3A_43, %dma_start3A_44, %dma_start3A_45] : memref<5x80x64xf32, #tpu.memory_space<vmem>> -> memref<1x80x64xf32, #tpu.memory_space<vmem>>
    %dma_start3A_47 = tpu.memref_squeeze %dma_start3A_46 : memref<1x80x64xf32, #tpu.memory_space<vmem>> -> memref<80x64xf32, #tpu.memory_space<vmem>>
    %dma_start3A_48 = arith.constant 0 : i32
    %dma_start3A_49 = tpu.memref_slice %arg12[%add3A_42, %dma_start3A_48] : memref<25096x64xf32, #tpu.memory_space<vmem_shared>> -> memref<80x64xf32, #tpu.memory_space<vmem_shared>>
    %dma_start3A_50 = arith.constant 0 : i32
    %dma_start3A_51 = tpu.memref_slice %arg12[%add3A_42, %dma_start3A_50] : memref<25096x64xf32, #tpu.memory_space<vmem_shared>> -> memref<80x64xf32, #tpu.memory_space<vmem_shared>>
    %dma_start3A_52 = arith.constant 0 : i32
    %dma_start3A_53 = arith.constant 0 : i32
    %dma_start3A_54 = tpu.memref_slice %arg9[%dma_start3A_43, %dma_start3A_52, %dma_start3A_53] : memref<5x80x64xf32, #tpu.memory_space<vmem>> -> memref<1x80x64xf32, #tpu.memory_space<vmem>>
    %dma_start3A_55 = tpu.memref_squeeze %dma_start3A_54 : memref<1x80x64xf32, #tpu.memory_space<vmem>> -> memref<80x64xf32, #tpu.memory_space<vmem>>
    tpu.enqueue_dma source(%dma_start3A_55 : memref<80x64xf32, #tpu.memory_space<vmem>>) target(%dma_start3A_51 : memref<80x64xf32, #tpu.memory_space<vmem_shared>>) target_semaphore(%arg15 : memref<!tpu.dma_semaphore, #tpu.memory_space<semaphore_mem>>)
    %add3A_56 = arith.constant 240 : i32
    %add3A_57 = arith.addi %mul3A_4, %add3A_56 : i32
    %dma_start3A_58 = arith.constant 0 : i32
    %dma_start3A_59 = arith.constant 0 : i32
    %dma_start3A_60 = arith.constant 0 : i32
    %dma_start3A_61 = tpu.memref_slice %arg9[%dma_start3A_58, %dma_start3A_59, %dma_start3A_60] : memref<5x80x64xf32, #tpu.memory_space<vmem>> -> memref<1x80x64xf32, #tpu.memory_space<vmem>>
    %dma_start3A_62 = tpu.memref_squeeze %dma_start3A_61 : memref<1x80x64xf32, #tpu.memory_space<vmem>> -> memref<80x64xf32, #tpu.memory_space<vmem>>
    %dma_start3A_63 = arith.constant 0 : i32
    %dma_start3A_64 = tpu.memref_slice %arg12[%add3A_57, %dma_start3A_63] : memref<25096x64xf32, #tpu.memory_space<vmem_shared>> -> memref<80x64xf32, #tpu.memory_space<vmem_shared>>
    %dma_start3A_65 = arith.constant 0 : i32
    %dma_start3A_66 = tpu.memref_slice %arg12[%add3A_57, %dma_start3A_65] : memref<25096x64xf32, #tpu.memory_space<vmem_shared>> -> memref<80x64xf32, #tpu.memory_space<vmem_shared>>
    %dma_start3A_67 = arith.constant 0 : i32
    %dma_start3A_68 = arith.constant 0 : i32
    %dma_start3A_69 = tpu.memref_slice %arg9[%dma_start3A_58, %dma_start3A_67, %dma_start3A_68] : memref<5x80x64xf32, #tpu.memory_space<vmem>> -> memref<1x80x64xf32, #tpu.memory_space<vmem>>
    %dma_start3A_70 = tpu.memref_squeeze %dma_start3A_69 : memref<1x80x64xf32, #tpu.memory_space<vmem>> -> memref<80x64xf32, #tpu.memory_space<vmem>>
    tpu.enqueue_dma source(%dma_start3A_70 : memref<80x64xf32, #tpu.memory_space<vmem>>) target(%dma_start3A_66 : memref<80x64xf32, #tpu.memory_space<vmem_shared>>) target_semaphore(%arg15 : memref<!tpu.dma_semaphore, #tpu.memory_space<semaphore_mem>>)
    %add3A_71 = arith.constant 320 : i32
    %add3A_72 = arith.addi %mul3A_4, %add3A_71 : i32
    %dma_start3A_73 = arith.constant 0 : i32
    %dma_start3A_74 = arith.constant 0 : i32
    %dma_start3A_75 = arith.constant 0 : i32
    %dma_start3A_76 = tpu.memref_slice %arg9[%dma_start3A_73, %dma_start3A_74, %dma_start3A_75] : memref<5x80x64xf32, #tpu.memory_space<vmem>> -> memref<1x80x64xf32, #tpu.memory_space<vmem>>
    %dma_start3A_77 = tpu.memref_squeeze %dma_start3A_76 : memref<1x80x64xf32, #tpu.memory_space<vmem>> -> memref<80x64xf32, #tpu.memory_space<vmem>>
    %dma_start3A_78 = arith.constant 0 : i32
    %dma_start3A_79 = tpu.memref_slice %arg12[%add3A_72, %dma_start3A_78] : memref<25096x64xf32, #tpu.memory_space<vmem_shared>> -> memref<80x64xf32, #tpu.memory_space<vmem_shared>>
    %dma_start3A_80 = arith.constant 0 : i32
    %dma_start3A_81 = tpu.memref_slice %arg12[%add3A_72, %dma_start3A_80] : memref<25096x64xf32, #tpu.memory_space<vmem_shared>> -> memref<80x64xf32, #tpu.memory_space<vmem_shared>>
    %dma_start3A_82 = arith.constant 0 : i32
    %dma_start3A_83 = arith.constant 0 : i32
    %dma_start3A_84 = tpu.memref_slice %arg9[%dma_start3A_73, %dma_start3A_82, %dma_start3A_83] : memref<5x80x64xf32, #tpu.memory_space<vmem>> -> memref<1x80x64xf32, #tpu.memory_space<vmem>>
    %dma_start3A_85 = tpu.memref_squeeze %dma_start3A_84 : memref<1x80x64xf32, #tpu.memory_space<vmem>> -> memref<80x64xf32, #tpu.memory_space<vmem>>
    tpu.enqueue_dma source(%dma_start3A_85 : memref<80x64xf32, #tpu.memory_space<vmem>>) target(%dma_start3A_81 : memref<80x64xf32, #tpu.memory_space<vmem_shared>>) target_semaphore(%arg15 : memref<!tpu.dma_semaphore, #tpu.memory_space<semaphore_mem>>)
    %add3A_86 = arith.constant 400 : i32
    %add3A_87 = arith.addi %mul3A_4, %add3A_86 : i32
    %dma_start3A_88 = arith.constant 0 : i32
    %dma_start3A_89 = arith.constant 0 : i32
    %dma_start3A_90 = arith.constant 0 : i32
    %dma_start3A_91 = tpu.memref_slice %arg9[%dma_start3A_88, %dma_start3A_89, %dma_start3A_90] : memref<5x80x64xf32, #tpu.memory_space<vmem>> -> memref<1x80x64xf32, #tpu.memory_space<vmem>>
    %dma_start3A_92 = tpu.memref_squeeze %dma_start3A_91 : memref<1x80x64xf32, #tpu.memory_space<vmem>> -> memref<80x64xf32, #tpu.memory_space<vmem>>
    %dma_start3A_93 = arith.constant 0 : i32
    %dma_start3A_94 = tpu.memref_slice %arg12[%add3A_87, %dma_start3A_93] : memref<25096x64xf32, #tpu.memory_space<vmem_shared>> -> memref<80x64xf32, #tpu.memory_space<vmem_shared>>
    %dma_start3A_95 = arith.constant 0 : i32
    %dma_start3A_96 = tpu.memref_slice %arg12[%add3A_87, %dma_start3A_95] : memref<25096x64xf32, #tpu.memory_space<vmem_shared>> -> memref<80x64xf32, #tpu.memory_space<vmem_shared>>
    %dma_start3A_97 = arith.constant 0 : i32
    %dma_start3A_98 = arith.constant 0 : i32
    %dma_start3A_99 = tpu.memref_slice %arg9[%dma_start3A_88, %dma_start3A_97, %dma_start3A_98] : memref<5x80x64xf32, #tpu.memory_space<vmem>> -> memref<1x80x64xf32, #tpu.memory_space<vmem>>
    %dma_start3A_100 = tpu.memref_squeeze %dma_start3A_99 : memref<1x80x64xf32, #tpu.memory_space<vmem>> -> memref<80x64xf32, #tpu.memory_space<vmem>>
    tpu.enqueue_dma source(%dma_start3A_100 : memref<80x64xf32, #tpu.memory_space<vmem>>) target(%dma_start3A_96 : memref<80x64xf32, #tpu.memory_space<vmem_shared>>) target_semaphore(%arg15 : memref<!tpu.dma_semaphore, #tpu.memory_space<semaphore_mem>>)
    %add3A_101 = arith.constant 480 : i32
    %add3A_102 = arith.addi %mul3A_4, %add3A_101 : i32
    %dma_start3A_103 = arith.constant 0 : i32
    %dma_start3A_104 = arith.constant 0 : i32
    %dma_start3A_105 = arith.constant 0 : i32
    %dma_start3A_106 = tpu.memref_slice %arg9[%dma_start3A_103, %dma_start3A_104, %dma_start3A_105] : memref<5x80x64xf32, #tpu.memory_space<vmem>> -> memref<1x80x64xf32, #tpu.memory_space<vmem>>
    %dma_start3A_107 = tpu.memref_squeeze %dma_start3A_106 : memref<1x80x64xf32, #tpu.memory_space<vmem>> -> memref<80x64xf32, #tpu.memory_space<vmem>>
    %dma_start3A_108 = arith.constant 0 : i32
    %dma_start3A_109 = tpu.memref_slice %arg12[%add3A_102, %dma_start3A_108] : memref<25096x64xf32, #tpu.memory_space<vmem_shared>> -> memref<80x64xf32, #tpu.memory_space<vmem_shared>>
    %dma_start3A_110 = arith.constant 0 : i32
    %dma_start3A_111 = tpu.memref_slice %arg12[%add3A_102, %dma_start3A_110] : memref<25096x64xf32, #tpu.memory_space<vmem_shared>> -> memref<80x64xf32, #tpu.memory_space<vmem_shared>>
    %dma_start3A_112 = arith.constant 0 : i32
    %dma_start3A_113 = arith.constant 0 : i32
    %dma_start3A_114 = tpu.memref_slice %arg9[%dma_start3A_103, %dma_start3A_112, %dma_start3A_113] : memref<5x80x64xf32, #tpu.memory_space<vmem>> -> memref<1x80x64xf32, #tpu.memory_space<vmem>>
    %dma_start3A_115 = tpu.memref_squeeze %dma_start3A_114 : memref<1x80x64xf32, #tpu.memory_space<vmem>> -> memref<80x64xf32, #tpu.memory_space<vmem>>
    tpu.enqueue_dma source(%dma_start3A_115 : memref<80x64xf32, #tpu.memory_space<vmem>>) target(%dma_start3A_111 : memref<80x64xf32, #tpu.memory_space<vmem_shared>>) target_semaphore(%arg15 : memref<!tpu.dma_semaphore, #tpu.memory_space<semaphore_mem>>)
    %add3A_116 = arith.constant 560 : i32
    %add3A_117 = arith.addi %mul3A_4, %add3A_116 : i32
    %dma_start3A_118 = arith.constant 0 : i32
    %dma_start3A_119 = arith.constant 0 : i32
    %dma_start3A_120 = arith.constant 0 : i32
    %dma_start3A_121 = tpu.memref_slice %arg9[%dma_start3A_118, %dma_start3A_119, %dma_start3A_120] : memref<5x80x64xf32, #tpu.memory_space<vmem>> -> memref<1x80x64xf32, #tpu.memory_space<vmem>>
    %dma_start3A_122 = tpu.memref_squeeze %dma_start3A_121 : memref<1x80x64xf32, #tpu.memory_space<vmem>> -> memref<80x64xf32, #tpu.memory_space<vmem>>
    %dma_start3A_123 = arith.constant 0 : i32
    %dma_start3A_124 = tpu.memref_slice %arg12[%add3A_117, %dma_start3A_123] : memref<25096x64xf32, #tpu.memory_space<vmem_shared>> -> memref<80x64xf32, #tpu.memory_space<vmem_shared>>
    %dma_start3A_125 = arith.constant 0 : i32
    %dma_start3A_126 = tpu.memref_slice %arg12[%add3A_117, %dma_start3A_125] : memref<25096x64xf32, #tpu.memory_space<vmem_shared>> -> memref<80x64xf32, #tpu.memory_space<vmem_shared>>
    %dma_start3A_127 = arith.constant 0 : i32
    %dma_start3A_128 = arith.constant 0 : i32
    %dma_start3A_129 = tpu.memref_slice %arg9[%dma_start3A_118, %dma_start3A_127, %dma_start3A_128] : memref<5x80x64xf32, #tpu.memory_space<vmem>> -> memref<1x80x64xf32, #tpu.memory_space<vmem>>
    %dma_start3A_130 = tpu.memref_squeeze %dma_start3A_129 : memref<1x80x64xf32, #tpu.memory_space<vmem>> -> memref<80x64xf32, #tpu.memory_space<vmem>>
    tpu.enqueue_dma source(%dma_start3A_130 : memref<80x64xf32, #tpu.memory_space<vmem>>) target(%dma_start3A_126 : memref<80x64xf32, #tpu.memory_space<vmem_shared>>) target_semaphore(%arg15 : memref<!tpu.dma_semaphore, #tpu.memory_space<semaphore_mem>>)
    %add3A_131 = arith.constant 640 : i32
    %add3A_132 = arith.addi %mul3A_4, %add3A_131 : i32
    %dma_start3A_133 = arith.constant 0 : i32
    %dma_start3A_134 = arith.constant 0 : i32
    %dma_start3A_135 = arith.constant 0 : i32
    %dma_start3A_136 = tpu.memref_slice %arg9[%dma_start3A_133, %dma_start3A_134, %dma_start3A_135] : memref<5x80x64xf32, #tpu.memory_space<vmem>> -> memref<1x80x64xf32, #tpu.memory_space<vmem>>
    %dma_start3A_137 = tpu.memref_squeeze %dma_start3A_136 : memref<1x80x64xf32, #tpu.memory_space<vmem>> -> memref<80x64xf32, #tpu.memory_space<vmem>>
    %dma_start3A_138 = arith.constant 0 : i32
    %dma_start3A_139 = tpu.memref_slice %arg12[%add3A_132, %dma_start3A_138] : memref<25096x64xf32, #tpu.memory_space<vmem_shared>> -> memref<80x64xf32, #tpu.memory_space<vmem_shared>>
    %dma_start3A_140 = arith.constant 0 : i32
    %dma_start3A_141 = tpu.memref_slice %arg12[%add3A_132, %dma_start3A_140] : memref<25096x64xf32, #tpu.memory_space<vmem_shared>> -> memref<80x64xf32, #tpu.memory_space<vmem_shared>>
    %dma_start3A_142 = arith.constant 0 : i32
    %dma_start3A_143 = arith.constant 0 : i32
    %dma_start3A_144 = tpu.memref_slice %arg9[%dma_start3A_133, %dma_start3A_142, %dma_start3A_143] : memref<5x80x64xf32, #tpu.memory_space<vmem>> -> memref<1x80x64xf32, #tpu.memory_space<vmem>>
    %dma_start3A_145 = tpu.memref_squeeze %dma_start3A_144 : memref<1x80x64xf32, #tpu.memory_space<vmem>> -> memref<80x64xf32, #tpu.memory_space<vmem>>
    tpu.enqueue_dma source(%dma_start3A_145 : memref<80x64xf32, #tpu.memory_space<vmem>>) target(%dma_start3A_141 : memref<80x64xf32, #tpu.memory_space<vmem_shared>>) target_semaphore(%arg15 : memref<!tpu.dma_semaphore, #tpu.memory_space<semaphore_mem>>)
    %add3A_146 = arith.constant 720 : i32
    %add3A_147 = arith.addi %mul3A_4, %add3A_146 : i32
    %dma_start3A_148 = arith.constant 0 : i32
    %dma_start3A_149 = arith.constant 0 : i32
    %dma_start3A_150 = arith.constant 0 : i32
    %dma_start3A_151 = tpu.memref_slice %arg9[%dma_start3A_148, %dma_start3A_149, %dma_start3A_150] : memref<5x80x64xf32, #tpu.memory_space<vmem>> -> memref<1x80x64xf32, #tpu.memory_space<vmem>>
    %dma_start3A_152 = tpu.memref_squeeze %dma_start3A_151 : memref<1x80x64xf32, #tpu.memory_space<vmem>> -> memref<80x64xf32, #tpu.memory_space<vmem>>
    %dma_start3A_153 = arith.constant 0 : i32
    %dma_start3A_154 = tpu.memref_slice %arg12[%add3A_147, %dma_start3A_153] : memref<25096x64xf32, #tpu.memory_space<vmem_shared>> -> memref<80x64xf32, #tpu.memory_space<vmem_shared>>
    %dma_start3A_155 = arith.constant 0 : i32
    %dma_start3A_156 = tpu.memref_slice %arg12[%add3A_147, %dma_start3A_155] : memref<25096x64xf32, #tpu.memory_space<vmem_shared>> -> memref<80x64xf32, #tpu.memory_space<vmem_shared>>
    %dma_start3A_157 = arith.constant 0 : i32
    %dma_start3A_158 = arith.constant 0 : i32
    %dma_start3A_159 = tpu.memref_slice %arg9[%dma_start3A_148, %dma_start3A_157, %dma_start3A_158] : memref<5x80x64xf32, #tpu.memory_space<vmem>> -> memref<1x80x64xf32, #tpu.memory_space<vmem>>
    %dma_start3A_160 = tpu.memref_squeeze %dma_start3A_159 : memref<1x80x64xf32, #tpu.memory_space<vmem>> -> memref<80x64xf32, #tpu.memory_space<vmem>>
    tpu.enqueue_dma source(%dma_start3A_160 : memref<80x64xf32, #tpu.memory_space<vmem>>) target(%dma_start3A_156 : memref<80x64xf32, #tpu.memory_space<vmem_shared>>) target_semaphore(%arg15 : memref<!tpu.dma_semaphore, #tpu.memory_space<semaphore_mem>>)
    %add3A_161 = arith.constant 800 : i32
    %add3A_162 = arith.addi %mul3A_4, %add3A_161 : i32
    %dma_start3A_163 = arith.constant 0 : i32
    %dma_start3A_164 = arith.constant 0 : i32
    %dma_start3A_165 = arith.constant 0 : i32
    %dma_start3A_166 = tpu.memref_slice %arg9[%dma_start3A_163, %dma_start3A_164, %dma_start3A_165] : memref<5x80x64xf32, #tpu.memory_space<vmem>> -> memref<1x80x64xf32, #tpu.memory_space<vmem>>
    %dma_start3A_167 = tpu.memref_squeeze %dma_start3A_166 : memref<1x80x64xf32, #tpu.memory_space<vmem>> -> memref<80x64xf32, #tpu.memory_space<vmem>>
    %dma_start3A_168 = arith.constant 0 : i32
    %dma_start3A_169 = tpu.memref_slice %arg12[%add3A_162, %dma_start3A_168] : memref<25096x64xf32, #tpu.memory_space<vmem_shared>> -> memref<80x64xf32, #tpu.memory_space<vmem_shared>>
    %dma_start3A_170 = arith.constant 0 : i32
    %dma_start3A_171 = tpu.memref_slice %arg12[%add3A_162, %dma_start3A_170] : memref<25096x64xf32, #tpu.memory_space<vmem_shared>> -> memref<80x64xf32, #tpu.memory_space<vmem_shared>>
    %dma_start3A_172 = arith.constant 0 : i32
    %dma_start3A_173 = arith.constant 0 : i32
    %dma_start3A_174 = tpu.memref_slice %arg9[%dma_start3A_163, %dma_start3A_172, %dma_start3A_173] : memref<5x80x64xf32, #tpu.memory_space<vmem>> -> memref<1x80x64xf32, #tpu.memory_space<vmem>>
    %dma_start3A_175 = tpu.memref_squeeze %dma_start3A_174 : memref<1x80x64xf32, #tpu.memory_space<vmem>> -> memref<80x64xf32, #tpu.memory_space<vmem>>
    tpu.enqueue_dma source(%dma_start3A_175 : memref<80x64xf32, #tpu.memory_space<vmem>>) target(%dma_start3A_171 : memref<80x64xf32, #tpu.memory_space<vmem_shared>>) target_semaphore(%arg15 : memref<!tpu.dma_semaphore, #tpu.memory_space<semaphore_mem>>)
    %add3A_176 = arith.constant 880 : i32
    %add3A_177 = arith.addi %mul3A_4, %add3A_176 : i32
    %dma_start3A_178 = arith.constant 0 : i32
    %dma_start3A_179 = arith.constant 0 : i32
    %dma_start3A_180 = arith.constant 0 : i32
    %dma_start3A_181 = tpu.memref_slice %arg9[%dma_start3A_178, %dma_start3A_179, %dma_start3A_180] : memref<5x80x64xf32, #tpu.memory_space<vmem>> -> memref<1x80x64xf32, #tpu.memory_space<vmem>>
    %dma_start3A_182 = tpu.memref_squeeze %dma_start3A_181 : memref<1x80x64xf32, #tpu.memory_space<vmem>> -> memref<80x64xf32, #tpu.memory_space<vmem>>
    %dma_start3A_183 = arith.constant 0 : i32
    %dma_start3A_184 = tpu.memref_slice %arg12[%add3A_177, %dma_start3A_183] : memref<25096x64xf32, #tpu.memory_space<vmem_shared>> -> memref<80x64xf32, #tpu.memory_space<vmem_shared>>
    %dma_start3A_185 = arith.constant 0 : i32
    %dma_start3A_186 = tpu.memref_slice %arg12[%add3A_177, %dma_start3A_185] : memref<25096x64xf32, #tpu.memory_space<vmem_shared>> -> memref<80x64xf32, #tpu.memory_space<vmem_shared>>
    %dma_start3A_187 = arith.constant 0 : i32
    %dma_start3A_188 = arith.constant 0 : i32
    %dma_start3A_189 = tpu.memref_slice %arg9[%dma_start3A_178, %dma_start3A_187, %dma_start3A_188] : memref<5x80x64xf32, #tpu.memory_space<vmem>> -> memref<1x80x64xf32, #tpu.memory_space<vmem>>
    %dma_start3A_190 = tpu.memref_squeeze %dma_start3A_189 : memref<1x80x64xf32, #tpu.memory_space<vmem>> -> memref<80x64xf32, #tpu.memory_space<vmem>>
    tpu.enqueue_dma source(%dma_start3A_190 : memref<80x64xf32, #tpu.memory_space<vmem>>) target(%dma_start3A_186 : memref<80x64xf32, #tpu.memory_space<vmem_shared>>) target_semaphore(%arg15 : memref<!tpu.dma_semaphore, #tpu.memory_space<semaphore_mem>>)
    %add3A_191 = arith.constant 960 : i32
    %add3A_192 = arith.addi %mul3A_4, %add3A_191 : i32
    %dma_start3A_193 = arith.constant 0 : i32
    %dma_start3A_194 = arith.constant 0 : i32
    %dma_start3A_195 = arith.constant 0 : i32
    %dma_start3A_196 = tpu.memref_slice %arg9[%dma_start3A_193, %dma_start3A_194, %dma_start3A_195] : memref<5x80x64xf32, #tpu.memory_space<vmem>> -> memref<1x80x64xf32, #tpu.memory_space<vmem>>
    %dma_start3A_197 = tpu.memref_squeeze %dma_start3A_196 : memref<1x80x64xf32, #tpu.memory_space<vmem>> -> memref<80x64xf32, #tpu.memory_space<vmem>>
    %dma_start3A_198 = arith.constant 0 : i32
    %dma_start3A_199 = tpu.memref_slice %arg12[%add3A_192, %dma_start3A_198] : memref<25096x64xf32, #tpu.memory_space<vmem_shared>> -> memref<80x64xf32, #tpu.memory_space<vmem_shared>>
    %dma_start3A_200 = arith.constant 0 : i32
    %dma_start3A_201 = tpu.memref_slice %arg12[%add3A_192, %dma_start3A_200] : memref<25096x64xf32, #tpu.memory_space<vmem_shared>> -> memref<80x64xf32, #tpu.memory_space<vmem_shared>>
    %dma_start3A_202 = arith.constant 0 : i32
    %dma_start3A_203 = arith.constant 0 : i32
    %dma_start3A_204 = tpu.memref_slice %arg9[%dma_start3A_193, %dma_start3A_202, %dma_start3A_203] : memref<5x80x64xf32, #tpu.memory_space<vmem>> -> memref<1x80x64xf32, #tpu.memory_space<vmem>>
    %dma_start3A_205 = tpu.memref_squeeze %dma_start3A_204 : memref<1x80x64xf32, #tpu.memory_space<vmem>> -> memref<80x64xf32, #tpu.memory_space<vmem>>
    tpu.enqueue_dma source(%dma_start3A_205 : memref<80x64xf32, #tpu.memory_space<vmem>>) target(%dma_start3A_201 : memref<80x64xf32, #tpu.memory_space<vmem_shared>>) target_semaphore(%arg15 : memref<!tpu.dma_semaphore, #tpu.memory_space<semaphore_mem>>)
    %add3A_206 = arith.constant 1040 : i32
    %add3A_207 = arith.addi %mul3A_4, %add3A_206 : i32
    %dma_start3A_208 = arith.constant 0 : i32
    %dma_start3A_209 = arith.constant 0 : i32
    %dma_start3A_210 = arith.constant 0 : i32
    %dma_start3A_211 = tpu.memref_slice %arg9[%dma_start3A_208, %dma_start3A_209, %dma_start3A_210] : memref<5x80x64xf32, #tpu.memory_space<vmem>> -> memref<1x80x64xf32, #tpu.memory_space<vmem>>
    %dma_start3A_212 = tpu.memref_squeeze %dma_start3A_211 : memref<1x80x64xf32, #tpu.memory_space<vmem>> -> memref<80x64xf32, #tpu.memory_space<vmem>>
    %dma_start3A_213 = arith.constant 0 : i32
    %dma_start3A_214 = tpu.memref_slice %arg12[%add3A_207, %dma_start3A_213] : memref<25096x64xf32, #tpu.memory_space<vmem_shared>> -> memref<80x64xf32, #tpu.memory_space<vmem_shared>>
    %dma_start3A_215 = arith.constant 0 : i32
    %dma_start3A_216 = tpu.memref_slice %arg12[%add3A_207, %dma_start3A_215] : memref<25096x64xf32, #tpu.memory_space<vmem_shared>> -> memref<80x64xf32, #tpu.memory_space<vmem_shared>>
    %dma_start3A_217 = arith.constant 0 : i32
    %dma_start3A_218 = arith.constant 0 : i32
    %dma_start3A_219 = tpu.memref_slice %arg9[%dma_start3A_208, %dma_start3A_217, %dma_start3A_218] : memref<5x80x64xf32, #tpu.memory_space<vmem>> -> memref<1x80x64xf32, #tpu.memory_space<vmem>>
    %dma_start3A_220 = tpu.memref_squeeze %dma_start3A_219 : memref<1x80x64xf32, #tpu.memory_space<vmem>> -> memref<80x64xf32, #tpu.memory_space<vmem>>
    tpu.enqueue_dma source(%dma_start3A_220 : memref<80x64xf32, #tpu.memory_space<vmem>>) target(%dma_start3A_216 : memref<80x64xf32, #tpu.memory_space<vmem_shared>>) target_semaphore(%arg15 : memref<!tpu.dma_semaphore, #tpu.memory_space<semaphore_mem>>)
    %add3A_221 = arith.constant 1120 : i32
    %add3A_222 = arith.addi %mul3A_4, %add3A_221 : i32
    %dma_start3A_223 = arith.constant 0 : i32
    %dma_start3A_224 = arith.constant 0 : i32
    %dma_start3A_225 = arith.constant 0 : i32
    %dma_start3A_226 = tpu.memref_slice %arg9[%dma_start3A_223, %dma_start3A_224, %dma_start3A_225] : memref<5x80x64xf32, #tpu.memory_space<vmem>> -> memref<1x80x64xf32, #tpu.memory_space<vmem>>
    %dma_start3A_227 = tpu.memref_squeeze %dma_start3A_226 : memref<1x80x64xf32, #tpu.memory_space<vmem>> -> memref<80x64xf32, #tpu.memory_space<vmem>>
    %dma_start3A_228 = arith.constant 0 : i32
    %dma_start3A_229 = tpu.memref_slice %arg12[%add3A_222, %dma_start3A_228] : memref<25096x64xf32, #tpu.memory_space<vmem_shared>> -> memref<80x64xf32, #tpu.memory_space<vmem_shared>>
    %dma_start3A_230 = arith.constant 0 : i32
    %dma_start3A_231 = tpu.memref_slice %arg12[%add3A_222, %dma_start3A_230] : memref<25096x64xf32, #tpu.memory_space<vmem_shared>> -> memref<80x64xf32, #tpu.memory_space<vmem_shared>>
    %dma_start3A_232 = arith.constant 0 : i32
    %dma_start3A_233 = arith.constant 0 : i32
    %dma_start3A_234 = tpu.memref_slice %arg9[%dma_start3A_223, %dma_start3A_232, %dma_start3A_233] : memref<5x80x64xf32, #tpu.memory_space<vmem>> -> memref<1x80x64xf32, #tpu.memory_space<vmem>>
    %dma_start3A_235 = tpu.memref_squeeze %dma_start3A_234 : memref<1x80x64xf32, #tpu.memory_space<vmem>> -> memref<80x64xf32, #tpu.memory_space<vmem>>
    tpu.enqueue_dma source(%dma_start3A_235 : memref<80x64xf32, #tpu.memory_space<vmem>>) target(%dma_start3A_231 : memref<80x64xf32, #tpu.memory_space<vmem_shared>>) target_semaphore(%arg15 : memref<!tpu.dma_semaphore, #tpu.memory_space<semaphore_mem>>)
    %add3A_236 = arith.constant 1200 : i32
    %add3A_237 = arith.addi %mul3A_4, %add3A_236 : i32
    %dma_start3A_238 = arith.constant 0 : i32
    %dma_start3A_239 = arith.constant 0 : i32
    %dma_start3A_240 = arith.constant 0 : i32
    %dma_start3A_241 = tpu.memref_slice %arg9[%dma_start3A_238, %dma_start3A_239, %dma_start3A_240] : memref<5x80x64xf32, #tpu.memory_space<vmem>> -> memref<1x80x64xf32, #tpu.memory_space<vmem>>
    %dma_start3A_242 = tpu.memref_squeeze %dma_start3A_241 : memref<1x80x64xf32, #tpu.memory_space<vmem>> -> memref<80x64xf32, #tpu.memory_space<vmem>>
    %dma_start3A_243 = arith.constant 0 : i32
    %dma_start3A_244 = tpu.memref_slice %arg12[%add3A_237, %dma_start3A_243] : memref<25096x64xf32, #tpu.memory_space<vmem_shared>> -> memref<80x64xf32, #tpu.memory_space<vmem_shared>>
    %dma_start3A_245 = arith.constant 0 : i32
    %dma_start3A_246 = tpu.memref_slice %arg12[%add3A_237, %dma_start3A_245] : memref<25096x64xf32, #tpu.memory_space<vmem_shared>> -> memref<80x64xf32, #tpu.memory_space<vmem_shared>>
    %dma_start3A_247 = arith.constant 0 : i32
    %dma_start3A_248 = arith.constant 0 : i32
    %dma_start3A_249 = tpu.memref_slice %arg9[%dma_start3A_238, %dma_start3A_247, %dma_start3A_248] : memref<5x80x64xf32, #tpu.memory_space<vmem>> -> memref<1x80x64xf32, #tpu.memory_space<vmem>>
    %dma_start3A_250 = tpu.memref_squeeze %dma_start3A_249 : memref<1x80x64xf32, #tpu.memory_space<vmem>> -> memref<80x64xf32, #tpu.memory_space<vmem>>
    tpu.enqueue_dma source(%dma_start3A_250 : memref<80x64xf32, #tpu.memory_space<vmem>>) target(%dma_start3A_246 : memref<80x64xf32, #tpu.memory_space<vmem_shared>>) target_semaphore(%arg15 : memref<!tpu.dma_semaphore, #tpu.memory_space<semaphore_mem>>)
    %add3A_251 = arith.constant 1280 : i32
    %add3A_252 = arith.addi %mul3A_4, %add3A_251 : i32
    %dma_start3A_253 = arith.constant 0 : i32
    %dma_start3A_254 = arith.constant 0 : i32
    %dma_start3A_255 = arith.constant 0 : i32
    %dma_start3A_256 = tpu.memref_slice %arg9[%dma_start3A_253, %dma_start3A_254, %dma_start3A_255] : memref<5x80x64xf32, #tpu.memory_space<vmem>> -> memref<1x80x64xf32, #tpu.memory_space<vmem>>
    %dma_start3A_257 = tpu.memref_squeeze %dma_start3A_256 : memref<1x80x64xf32, #tpu.memory_space<vmem>> -> memref<80x64xf32, #tpu.memory_space<vmem>>
    %dma_start3A_258 = arith.constant 0 : i32
    %dma_start3A_259 = tpu.memref_slice %arg12[%add3A_252, %dma_start3A_258] : memref<25096x64xf32, #tpu.memory_space<vmem_shared>> -> memref<80x64xf32, #tpu.memory_space<vmem_shared>>
    %dma_start3A_260 = arith.constant 0 : i32
    %dma_start3A_261 = tpu.memref_slice %arg12[%add3A_252, %dma_start3A_260] : memref<25096x64xf32, #tpu.memory_space<vmem_shared>> -> memref<80x64xf32, #tpu.memory_space<vmem_shared>>
    %dma_start3A_262 = arith.constant 0 : i32
    %dma_start3A_263 = arith.constant 0 : i32
    %dma_start3A_264 = tpu.memref_slice %arg9[%dma_start3A_253, %dma_start3A_262, %dma_start3A_263] : memref<5x80x64xf32, #tpu.memory_space<vmem>> -> memref<1x80x64xf32, #tpu.memory_space<vmem>>
    %dma_start3A_265 = tpu.memref_squeeze %dma_start3A_264 : memref<1x80x64xf32, #tpu.memory_space<vmem>> -> memref<80x64xf32, #tpu.memory_space<vmem>>
    tpu.enqueue_dma source(%dma_start3A_265 : memref<80x64xf32, #tpu.memory_space<vmem>>) target(%dma_start3A_261 : memref<80x64xf32, #tpu.memory_space<vmem_shared>>) target_semaphore(%arg15 : memref<!tpu.dma_semaphore, #tpu.memory_space<semaphore_mem>>)
    %add3A_266 = arith.constant 1360 : i32
    %add3A_267 = arith.addi %mul3A_4, %add3A_266 : i32
    %dma_start3A_268 = arith.constant 0 : i32
    %dma_start3A_269 = arith.constant 0 : i32
    %dma_start3A_270 = arith.constant 0 : i32
    %dma_start3A_271 = tpu.memref_slice %arg9[%dma_start3A_268, %dma_start3A_269, %dma_start3A_270] : memref<5x80x64xf32, #tpu.memory_space<vmem>> -> memref<1x80x64xf32, #tpu.memory_space<vmem>>
    %dma_start3A_272 = tpu.memref_squeeze %dma_start3A_271 : memref<1x80x64xf32, #tpu.memory_space<vmem>> -> memref<80x64xf32, #tpu.memory_space<vmem>>
    %dma_start3A_273 = arith.constant 0 : i32
    %dma_start3A_274 = tpu.memref_slice %arg12[%add3A_267, %dma_start3A_273] : memref<25096x64xf32, #tpu.memory_space<vmem_shared>> -> memref<80x64xf32, #tpu.memory_space<vmem_shared>>
    %dma_start3A_275 = arith.constant 0 : i32
    %dma_start3A_276 = tpu.memref_slice %arg12[%add3A_267, %dma_start3A_275] : memref<25096x64xf32, #tpu.memory_space<vmem_shared>> -> memref<80x64xf32, #tpu.memory_space<vmem_shared>>
    %dma_start3A_277 = arith.constant 0 : i32
    %dma_start3A_278 = arith.constant 0 : i32
    %dma_start3A_279 = tpu.memref_slice %arg9[%dma_start3A_268, %dma_start3A_277, %dma_start3A_278] : memref<5x80x64xf32, #tpu.memory_space<vmem>> -> memref<1x80x64xf32, #tpu.memory_space<vmem>>
    %dma_start3A_280 = tpu.memref_squeeze %dma_start3A_279 : memref<1x80x64xf32, #tpu.memory_space<vmem>> -> memref<80x64xf32, #tpu.memory_space<vmem>>
    tpu.enqueue_dma source(%dma_start3A_280 : memref<80x64xf32, #tpu.memory_space<vmem>>) target(%dma_start3A_276 : memref<80x64xf32, #tpu.memory_space<vmem_shared>>) target_semaphore(%arg15 : memref<!tpu.dma_semaphore, #tpu.memory_space<semaphore_mem>>)
    %add3A_281 = arith.constant 1440 : i32
    %add3A_282 = arith.addi %mul3A_4, %add3A_281 : i32
    %dma_start3A_283 = arith.constant 0 : i32
    %dma_start3A_284 = arith.constant 0 : i32
    %dma_start3A_285 = arith.constant 0 : i32
    %dma_start3A_286 = tpu.memref_slice %arg9[%dma_start3A_283, %dma_start3A_284, %dma_start3A_285] : memref<5x80x64xf32, #tpu.memory_space<vmem>> -> memref<1x80x64xf32, #tpu.memory_space<vmem>>
    %dma_start3A_287 = tpu.memref_squeeze %dma_start3A_286 : memref<1x80x64xf32, #tpu.memory_space<vmem>> -> memref<80x64xf32, #tpu.memory_space<vmem>>
    %dma_start3A_288 = arith.constant 0 : i32
    %dma_start3A_289 = tpu.memref_slice %arg12[%add3A_282, %dma_start3A_288] : memref<25096x64xf32, #tpu.memory_space<vmem_shared>> -> memref<80x64xf32, #tpu.memory_space<vmem_shared>>
    %dma_start3A_290 = arith.constant 0 : i32
    %dma_start3A_291 = tpu.memref_slice %arg12[%add3A_282, %dma_start3A_290] : memref<25096x64xf32, #tpu.memory_space<vmem_shared>> -> memref<80x64xf32, #tpu.memory_space<vmem_shared>>
    %dma_start3A_292 = arith.constant 0 : i32
    %dma_start3A_293 = arith.constant 0 : i32
    %dma_start3A_294 = tpu.memref_slice %arg9[%dma_start3A_283, %dma_start3A_292, %dma_start3A_293] : memref<5x80x64xf32, #tpu.memory_space<vmem>> -> memref<1x80x64xf32, #tpu.memory_space<vmem>>
    %dma_start3A_295 = tpu.memref_squeeze %dma_start3A_294 : memref<1x80x64xf32, #tpu.memory_space<vmem>> -> memref<80x64xf32, #tpu.memory_space<vmem>>
    tpu.enqueue_dma source(%dma_start3A_295 : memref<80x64xf32, #tpu.memory_space<vmem>>) target(%dma_start3A_291 : memref<80x64xf32, #tpu.memory_space<vmem_shared>>) target_semaphore(%arg15 : memref<!tpu.dma_semaphore, #tpu.memory_space<semaphore_mem>>)
    %add3A_296 = arith.constant 1520 : i32
    %add3A_297 = arith.addi %mul3A_4, %add3A_296 : i32
    %dma_start3A_298 = arith.constant 0 : i32
    %dma_start3A_299 = arith.constant 0 : i32
    %dma_start3A_300 = arith.constant 0 : i32
    %dma_start3A_301 = tpu.memref_slice %arg9[%dma_start3A_298, %dma_start3A_299, %dma_start3A_300] : memref<5x80x64xf32, #tpu.memory_space<vmem>> -> memref<1x80x64xf32, #tpu.memory_space<vmem>>
    %dma_start3A_302 = tpu.memref_squeeze %dma_start3A_301 : memref<1x80x64xf32, #tpu.memory_space<vmem>> -> memref<80x64xf32, #tpu.memory_space<vmem>>
    %dma_start3A_303 = arith.constant 0 : i32
    %dma_start3A_304 = arith.constant 0 : i32
    %dma_start3A_305 = tpu.memref_slice %dma_start3A_302[%dma_start3A_303, %dma_start3A_304] : memref<80x64xf32, #tpu.memory_space<vmem>> -> memref<48x64xf32, #tpu.memory_space<vmem>>
    %dma_start3A_306 = arith.constant 0 : i32
    %dma_start3A_307 = tpu.memref_slice %arg12[%add3A_297, %dma_start3A_306] : memref<25096x64xf32, #tpu.memory_space<vmem_shared>> -> memref<48x64xf32, #tpu.memory_space<vmem_shared>>
    %dma_start3A_308 = arith.constant 0 : i32
    %dma_start3A_309 = tpu.memref_slice %arg12[%add3A_297, %dma_start3A_308] : memref<25096x64xf32, #tpu.memory_space<vmem_shared>> -> memref<48x64xf32, #tpu.memory_space<vmem_shared>>
    %dma_start3A_310 = arith.constant 0 : i32
    %dma_start3A_311 = arith.constant 0 : i32
    %dma_start3A_312 = tpu.memref_slice %arg9[%dma_start3A_298, %dma_start3A_310, %dma_start3A_311] : memref<5x80x64xf32, #tpu.memory_space<vmem>> -> memref<1x80x64xf32, #tpu.memory_space<vmem>>
    %dma_start3A_313 = tpu.memref_squeeze %dma_start3A_312 : memref<1x80x64xf32, #tpu.memory_space<vmem>> -> memref<80x64xf32, #tpu.memory_space<vmem>>
    %dma_start3A_314 = arith.constant 0 : i32
    %dma_start3A_315 = arith.constant 0 : i32
    %dma_start3A_316 = tpu.memref_slice %dma_start3A_313[%dma_start3A_314, %dma_start3A_315] : memref<80x64xf32, #tpu.memory_space<vmem>> -> memref<48x64xf32, #tpu.memory_space<vmem>>
    tpu.enqueue_dma source(%dma_start3A_316 : memref<48x64xf32, #tpu.memory_space<vmem>>) target(%dma_start3A_309 : memref<48x64xf32, #tpu.memory_space<vmem_shared>>) target_semaphore(%arg15 : memref<!tpu.dma_semaphore, #tpu.memory_space<semaphore_mem>>)
    %add3A_317 = arith.constant 0 : i32
    %add3A_318 = arith.addi %mul3A_4, %add3A_317 : i32
    %dma_wait3A = arith.constant 0 : i32
    %dma_wait3A_319 = arith.constant 0 : i32
    %dma_wait3A_320 = arith.constant 0 : i32
    %dma_wait3A_321 = tpu.memref_slice %arg9[%dma_wait3A, %dma_wait3A_319, %dma_wait3A_320] : memref<5x80x64xf32, #tpu.memory_space<vmem>> -> memref<1x80x64xf32, #tpu.memory_space<vmem>>
    %dma_wait3A_322 = tpu.memref_squeeze %dma_wait3A_321 : memref<1x80x64xf32, #tpu.memory_space<vmem>> -> memref<80x64xf32, #tpu.memory_space<vmem>>
    %dma_wait3A_323 = arith.constant 0 : i32
    %dma_wait3A_324 = tpu.memref_slice %arg12[%add3A_318, %dma_wait3A_323] : memref<25096x64xf32, #tpu.memory_space<vmem_shared>> -> memref<80x64xf32, #tpu.memory_space<vmem_shared>>
    %dma_wait3A_325 = arith.constant 0 : i32
    %dma_wait3A_326 = tpu.memref_slice %arg12[%add3A_318, %dma_wait3A_325] : memref<25096x64xf32, #tpu.memory_space<vmem_shared>> -> memref<80x64xf32, #tpu.memory_space<vmem_shared>>
    %dma_wait3A_327 = arith.constant 0 : i32
    %dma_wait3A_328 = arith.constant 0 : i32
    %dma_wait3A_329 = tpu.memref_slice %arg9[%dma_wait3A, %dma_wait3A_327, %dma_wait3A_328] : memref<5x80x64xf32, #tpu.memory_space<vmem>> -> memref<1x80x64xf32, #tpu.memory_space<vmem>>
    %dma_wait3A_330 = tpu.memref_squeeze %dma_wait3A_329 : memref<1x80x64xf32, #tpu.memory_space<vmem>> -> memref<80x64xf32, #tpu.memory_space<vmem>>
    tpu.wait_dma2 semaphore(%arg15 : memref<!tpu.dma_semaphore, #tpu.memory_space<semaphore_mem>>) src(%dma_wait3A_330 : memref<80x64xf32, #tpu.memory_space<vmem>>) dst(%dma_wait3A_326 : memref<80x64xf32, #tpu.memory_space<vmem_shared>>)
    %add3A_331 = arith.constant 80 : i32
    %add3A_332 = arith.addi %mul3A_4, %add3A_331 : i32
    %dma_wait3A_333 = arith.constant 0 : i32
    %dma_wait3A_334 = arith.constant 0 : i32
    %dma_wait3A_335 = arith.constant 0 : i32
    %dma_wait3A_336 = tpu.memref_slice %arg9[%dma_wait3A_333, %dma_wait3A_334, %dma_wait3A_335] : memref<5x80x64xf32, #tpu.memory_space<vmem>> -> memref<1x80x64xf32, #tpu.memory_space<vmem>>
    %dma_wait3A_337 = tpu.memref_squeeze %dma_wait3A_336 : memref<1x80x64xf32, #tpu.memory_space<vmem>> -> memref<80x64xf32, #tpu.memory_space<vmem>>
    %dma_wait3A_338 = arith.constant 0 : i32
    %dma_wait3A_339 = tpu.memref_slice %arg12[%add3A_332, %dma_wait3A_338] : memref<25096x64xf32, #tpu.memory_space<vmem_shared>> -> memref<80x64xf32, #tpu.memory_space<vmem_shared>>
    %dma_wait3A_340 = arith.constant 0 : i32
    %dma_wait3A_341 = tpu.memref_slice %arg12[%add3A_332, %dma_wait3A_340] : memref<25096x64xf32, #tpu.memory_space<vmem_shared>> -> memref<80x64xf32, #tpu.memory_space<vmem_shared>>
    %dma_wait3A_342 = arith.constant 0 : i32
    %dma_wait3A_343 = arith.constant 0 : i32
    %dma_wait3A_344 = tpu.memref_slice %arg9[%dma_wait3A_333, %dma_wait3A_342, %dma_wait3A_343] : memref<5x80x64xf32, #tpu.memory_space<vmem>> -> memref<1x80x64xf32, #tpu.memory_space<vmem>>
    %dma_wait3A_345 = tpu.memref_squeeze %dma_wait3A_344 : memref<1x80x64xf32, #tpu.memory_space<vmem>> -> memref<80x64xf32, #tpu.memory_space<vmem>>
    tpu.wait_dma2 semaphore(%arg15 : memref<!tpu.dma_semaphore, #tpu.memory_space<semaphore_mem>>) src(%dma_wait3A_345 : memref<80x64xf32, #tpu.memory_space<vmem>>) dst(%dma_wait3A_341 : memref<80x64xf32, #tpu.memory_space<vmem_shared>>)
    %add3A_346 = arith.constant 160 : i32
    %add3A_347 = arith.addi %mul3A_4, %add3A_346 : i32
    %dma_wait3A_348 = arith.constant 0 : i32
    %dma_wait3A_349 = arith.constant 0 : i32
    %dma_wait3A_350 = arith.constant 0 : i32
    %dma_wait3A_351 = tpu.memref_slice %arg9[%dma_wait3A_348, %dma_wait3A_349, %dma_wait3A_350] : memref<5x80x64xf32, #tpu.memory_space<vmem>> -> memref<1x80x64xf32, #tpu.memory_space<vmem>>
    %dma_wait3A_352 = tpu.memref_squeeze %dma_wait3A_351 : memref<1x80x64xf32, #tpu.memory_space<vmem>> -> memref<80x64xf32, #tpu.memory_space<vmem>>
    %dma_wait3A_353 = arith.constant 0 : i32
    %dma_wait3A_354 = tpu.memref_slice %arg12[%add3A_347, %dma_wait3A_353] : memref<25096x64xf32, #tpu.memory_space<vmem_shared>> -> memref<80x64xf32, #tpu.memory_space<vmem_shared>>
    %dma_wait3A_355 = arith.constant 0 : i32
    %dma_wait3A_356 = tpu.memref_slice %arg12[%add3A_347, %dma_wait3A_355] : memref<25096x64xf32, #tpu.memory_space<vmem_shared>> -> memref<80x64xf32, #tpu.memory_space<vmem_shared>>
    %dma_wait3A_357 = arith.constant 0 : i32
    %dma_wait3A_358 = arith.constant 0 : i32
    %dma_wait3A_359 = tpu.memref_slice %arg9[%dma_wait3A_348, %dma_wait3A_357, %dma_wait3A_358] : memref<5x80x64xf32, #tpu.memory_space<vmem>> -> memref<1x80x64xf32, #tpu.memory_space<vmem>>
    %dma_wait3A_360 = tpu.memref_squeeze %dma_wait3A_359 : memref<1x80x64xf32, #tpu.memory_space<vmem>> -> memref<80x64xf32, #tpu.memory_space<vmem>>
    tpu.wait_dma2 semaphore(%arg15 : memref<!tpu.dma_semaphore, #tpu.memory_space<semaphore_mem>>) src(%dma_wait3A_360 : memref<80x64xf32, #tpu.memory_space<vmem>>) dst(%dma_wait3A_356 : memref<80x64xf32, #tpu.memory_space<vmem_shared>>)
    %add3A_361 = arith.constant 240 : i32
    %add3A_362 = arith.addi %mul3A_4, %add3A_361 : i32
    %dma_wait3A_363 = arith.constant 0 : i32
    %dma_wait3A_364 = arith.constant 0 : i32
    %dma_wait3A_365 = arith.constant 0 : i32
    %dma_wait3A_366 = tpu.memref_slice %arg9[%dma_wait3A_363, %dma_wait3A_364, %dma_wait3A_365] : memref<5x80x64xf32, #tpu.memory_space<vmem>> -> memref<1x80x64xf32, #tpu.memory_space<vmem>>
    %dma_wait3A_367 = tpu.memref_squeeze %dma_wait3A_366 : memref<1x80x64xf32, #tpu.memory_space<vmem>> -> memref<80x64xf32, #tpu.memory_space<vmem>>
    %dma_wait3A_368 = arith.constant 0 : i32
    %dma_wait3A_369 = tpu.memref_slice %arg12[%add3A_362, %dma_wait3A_368] : memref<25096x64xf32, #tpu.memory_space<vmem_shared>> -> memref<80x64xf32, #tpu.memory_space<vmem_shared>>
    %dma_wait3A_370 = arith.constant 0 : i32
    %dma_wait3A_371 = tpu.memref_slice %arg12[%add3A_362, %dma_wait3A_370] : memref<25096x64xf32, #tpu.memory_space<vmem_shared>> -> memref<80x64xf32, #tpu.memory_space<vmem_shared>>
    %dma_wait3A_372 = arith.constant 0 : i32
    %dma_wait3A_373 = arith.constant 0 : i32
    %dma_wait3A_374 = tpu.memref_slice %arg9[%dma_wait3A_363, %dma_wait3A_372, %dma_wait3A_373] : memref<5x80x64xf32, #tpu.memory_space<vmem>> -> memref<1x80x64xf32, #tpu.memory_space<vmem>>
    %dma_wait3A_375 = tpu.memref_squeeze %dma_wait3A_374 : memref<1x80x64xf32, #tpu.memory_space<vmem>> -> memref<80x64xf32, #tpu.memory_space<vmem>>
    tpu.wait_dma2 semaphore(%arg15 : memref<!tpu.dma_semaphore, #tpu.memory_space<semaphore_mem>>) src(%dma_wait3A_375 : memref<80x64xf32, #tpu.memory_space<vmem>>) dst(%dma_wait3A_371 : memref<80x64xf32, #tpu.memory_space<vmem_shared>>)
    %add3A_376 = arith.constant 320 : i32
    %add3A_377 = arith.addi %mul3A_4, %add3A_376 : i32
    %dma_wait3A_378 = arith.constant 0 : i32
    %dma_wait3A_379 = arith.constant 0 : i32
    %dma_wait3A_380 = arith.constant 0 : i32
    %dma_wait3A_381 = tpu.memref_slice %arg9[%dma_wait3A_378, %dma_wait3A_379, %dma_wait3A_380] : memref<5x80x64xf32, #tpu.memory_space<vmem>> -> memref<1x80x64xf32, #tpu.memory_space<vmem>>
    %dma_wait3A_382 = tpu.memref_squeeze %dma_wait3A_381 : memref<1x80x64xf32, #tpu.memory_space<vmem>> -> memref<80x64xf32, #tpu.memory_space<vmem>>
    %dma_wait3A_383 = arith.constant 0 : i32
    %dma_wait3A_384 = tpu.memref_slice %arg12[%add3A_377, %dma_wait3A_383] : memref<25096x64xf32, #tpu.memory_space<vmem_shared>> -> memref<80x64xf32, #tpu.memory_space<vmem_shared>>
    %dma_wait3A_385 = arith.constant 0 : i32
    %dma_wait3A_386 = tpu.memref_slice %arg12[%add3A_377, %dma_wait3A_385] : memref<25096x64xf32, #tpu.memory_space<vmem_shared>> -> memref<80x64xf32, #tpu.memory_space<vmem_shared>>
    %dma_wait3A_387 = arith.constant 0 : i32
    %dma_wait3A_388 = arith.constant 0 : i32
    %dma_wait3A_389 = tpu.memref_slice %arg9[%dma_wait3A_378, %dma_wait3A_387, %dma_wait3A_388] : memref<5x80x64xf32, #tpu.memory_space<vmem>> -> memref<1x80x64xf32, #tpu.memory_space<vmem>>
    %dma_wait3A_390 = tpu.memref_squeeze %dma_wait3A_389 : memref<1x80x64xf32, #tpu.memory_space<vmem>> -> memref<80x64xf32, #tpu.memory_space<vmem>>
    tpu.wait_dma2 semaphore(%arg15 : memref<!tpu.dma_semaphore, #tpu.memory_space<semaphore_mem>>) src(%dma_wait3A_390 : memref<80x64xf32, #tpu.memory_space<vmem>>) dst(%dma_wait3A_386 : memref<80x64xf32, #tpu.memory_space<vmem_shared>>)
    %add3A_391 = arith.constant 400 : i32
    %add3A_392 = arith.addi %mul3A_4, %add3A_391 : i32
    %dma_wait3A_393 = arith.constant 0 : i32
    %dma_wait3A_394 = arith.constant 0 : i32
    %dma_wait3A_395 = arith.constant 0 : i32
    %dma_wait3A_396 = tpu.memref_slice %arg9[%dma_wait3A_393, %dma_wait3A_394, %dma_wait3A_395] : memref<5x80x64xf32, #tpu.memory_space<vmem>> -> memref<1x80x64xf32, #tpu.memory_space<vmem>>
    %dma_wait3A_397 = tpu.memref_squeeze %dma_wait3A_396 : memref<1x80x64xf32, #tpu.memory_space<vmem>> -> memref<80x64xf32, #tpu.memory_space<vmem>>
    %dma_wait3A_398 = arith.constant 0 : i32
    %dma_wait3A_399 = tpu.memref_slice %arg12[%add3A_392, %dma_wait3A_398] : memref<25096x64xf32, #tpu.memory_space<vmem_shared>> -> memref<80x64xf32, #tpu.memory_space<vmem_shared>>
    %dma_wait3A_400 = arith.constant 0 : i32
    %dma_wait3A_401 = tpu.memref_slice %arg12[%add3A_392, %dma_wait3A_400] : memref<25096x64xf32, #tpu.memory_space<vmem_shared>> -> memref<80x64xf32, #tpu.memory_space<vmem_shared>>
    %dma_wait3A_402 = arith.constant 0 : i32
    %dma_wait3A_403 = arith.constant 0 : i32
    %dma_wait3A_404 = tpu.memref_slice %arg9[%dma_wait3A_393, %dma_wait3A_402, %dma_wait3A_403] : memref<5x80x64xf32, #tpu.memory_space<vmem>> -> memref<1x80x64xf32, #tpu.memory_space<vmem>>
    %dma_wait3A_405 = tpu.memref_squeeze %dma_wait3A_404 : memref<1x80x64xf32, #tpu.memory_space<vmem>> -> memref<80x64xf32, #tpu.memory_space<vmem>>
    tpu.wait_dma2 semaphore(%arg15 : memref<!tpu.dma_semaphore, #tpu.memory_space<semaphore_mem>>) src(%dma_wait3A_405 : memref<80x64xf32, #tpu.memory_space<vmem>>) dst(%dma_wait3A_401 : memref<80x64xf32, #tpu.memory_space<vmem_shared>>)
    %add3A_406 = arith.constant 480 : i32
    %add3A_407 = arith.addi %mul3A_4, %add3A_406 : i32
    %dma_wait3A_408 = arith.constant 0 : i32
    %dma_wait3A_409 = arith.constant 0 : i32
    %dma_wait3A_410 = arith.constant 0 : i32
    %dma_wait3A_411 = tpu.memref_slice %arg9[%dma_wait3A_408, %dma_wait3A_409, %dma_wait3A_410] : memref<5x80x64xf32, #tpu.memory_space<vmem>> -> memref<1x80x64xf32, #tpu.memory_space<vmem>>
    %dma_wait3A_412 = tpu.memref_squeeze %dma_wait3A_411 : memref<1x80x64xf32, #tpu.memory_space<vmem>> -> memref<80x64xf32, #tpu.memory_space<vmem>>
    %dma_wait3A_413 = arith.constant 0 : i32
    %dma_wait3A_414 = tpu.memref_slice %arg12[%add3A_407, %dma_wait3A_413] : memref<25096x64xf32, #tpu.memory_space<vmem_shared>> -> memref<80x64xf32, #tpu.memory_space<vmem_shared>>
    %dma_wait3A_415 = arith.constant 0 : i32
    %dma_wait3A_416 = tpu.memref_slice %arg12[%add3A_407, %dma_wait3A_415] : memref<25096x64xf32, #tpu.memory_space<vmem_shared>> -> memref<80x64xf32, #tpu.memory_space<vmem_shared>>
    %dma_wait3A_417 = arith.constant 0 : i32
    %dma_wait3A_418 = arith.constant 0 : i32
    %dma_wait3A_419 = tpu.memref_slice %arg9[%dma_wait3A_408, %dma_wait3A_417, %dma_wait3A_418] : memref<5x80x64xf32, #tpu.memory_space<vmem>> -> memref<1x80x64xf32, #tpu.memory_space<vmem>>
    %dma_wait3A_420 = tpu.memref_squeeze %dma_wait3A_419 : memref<1x80x64xf32, #tpu.memory_space<vmem>> -> memref<80x64xf32, #tpu.memory_space<vmem>>
    tpu.wait_dma2 semaphore(%arg15 : memref<!tpu.dma_semaphore, #tpu.memory_space<semaphore_mem>>) src(%dma_wait3A_420 : memref<80x64xf32, #tpu.memory_space<vmem>>) dst(%dma_wait3A_416 : memref<80x64xf32, #tpu.memory_space<vmem_shared>>)
    %add3A_421 = arith.constant 560 : i32
    %add3A_422 = arith.addi %mul3A_4, %add3A_421 : i32
    %dma_wait3A_423 = arith.constant 0 : i32
    %dma_wait3A_424 = arith.constant 0 : i32
    %dma_wait3A_425 = arith.constant 0 : i32
    %dma_wait3A_426 = tpu.memref_slice %arg9[%dma_wait3A_423, %dma_wait3A_424, %dma_wait3A_425] : memref<5x80x64xf32, #tpu.memory_space<vmem>> -> memref<1x80x64xf32, #tpu.memory_space<vmem>>
    %dma_wait3A_427 = tpu.memref_squeeze %dma_wait3A_426 : memref<1x80x64xf32, #tpu.memory_space<vmem>> -> memref<80x64xf32, #tpu.memory_space<vmem>>
    %dma_wait3A_428 = arith.constant 0 : i32
    %dma_wait3A_429 = tpu.memref_slice %arg12[%add3A_422, %dma_wait3A_428] : memref<25096x64xf32, #tpu.memory_space<vmem_shared>> -> memref<80x64xf32, #tpu.memory_space<vmem_shared>>
    %dma_wait3A_430 = arith.constant 0 : i32
    %dma_wait3A_431 = tpu.memref_slice %arg12[%add3A_422, %dma_wait3A_430] : memref<25096x64xf32, #tpu.memory_space<vmem_shared>> -> memref<80x64xf32, #tpu.memory_space<vmem_shared>>
    %dma_wait3A_432 = arith.constant 0 : i32
    %dma_wait3A_433 = arith.constant 0 : i32
    %dma_wait3A_434 = tpu.memref_slice %arg9[%dma_wait3A_423, %dma_wait3A_432, %dma_wait3A_433] : memref<5x80x64xf32, #tpu.memory_space<vmem>> -> memref<1x80x64xf32, #tpu.memory_space<vmem>>
    %dma_wait3A_435 = tpu.memref_squeeze %dma_wait3A_434 : memref<1x80x64xf32, #tpu.memory_space<vmem>> -> memref<80x64xf32, #tpu.memory_space<vmem>>
    tpu.wait_dma2 semaphore(%arg15 : memref<!tpu.dma_semaphore, #tpu.memory_space<semaphore_mem>>) src(%dma_wait3A_435 : memref<80x64xf32, #tpu.memory_space<vmem>>) dst(%dma_wait3A_431 : memref<80x64xf32, #tpu.memory_space<vmem_shared>>)
    %add3A_436 = arith.constant 640 : i32
    %add3A_437 = arith.addi %mul3A_4, %add3A_436 : i32
    %dma_wait3A_438 = arith.constant 0 : i32
    %dma_wait3A_439 = arith.constant 0 : i32
    %dma_wait3A_440 = arith.constant 0 : i32
    %dma_wait3A_441 = tpu.memref_slice %arg9[%dma_wait3A_438, %dma_wait3A_439, %dma_wait3A_440] : memref<5x80x64xf32, #tpu.memory_space<vmem>> -> memref<1x80x64xf32, #tpu.memory_space<vmem>>
    %dma_wait3A_442 = tpu.memref_squeeze %dma_wait3A_441 : memref<1x80x64xf32, #tpu.memory_space<vmem>> -> memref<80x64xf32, #tpu.memory_space<vmem>>
    %dma_wait3A_443 = arith.constant 0 : i32
    %dma_wait3A_444 = tpu.memref_slice %arg12[%add3A_437, %dma_wait3A_443] : memref<25096x64xf32, #tpu.memory_space<vmem_shared>> -> memref<80x64xf32, #tpu.memory_space<vmem_shared>>
    %dma_wait3A_445 = arith.constant 0 : i32
    %dma_wait3A_446 = tpu.memref_slice %arg12[%add3A_437, %dma_wait3A_445] : memref<25096x64xf32, #tpu.memory_space<vmem_shared>> -> memref<80x64xf32, #tpu.memory_space<vmem_shared>>
    %dma_wait3A_447 = arith.constant 0 : i32
    %dma_wait3A_448 = arith.constant 0 : i32
    %dma_wait3A_449 = tpu.memref_slice %arg9[%dma_wait3A_438, %dma_wait3A_447, %dma_wait3A_448] : memref<5x80x64xf32, #tpu.memory_space<vmem>> -> memref<1x80x64xf32, #tpu.memory_space<vmem>>
    %dma_wait3A_450 = tpu.memref_squeeze %dma_wait3A_449 : memref<1x80x64xf32, #tpu.memory_space<vmem>> -> memref<80x64xf32, #tpu.memory_space<vmem>>
    tpu.wait_dma2 semaphore(%arg15 : memref<!tpu.dma_semaphore, #tpu.memory_space<semaphore_mem>>) src(%dma_wait3A_450 : memref<80x64xf32, #tpu.memory_space<vmem>>) dst(%dma_wait3A_446 : memref<80x64xf32, #tpu.memory_space<vmem_shared>>)
    %add3A_451 = arith.constant 720 : i32
    %add3A_452 = arith.addi %mul3A_4, %add3A_451 : i32
    %dma_wait3A_453 = arith.constant 0 : i32
    %dma_wait3A_454 = arith.constant 0 : i32
    %dma_wait3A_455 = arith.constant 0 : i32
    %dma_wait3A_456 = tpu.memref_slice %arg9[%dma_wait3A_453, %dma_wait3A_454, %dma_wait3A_455] : memref<5x80x64xf32, #tpu.memory_space<vmem>> -> memref<1x80x64xf32, #tpu.memory_space<vmem>>
    %dma_wait3A_457 = tpu.memref_squeeze %dma_wait3A_456 : memref<1x80x64xf32, #tpu.memory_space<vmem>> -> memref<80x64xf32, #tpu.memory_space<vmem>>
    %dma_wait3A_458 = arith.constant 0 : i32
    %dma_wait3A_459 = tpu.memref_slice %arg12[%add3A_452, %dma_wait3A_458] : memref<25096x64xf32, #tpu.memory_space<vmem_shared>> -> memref<80x64xf32, #tpu.memory_space<vmem_shared>>
    %dma_wait3A_460 = arith.constant 0 : i32
    %dma_wait3A_461 = tpu.memref_slice %arg12[%add3A_452, %dma_wait3A_460] : memref<25096x64xf32, #tpu.memory_space<vmem_shared>> -> memref<80x64xf32, #tpu.memory_space<vmem_shared>>
    %dma_wait3A_462 = arith.constant 0 : i32
    %dma_wait3A_463 = arith.constant 0 : i32
    %dma_wait3A_464 = tpu.memref_slice %arg9[%dma_wait3A_453, %dma_wait3A_462, %dma_wait3A_463] : memref<5x80x64xf32, #tpu.memory_space<vmem>> -> memref<1x80x64xf32, #tpu.memory_space<vmem>>
    %dma_wait3A_465 = tpu.memref_squeeze %dma_wait3A_464 : memref<1x80x64xf32, #tpu.memory_space<vmem>> -> memref<80x64xf32, #tpu.memory_space<vmem>>
    tpu.wait_dma2 semaphore(%arg15 : memref<!tpu.dma_semaphore, #tpu.memory_space<semaphore_mem>>) src(%dma_wait3A_465 : memref<80x64xf32, #tpu.memory_space<vmem>>) dst(%dma_wait3A_461 : memref<80x64xf32, #tpu.memory_space<vmem_shared>>)
    %add3A_466 = arith.constant 800 : i32
    %add3A_467 = arith.addi %mul3A_4, %add3A_466 : i32
    %dma_wait3A_468 = arith.constant 0 : i32
    %dma_wait3A_469 = arith.constant 0 : i32
    %dma_wait3A_470 = arith.constant 0 : i32
    %dma_wait3A_471 = tpu.memref_slice %arg9[%dma_wait3A_468, %dma_wait3A_469, %dma_wait3A_470] : memref<5x80x64xf32, #tpu.memory_space<vmem>> -> memref<1x80x64xf32, #tpu.memory_space<vmem>>
    %dma_wait3A_472 = tpu.memref_squeeze %dma_wait3A_471 : memref<1x80x64xf32, #tpu.memory_space<vmem>> -> memref<80x64xf32, #tpu.memory_space<vmem>>
    %dma_wait3A_473 = arith.constant 0 : i32
    %dma_wait3A_474 = tpu.memref_slice %arg12[%add3A_467, %dma_wait3A_473] : memref<25096x64xf32, #tpu.memory_space<vmem_shared>> -> memref<80x64xf32, #tpu.memory_space<vmem_shared>>
    %dma_wait3A_475 = arith.constant 0 : i32
    %dma_wait3A_476 = tpu.memref_slice %arg12[%add3A_467, %dma_wait3A_475] : memref<25096x64xf32, #tpu.memory_space<vmem_shared>> -> memref<80x64xf32, #tpu.memory_space<vmem_shared>>
    %dma_wait3A_477 = arith.constant 0 : i32
    %dma_wait3A_478 = arith.constant 0 : i32
    %dma_wait3A_479 = tpu.memref_slice %arg9[%dma_wait3A_468, %dma_wait3A_477, %dma_wait3A_478] : memref<5x80x64xf32, #tpu.memory_space<vmem>> -> memref<1x80x64xf32, #tpu.memory_space<vmem>>
    %dma_wait3A_480 = tpu.memref_squeeze %dma_wait3A_479 : memref<1x80x64xf32, #tpu.memory_space<vmem>> -> memref<80x64xf32, #tpu.memory_space<vmem>>
    tpu.wait_dma2 semaphore(%arg15 : memref<!tpu.dma_semaphore, #tpu.memory_space<semaphore_mem>>) src(%dma_wait3A_480 : memref<80x64xf32, #tpu.memory_space<vmem>>) dst(%dma_wait3A_476 : memref<80x64xf32, #tpu.memory_space<vmem_shared>>)
    %add3A_481 = arith.constant 880 : i32
    %add3A_482 = arith.addi %mul3A_4, %add3A_481 : i32
    %dma_wait3A_483 = arith.constant 0 : i32
    %dma_wait3A_484 = arith.constant 0 : i32
    %dma_wait3A_485 = arith.constant 0 : i32
    %dma_wait3A_486 = tpu.memref_slice %arg9[%dma_wait3A_483, %dma_wait3A_484, %dma_wait3A_485] : memref<5x80x64xf32, #tpu.memory_space<vmem>> -> memref<1x80x64xf32, #tpu.memory_space<vmem>>
    %dma_wait3A_487 = tpu.memref_squeeze %dma_wait3A_486 : memref<1x80x64xf32, #tpu.memory_space<vmem>> -> memref<80x64xf32, #tpu.memory_space<vmem>>
    %dma_wait3A_488 = arith.constant 0 : i32
    %dma_wait3A_489 = tpu.memref_slice %arg12[%add3A_482, %dma_wait3A_488] : memref<25096x64xf32, #tpu.memory_space<vmem_shared>> -> memref<80x64xf32, #tpu.memory_space<vmem_shared>>
    %dma_wait3A_490 = arith.constant 0 : i32
    %dma_wait3A_491 = tpu.memref_slice %arg12[%add3A_482, %dma_wait3A_490] : memref<25096x64xf32, #tpu.memory_space<vmem_shared>> -> memref<80x64xf32, #tpu.memory_space<vmem_shared>>
    %dma_wait3A_492 = arith.constant 0 : i32
    %dma_wait3A_493 = arith.constant 0 : i32
    %dma_wait3A_494 = tpu.memref_slice %arg9[%dma_wait3A_483, %dma_wait3A_492, %dma_wait3A_493] : memref<5x80x64xf32, #tpu.memory_space<vmem>> -> memref<1x80x64xf32, #tpu.memory_space<vmem>>
    %dma_wait3A_495 = tpu.memref_squeeze %dma_wait3A_494 : memref<1x80x64xf32, #tpu.memory_space<vmem>> -> memref<80x64xf32, #tpu.memory_space<vmem>>
    tpu.wait_dma2 semaphore(%arg15 : memref<!tpu.dma_semaphore, #tpu.memory_space<semaphore_mem>>) src(%dma_wait3A_495 : memref<80x64xf32, #tpu.memory_space<vmem>>) dst(%dma_wait3A_491 : memref<80x64xf32, #tpu.memory_space<vmem_shared>>)
    %add3A_496 = arith.constant 960 : i32
    %add3A_497 = arith.addi %mul3A_4, %add3A_496 : i32
    %dma_wait3A_498 = arith.constant 0 : i32
    %dma_wait3A_499 = arith.constant 0 : i32
    %dma_wait3A_500 = arith.constant 0 : i32
    %dma_wait3A_501 = tpu.memref_slice %arg9[%dma_wait3A_498, %dma_wait3A_499, %dma_wait3A_500] : memref<5x80x64xf32, #tpu.memory_space<vmem>> -> memref<1x80x64xf32, #tpu.memory_space<vmem>>
    %dma_wait3A_502 = tpu.memref_squeeze %dma_wait3A_501 : memref<1x80x64xf32, #tpu.memory_space<vmem>> -> memref<80x64xf32, #tpu.memory_space<vmem>>
    %dma_wait3A_503 = arith.constant 0 : i32
    %dma_wait3A_504 = tpu.memref_slice %arg12[%add3A_497, %dma_wait3A_503] : memref<25096x64xf32, #tpu.memory_space<vmem_shared>> -> memref<80x64xf32, #tpu.memory_space<vmem_shared>>
    %dma_wait3A_505 = arith.constant 0 : i32
    %dma_wait3A_506 = tpu.memref_slice %arg12[%add3A_497, %dma_wait3A_505] : memref<25096x64xf32, #tpu.memory_space<vmem_shared>> -> memref<80x64xf32, #tpu.memory_space<vmem_shared>>
    %dma_wait3A_507 = arith.constant 0 : i32
    %dma_wait3A_508 = arith.constant 0 : i32
    %dma_wait3A_509 = tpu.memref_slice %arg9[%dma_wait3A_498, %dma_wait3A_507, %dma_wait3A_508] : memref<5x80x64xf32, #tpu.memory_space<vmem>> -> memref<1x80x64xf32, #tpu.memory_space<vmem>>
    %dma_wait3A_510 = tpu.memref_squeeze %dma_wait3A_509 : memref<1x80x64xf32, #tpu.memory_space<vmem>> -> memref<80x64xf32, #tpu.memory_space<vmem>>
    tpu.wait_dma2 semaphore(%arg15 : memref<!tpu.dma_semaphore, #tpu.memory_space<semaphore_mem>>) src(%dma_wait3A_510 : memref<80x64xf32, #tpu.memory_space<vmem>>) dst(%dma_wait3A_506 : memref<80x64xf32, #tpu.memory_space<vmem_shared>>)
    %add3A_511 = arith.constant 1040 : i32
    %add3A_512 = arith.addi %mul3A_4, %add3A_511 : i32
    %dma_wait3A_513 = arith.constant 0 : i32
    %dma_wait3A_514 = arith.constant 0 : i32
    %dma_wait3A_515 = arith.constant 0 : i32
    %dma_wait3A_516 = tpu.memref_slice %arg9[%dma_wait3A_513, %dma_wait3A_514, %dma_wait3A_515] : memref<5x80x64xf32, #tpu.memory_space<vmem>> -> memref<1x80x64xf32, #tpu.memory_space<vmem>>
    %dma_wait3A_517 = tpu.memref_squeeze %dma_wait3A_516 : memref<1x80x64xf32, #tpu.memory_space<vmem>> -> memref<80x64xf32, #tpu.memory_space<vmem>>
    %dma_wait3A_518 = arith.constant 0 : i32
    %dma_wait3A_519 = tpu.memref_slice %arg12[%add3A_512, %dma_wait3A_518] : memref<25096x64xf32, #tpu.memory_space<vmem_shared>> -> memref<80x64xf32, #tpu.memory_space<vmem_shared>>
    %dma_wait3A_520 = arith.constant 0 : i32
    %dma_wait3A_521 = tpu.memref_slice %arg12[%add3A_512, %dma_wait3A_520] : memref<25096x64xf32, #tpu.memory_space<vmem_shared>> -> memref<80x64xf32, #tpu.memory_space<vmem_shared>>
    %dma_wait3A_522 = arith.constant 0 : i32
    %dma_wait3A_523 = arith.constant 0 : i32
    %dma_wait3A_524 = tpu.memref_slice %arg9[%dma_wait3A_513, %dma_wait3A_522, %dma_wait3A_523] : memref<5x80x64xf32, #tpu.memory_space<vmem>> -> memref<1x80x64xf32, #tpu.memory_space<vmem>>
    %dma_wait3A_525 = tpu.memref_squeeze %dma_wait3A_524 : memref<1x80x64xf32, #tpu.memory_space<vmem>> -> memref<80x64xf32, #tpu.memory_space<vmem>>
    tpu.wait_dma2 semaphore(%arg15 : memref<!tpu.dma_semaphore, #tpu.memory_space<semaphore_mem>>) src(%dma_wait3A_525 : memref<80x64xf32, #tpu.memory_space<vmem>>) dst(%dma_wait3A_521 : memref<80x64xf32, #tpu.memory_space<vmem_shared>>)
    %add3A_526 = arith.constant 1120 : i32
    %add3A_527 = arith.addi %mul3A_4, %add3A_526 : i32
    %dma_wait3A_528 = arith.constant 0 : i32
    %dma_wait3A_529 = arith.constant 0 : i32
    %dma_wait3A_530 = arith.constant 0 : i32
    %dma_wait3A_531 = tpu.memref_slice %arg9[%dma_wait3A_528, %dma_wait3A_529, %dma_wait3A_530] : memref<5x80x64xf32, #tpu.memory_space<vmem>> -> memref<1x80x64xf32, #tpu.memory_space<vmem>>
    %dma_wait3A_532 = tpu.memref_squeeze %dma_wait3A_531 : memref<1x80x64xf32, #tpu.memory_space<vmem>> -> memref<80x64xf32, #tpu.memory_space<vmem>>
    %dma_wait3A_533 = arith.constant 0 : i32
    %dma_wait3A_534 = tpu.memref_slice %arg12[%add3A_527, %dma_wait3A_533] : memref<25096x64xf32, #tpu.memory_space<vmem_shared>> -> memref<80x64xf32, #tpu.memory_space<vmem_shared>>
    %dma_wait3A_535 = arith.constant 0 : i32
    %dma_wait3A_536 = tpu.memref_slice %arg12[%add3A_527, %dma_wait3A_535] : memref<25096x64xf32, #tpu.memory_space<vmem_shared>> -> memref<80x64xf32, #tpu.memory_space<vmem_shared>>
    %dma_wait3A_537 = arith.constant 0 : i32
    %dma_wait3A_538 = arith.constant 0 : i32
    %dma_wait3A_539 = tpu.memref_slice %arg9[%dma_wait3A_528, %dma_wait3A_537, %dma_wait3A_538] : memref<5x80x64xf32, #tpu.memory_space<vmem>> -> memref<1x80x64xf32, #tpu.memory_space<vmem>>
    %dma_wait3A_540 = tpu.memref_squeeze %dma_wait3A_539 : memref<1x80x64xf32, #tpu.memory_space<vmem>> -> memref<80x64xf32, #tpu.memory_space<vmem>>
    tpu.wait_dma2 semaphore(%arg15 : memref<!tpu.dma_semaphore, #tpu.memory_space<semaphore_mem>>) src(%dma_wait3A_540 : memref<80x64xf32, #tpu.memory_space<vmem>>) dst(%dma_wait3A_536 : memref<80x64xf32, #tpu.memory_space<vmem_shared>>)
    %add3A_541 = arith.constant 1200 : i32
    %add3A_542 = arith.addi %mul3A_4, %add3A_541 : i32
    %dma_wait3A_543 = arith.constant 0 : i32
    %dma_wait3A_544 = arith.constant 0 : i32
    %dma_wait3A_545 = arith.constant 0 : i32
    %dma_wait3A_546 = tpu.memref_slice %arg9[%dma_wait3A_543, %dma_wait3A_544, %dma_wait3A_545] : memref<5x80x64xf32, #tpu.memory_space<vmem>> -> memref<1x80x64xf32, #tpu.memory_space<vmem>>
    %dma_wait3A_547 = tpu.memref_squeeze %dma_wait3A_546 : memref<1x80x64xf32, #tpu.memory_space<vmem>> -> memref<80x64xf32, #tpu.memory_space<vmem>>
    %dma_wait3A_548 = arith.constant 0 : i32
    %dma_wait3A_549 = tpu.memref_slice %arg12[%add3A_542, %dma_wait3A_548] : memref<25096x64xf32, #tpu.memory_space<vmem_shared>> -> memref<80x64xf32, #tpu.memory_space<vmem_shared>>
    %dma_wait3A_550 = arith.constant 0 : i32
    %dma_wait3A_551 = tpu.memref_slice %arg12[%add3A_542, %dma_wait3A_550] : memref<25096x64xf32, #tpu.memory_space<vmem_shared>> -> memref<80x64xf32, #tpu.memory_space<vmem_shared>>
    %dma_wait3A_552 = arith.constant 0 : i32
    %dma_wait3A_553 = arith.constant 0 : i32
    %dma_wait3A_554 = tpu.memref_slice %arg9[%dma_wait3A_543, %dma_wait3A_552, %dma_wait3A_553] : memref<5x80x64xf32, #tpu.memory_space<vmem>> -> memref<1x80x64xf32, #tpu.memory_space<vmem>>
    %dma_wait3A_555 = tpu.memref_squeeze %dma_wait3A_554 : memref<1x80x64xf32, #tpu.memory_space<vmem>> -> memref<80x64xf32, #tpu.memory_space<vmem>>
    tpu.wait_dma2 semaphore(%arg15 : memref<!tpu.dma_semaphore, #tpu.memory_space<semaphore_mem>>) src(%dma_wait3A_555 : memref<80x64xf32, #tpu.memory_space<vmem>>) dst(%dma_wait3A_551 : memref<80x64xf32, #tpu.memory_space<vmem_shared>>)
    %add3A_556 = arith.constant 1280 : i32
    %add3A_557 = arith.addi %mul3A_4, %add3A_556 : i32
    %dma_wait3A_558 = arith.constant 0 : i32
    %dma_wait3A_559 = arith.constant 0 : i32
    %dma_wait3A_560 = arith.constant 0 : i32
    %dma_wait3A_561 = tpu.memref_slice %arg9[%dma_wait3A_558, %dma_wait3A_559, %dma_wait3A_560] : memref<5x80x64xf32, #tpu.memory_space<vmem>> -> memref<1x80x64xf32, #tpu.memory_space<vmem>>
    %dma_wait3A_562 = tpu.memref_squeeze %dma_wait3A_561 : memref<1x80x64xf32, #tpu.memory_space<vmem>> -> memref<80x64xf32, #tpu.memory_space<vmem>>
    %dma_wait3A_563 = arith.constant 0 : i32
    %dma_wait3A_564 = tpu.memref_slice %arg12[%add3A_557, %dma_wait3A_563] : memref<25096x64xf32, #tpu.memory_space<vmem_shared>> -> memref<80x64xf32, #tpu.memory_space<vmem_shared>>
    %dma_wait3A_565 = arith.constant 0 : i32
    %dma_wait3A_566 = tpu.memref_slice %arg12[%add3A_557, %dma_wait3A_565] : memref<25096x64xf32, #tpu.memory_space<vmem_shared>> -> memref<80x64xf32, #tpu.memory_space<vmem_shared>>
    %dma_wait3A_567 = arith.constant 0 : i32
    %dma_wait3A_568 = arith.constant 0 : i32
    %dma_wait3A_569 = tpu.memref_slice %arg9[%dma_wait3A_558, %dma_wait3A_567, %dma_wait3A_568] : memref<5x80x64xf32, #tpu.memory_space<vmem>> -> memref<1x80x64xf32, #tpu.memory_space<vmem>>
    %dma_wait3A_570 = tpu.memref_squeeze %dma_wait3A_569 : memref<1x80x64xf32, #tpu.memory_space<vmem>> -> memref<80x64xf32, #tpu.memory_space<vmem>>
    tpu.wait_dma2 semaphore(%arg15 : memref<!tpu.dma_semaphore, #tpu.memory_space<semaphore_mem>>) src(%dma_wait3A_570 : memref<80x64xf32, #tpu.memory_space<vmem>>) dst(%dma_wait3A_566 : memref<80x64xf32, #tpu.memory_space<vmem_shared>>)
    %add3A_571 = arith.constant 1360 : i32
    %add3A_572 = arith.addi %mul3A_4, %add3A_571 : i32
    %dma_wait3A_573 = arith.constant 0 : i32
    %dma_wait3A_574 = arith.constant 0 : i32
    %dma_wait3A_575 = arith.constant 0 : i32
    %dma_wait3A_576 = tpu.memref_slice %arg9[%dma_wait3A_573, %dma_wait3A_574, %dma_wait3A_575] : memref<5x80x64xf32, #tpu.memory_space<vmem>> -> memref<1x80x64xf32, #tpu.memory_space<vmem>>
    %dma_wait3A_577 = tpu.memref_squeeze %dma_wait3A_576 : memref<1x80x64xf32, #tpu.memory_space<vmem>> -> memref<80x64xf32, #tpu.memory_space<vmem>>
    %dma_wait3A_578 = arith.constant 0 : i32
    %dma_wait3A_579 = tpu.memref_slice %arg12[%add3A_572, %dma_wait3A_578] : memref<25096x64xf32, #tpu.memory_space<vmem_shared>> -> memref<80x64xf32, #tpu.memory_space<vmem_shared>>
    %dma_wait3A_580 = arith.constant 0 : i32
    %dma_wait3A_581 = tpu.memref_slice %arg12[%add3A_572, %dma_wait3A_580] : memref<25096x64xf32, #tpu.memory_space<vmem_shared>> -> memref<80x64xf32, #tpu.memory_space<vmem_shared>>
    %dma_wait3A_582 = arith.constant 0 : i32
    %dma_wait3A_583 = arith.constant 0 : i32
    %dma_wait3A_584 = tpu.memref_slice %arg9[%dma_wait3A_573, %dma_wait3A_582, %dma_wait3A_583] : memref<5x80x64xf32, #tpu.memory_space<vmem>> -> memref<1x80x64xf32, #tpu.memory_space<vmem>>
    %dma_wait3A_585 = tpu.memref_squeeze %dma_wait3A_584 : memref<1x80x64xf32, #tpu.memory_space<vmem>> -> memref<80x64xf32, #tpu.memory_space<vmem>>
    tpu.wait_dma2 semaphore(%arg15 : memref<!tpu.dma_semaphore, #tpu.memory_space<semaphore_mem>>) src(%dma_wait3A_585 : memref<80x64xf32, #tpu.memory_space<vmem>>) dst(%dma_wait3A_581 : memref<80x64xf32, #tpu.memory_space<vmem_shared>>)
    %add3A_586 = arith.constant 1440 : i32
    %add3A_587 = arith.addi %mul3A_4, %add3A_586 : i32
    %dma_wait3A_588 = arith.constant 0 : i32
    %dma_wait3A_589 = arith.constant 0 : i32
    %dma_wait3A_590 = arith.constant 0 : i32
    %dma_wait3A_591 = tpu.memref_slice %arg9[%dma_wait3A_588, %dma_wait3A_589, %dma_wait3A_590] : memref<5x80x64xf32, #tpu.memory_space<vmem>> -> memref<1x80x64xf32, #tpu.memory_space<vmem>>
    %dma_wait3A_592 = tpu.memref_squeeze %dma_wait3A_591 : memref<1x80x64xf32, #tpu.memory_space<vmem>> -> memref<80x64xf32, #tpu.memory_space<vmem>>
    %dma_wait3A_593 = arith.constant 0 : i32
    %dma_wait3A_594 = tpu.memref_slice %arg12[%add3A_587, %dma_wait3A_593] : memref<25096x64xf32, #tpu.memory_space<vmem_shared>> -> memref<80x64xf32, #tpu.memory_space<vmem_shared>>
    %dma_wait3A_595 = arith.constant 0 : i32
    %dma_wait3A_596 = tpu.memref_slice %arg12[%add3A_587, %dma_wait3A_595] : memref<25096x64xf32, #tpu.memory_space<vmem_shared>> -> memref<80x64xf32, #tpu.memory_space<vmem_shared>>
    %dma_wait3A_597 = arith.constant 0 : i32
    %dma_wait3A_598 = arith.constant 0 : i32
    %dma_wait3A_599 = tpu.memref_slice %arg9[%dma_wait3A_588, %dma_wait3A_597, %dma_wait3A_598] : memref<5x80x64xf32, #tpu.memory_space<vmem>> -> memref<1x80x64xf32, #tpu.memory_space<vmem>>
    %dma_wait3A_600 = tpu.memref_squeeze %dma_wait3A_599 : memref<1x80x64xf32, #tpu.memory_space<vmem>> -> memref<80x64xf32, #tpu.memory_space<vmem>>
    tpu.wait_dma2 semaphore(%arg15 : memref<!tpu.dma_semaphore, #tpu.memory_space<semaphore_mem>>) src(%dma_wait3A_600 : memref<80x64xf32, #tpu.memory_space<vmem>>) dst(%dma_wait3A_596 : memref<80x64xf32, #tpu.memory_space<vmem_shared>>)
    %add3A_601 = arith.constant 1520 : i32
    %add3A_602 = arith.addi %mul3A_4, %add3A_601 : i32
    %dma_wait3A_603 = arith.constant 0 : i32
    %dma_wait3A_604 = arith.constant 0 : i32
    %dma_wait3A_605 = arith.constant 0 : i32
    %dma_wait3A_606 = tpu.memref_slice %arg9[%dma_wait3A_603, %dma_wait3A_604, %dma_wait3A_605] : memref<5x80x64xf32, #tpu.memory_space<vmem>> -> memref<1x80x64xf32, #tpu.memory_space<vmem>>
    %dma_wait3A_607 = tpu.memref_squeeze %dma_wait3A_606 : memref<1x80x64xf32, #tpu.memory_space<vmem>> -> memref<80x64xf32, #tpu.memory_space<vmem>>
    %dma_wait3A_608 = arith.constant 0 : i32
    %dma_wait3A_609 = arith.constant 0 : i32
    %dma_wait3A_610 = tpu.memref_slice %dma_wait3A_607[%dma_wait3A_608, %dma_wait3A_609] : memref<80x64xf32, #tpu.memory_space<vmem>> -> memref<48x64xf32, #tpu.memory_space<vmem>>
    %dma_wait3A_611 = arith.constant 0 : i32
    %dma_wait3A_612 = tpu.memref_slice %arg12[%add3A_602, %dma_wait3A_611] : memref<25096x64xf32, #tpu.memory_space<vmem_shared>> -> memref<48x64xf32, #tpu.memory_space<vmem_shared>>
    %dma_wait3A_613 = arith.constant 0 : i32
    %dma_wait3A_614 = tpu.memref_slice %arg12[%add3A_602, %dma_wait3A_613] : memref<25096x64xf32, #tpu.memory_space<vmem_shared>> -> memref<48x64xf32, #tpu.memory_space<vmem_shared>>
    %dma_wait3A_615 = arith.constant 0 : i32
    %dma_wait3A_616 = arith.constant 0 : i32
    %dma_wait3A_617 = tpu.memref_slice %arg9[%dma_wait3A_603, %dma_wait3A_615, %dma_wait3A_616] : memref<5x80x64xf32, #tpu.memory_space<vmem>> -> memref<1x80x64xf32, #tpu.memory_space<vmem>>
    %dma_wait3A_618 = tpu.memref_squeeze %dma_wait3A_617 : memref<1x80x64xf32, #tpu.memory_space<vmem>> -> memref<80x64xf32, #tpu.memory_space<vmem>>
    %dma_wait3A_619 = arith.constant 0 : i32
    %dma_wait3A_620 = arith.constant 0 : i32
    %dma_wait3A_621 = tpu.memref_slice %dma_wait3A_618[%dma_wait3A_619, %dma_wait3A_620] : memref<80x64xf32, #tpu.memory_space<vmem>> -> memref<48x64xf32, #tpu.memory_space<vmem>>
    tpu.wait_dma2 semaphore(%arg15 : memref<!tpu.dma_semaphore, #tpu.memory_space<semaphore_mem>>) src(%dma_wait3A_621 : memref<48x64xf32, #tpu.memory_space<vmem>>) dst(%dma_wait3A_614 : memref<48x64xf32, #tpu.memory_space<vmem_shared>>)
    %barrier3A = arith.constant 0 : index
    tpu.barrier barrier_id(%barrier3A)
    %dma_start3A_622 = arith.constant 0 : i32
    %dma_start3A_623 = tpu.memref_slice %arg6[%dma_start3A_622] : memref<800xi32, #tpu.memory_space<vmem>> -> memref<400xi32, #tpu.memory_space<vmem>>
    %dma_start3A_624 = tpu.memref_slice %arg3[%mul3A_6] : memref<800000xi32, #tpu.memory_space<hbm>> -> memref<400xi32, #tpu.memory_space<hbm>>
    %dma_start3A_625 = arith.constant 0 : i32
    %dma_start3A_626 = tpu.memref_slice %arg6[%dma_start3A_625] : memref<800xi32, #tpu.memory_space<vmem>> -> memref<400xi32, #tpu.memory_space<vmem>>
    %dma_start3A_627 = tpu.memref_slice %arg3[%mul3A_6] : memref<800000xi32, #tpu.memory_space<hbm>> -> memref<400xi32, #tpu.memory_space<hbm>>
    tpu.enqueue_dma source(%dma_start3A_627 : memref<400xi32, #tpu.memory_space<hbm>>) target(%dma_start3A_626 : memref<400xi32, #tpu.memory_space<vmem>>) target_semaphore(%arg13 : memref<!tpu.dma_semaphore, #tpu.memory_space<semaphore_mem>>)
    %dma_start3A_628 = arith.constant 0 : i32
    %dma_start3A_629 = tpu.memref_slice %arg7[%dma_start3A_628] : memref<800xi32, #tpu.memory_space<vmem>> -> memref<400xi32, #tpu.memory_space<vmem>>
    %dma_start3A_630 = tpu.memref_slice %arg4[%mul3A_6] : memref<800000xi32, #tpu.memory_space<hbm>> -> memref<400xi32, #tpu.memory_space<hbm>>
    %dma_start3A_631 = arith.constant 0 : i32
    %dma_start3A_632 = tpu.memref_slice %arg7[%dma_start3A_631] : memref<800xi32, #tpu.memory_space<vmem>> -> memref<400xi32, #tpu.memory_space<vmem>>
    %dma_start3A_633 = tpu.memref_slice %arg4[%mul3A_6] : memref<800000xi32, #tpu.memory_space<hbm>> -> memref<400xi32, #tpu.memory_space<hbm>>
    tpu.enqueue_dma source(%dma_start3A_633 : memref<400xi32, #tpu.memory_space<hbm>>) target(%dma_start3A_632 : memref<400xi32, #tpu.memory_space<vmem>>) target_semaphore(%arg14 : memref<!tpu.dma_semaphore, #tpu.memory_space<semaphore_mem>>)
    %scan3A_634 = arith.constant 0 : i32
    %scan3A_635 = arith.constant 0 : i32
    %scan3A_636 = arith.constant 0 : i32
    %scan3A_637 = arith.constant 125 : i32
    %scan3A_638 = arith.addi %scan3A_636, %scan3A_637 : i32
    %scan3A_639 = arith.constant 1 : i32
    %scan3A_640:2 = scf.for %scan3A_820 = %scan3A_636 to %scan3A_638 step %scan3A_639 iter_args(%scan3A_821 = %scan3A_634, %scan3A_822 = %scan3A_635) -> (i32, i32)  : i32 {
      %jit3A_823 = arith.constant 2 : i32
      %eq3A = arith.constant 0 : i32
      %eq3A_824 = arith.cmpi eq, %jit3A_823, %eq3A : i32
      %jit3A_825 = arith.constant 1 : i32
      %select_n3A_826 = arith.select %eq3A_824, %jit3A_825, %jit3A_823 : i32
      %rem3A = arith.remsi %scan3A_820, %select_n3A_826 : i32
      %ne3A = arith.constant 0 : i32
      %ne3A_827 = arith.cmpi ne, %rem3A, %ne3A : i32
      %lt3A_828 = arith.constant 0 : i32
      %lt3A_829 = arith.cmpi slt, %rem3A, %lt3A_828 : i32
      %lt3A_830 = arith.constant 0 : i32
      %lt3A_831 = arith.cmpi slt, %select_n3A_826, %lt3A_830 : i32
      %ne3A_832 = arith.xori %lt3A_829, %lt3A_831 : i1
      %and3A = arith.andi %ne3A_832, %ne3A_827 : i1
      %add3A_833 = arith.addi %rem3A, %select_n3A_826 : i32
      %select_n3A_834 = arith.select %and3A, %add3A_833, %rem3A : i32
      %mul3A_835 = arith.constant 400 : i32
      %mul3A_836 = arith.muli %select_n3A_834, %mul3A_835 : i32
      %sub3A_837 = arith.constant 400 : i32
      %sub3A_838 = arith.subi %sub3A_837, %mul3A_836 : i32
      %dma_wait3A_839 = tpu.memref_slice %arg6[%mul3A_836] : memref<800xi32, #tpu.memory_space<vmem>> -> memref<400xi32, #tpu.memory_space<vmem>>
      %dma_wait3A_840 = tpu.memref_slice %arg3[%mul3A_6] : memref<800000xi32, #tpu.memory_space<hbm>> -> memref<400xi32, #tpu.memory_space<hbm>>
      %dma_wait3A_841 = tpu.memref_slice %arg6[%mul3A_836] : memref<800xi32, #tpu.memory_space<vmem>> -> memref<400xi32, #tpu.memory_space<vmem>>
      %dma_wait3A_842 = tpu.memref_slice %arg3[%mul3A_6] : memref<800000xi32, #tpu.memory_space<hbm>> -> memref<400xi32, #tpu.memory_space<hbm>>
      tpu.wait_dma2 semaphore(%arg13 : memref<!tpu.dma_semaphore, #tpu.memory_space<semaphore_mem>>) src(%dma_wait3A_842 : memref<400xi32, #tpu.memory_space<hbm>>) dst(%dma_wait3A_841 : memref<400xi32, #tpu.memory_space<vmem>>)
      %dma_wait3A_843 = tpu.memref_slice %arg7[%mul3A_836] : memref<800xi32, #tpu.memory_space<vmem>> -> memref<400xi32, #tpu.memory_space<vmem>>
      %dma_wait3A_844 = tpu.memref_slice %arg4[%mul3A_6] : memref<800000xi32, #tpu.memory_space<hbm>> -> memref<400xi32, #tpu.memory_space<hbm>>
      %dma_wait3A_845 = tpu.memref_slice %arg7[%mul3A_836] : memref<800xi32, #tpu.memory_space<vmem>> -> memref<400xi32, #tpu.memory_space<vmem>>
      %dma_wait3A_846 = tpu.memref_slice %arg4[%mul3A_6] : memref<800000xi32, #tpu.memory_space<hbm>> -> memref<400xi32, #tpu.memory_space<hbm>>
      tpu.wait_dma2 semaphore(%arg14 : memref<!tpu.dma_semaphore, #tpu.memory_space<semaphore_mem>>) src(%dma_wait3A_846 : memref<400xi32, #tpu.memory_space<hbm>>) dst(%dma_wait3A_845 : memref<400xi32, #tpu.memory_space<vmem>>)
      %add3A_847 = arith.constant 1 : i32
      %add3A_848 = arith.addi %scan3A_820, %add3A_847 : i32
      %lt3A_849 = arith.constant 125 : i32
      %lt3A_850 = arith.cmpi slt, %add3A_848, %lt3A_849 : i32
      %convert_element_type3A_851 = arith.extui %lt3A_850 : i1 to i32
      %cond3A_852 = arith.constant 0 : i32
      %cond3A_853 = arith.cmpi ne, %convert_element_type3A_851, %cond3A_852 : i32
      scf.if %cond3A_853 {
        %add3A_985 = arith.constant 1 : i32
        %add3A_986 = arith.addi %scan3A_820, %add3A_985 : i32
        %mul3A_987 = arith.constant 400 : i32
        %mul3A_988 = arith.muli %add3A_986, %mul3A_987 : i32
        %add3A_989 = arith.addi %mul3A_6, %mul3A_988 : i32
        %dma_start3A_990 = tpu.memref_slice %arg6[%sub3A_838] : memref<800xi32, #tpu.memory_space<vmem>> -> memref<400xi32, #tpu.memory_space<vmem>>
        %dma_start3A_991 = tpu.memref_slice %arg3[%add3A_989] : memref<800000xi32, #tpu.memory_space<hbm>> -> memref<400xi32, #tpu.memory_space<hbm>>
        %dma_start3A_992 = tpu.memref_slice %arg6[%sub3A_838] : memref<800xi32, #tpu.memory_space<vmem>> -> memref<400xi32, #tpu.memory_space<vmem>>
        %dma_start3A_993 = tpu.memref_slice %arg3[%add3A_989] : memref<800000xi32, #tpu.memory_space<hbm>> -> memref<400xi32, #tpu.memory_space<hbm>>
        tpu.enqueue_dma source(%dma_start3A_993 : memref<400xi32, #tpu.memory_space<hbm>>) target(%dma_start3A_992 : memref<400xi32, #tpu.memory_space<vmem>>) target_semaphore(%arg13 : memref<!tpu.dma_semaphore, #tpu.memory_space<semaphore_mem>>)
        %dma_start3A_994 = tpu.memref_slice %arg7[%sub3A_838] : memref<800xi32, #tpu.memory_space<vmem>> -> memref<400xi32, #tpu.memory_space<vmem>>
        %dma_start3A_995 = tpu.memref_slice %arg4[%add3A_989] : memref<800000xi32, #tpu.memory_space<hbm>> -> memref<400xi32, #tpu.memory_space<hbm>>
        %dma_start3A_996 = tpu.memref_slice %arg7[%sub3A_838] : memref<800xi32, #tpu.memory_space<vmem>> -> memref<400xi32, #tpu.memory_space<vmem>>
        %dma_start3A_997 = tpu.memref_slice %arg4[%add3A_989] : memref<800000xi32, #tpu.memory_space<hbm>> -> memref<400xi32, #tpu.memory_space<hbm>>
        tpu.enqueue_dma source(%dma_start3A_997 : memref<400xi32, #tpu.memory_space<hbm>>) target(%dma_start3A_996 : memref<400xi32, #tpu.memory_space<vmem>>) target_semaphore(%arg14 : memref<!tpu.dma_semaphore, #tpu.memory_space<semaphore_mem>>)
      } else {
      }
      %scan3A_854 = arith.constant 0 : i32
      %scan3A_855 = arith.constant 25 : i32
      %scan3A_856 = arith.addi %scan3A_854, %scan3A_855 : i32
      %scan3A_857 = arith.constant 1 : i32
      %scan3A_858 = scf.for %scan3A_985 = %scan3A_854 to %scan3A_856 step %scan3A_857 iter_args(%scan3A_986 = %scan3A_821) -> (i32)  : i32 {
        %mul3A_987 = arith.constant 16 : i32
        %mul3A_988 = arith.muli %scan3A_985, %mul3A_987 : i32
        %add3A_989 = arith.addi %mul3A_836, %mul3A_988 : i32
        %get3A_990 = arith.index_cast %add3A_989 : i32 to index
        %get3A_991 = tpu.vector_load %arg7[%get3A_990] {strides = array<i32>} : memref<800xi32, #tpu.memory_space<vmem>>, vector<16xi32>,
        %mul3A_992 = arith.constant 16 : i32
        %mul3A_993 = arith.muli %scan3A_985, %mul3A_992 : i32
        %add3A_994 = arith.addi %mul3A_836, %mul3A_993 : i32
        %get3A_995 = arith.index_cast %add3A_994 : i32 to index
        %get3A_996 = tpu.vector_load %arg6[%get3A_995] {strides = array<i32>} : memref<800xi32, #tpu.memory_space<vmem>>, vector<16xi32>,
        %sub3A_997 = vector.broadcast %mul3A_0 : i32 to vector<16xi32>
        %sub3A_998 = arith.subi %get3A_991, %sub3A_997 : vector<16xi32>
        %lt3A_999 = vector.broadcast %min3A_2 : i32 to vector<16xi32>
        %lt3A_1000 = arith.cmpi ult, %sub3A_998, %lt3A_999 : vector<16xi32>
        %convert_element_type3A_1001 = arith.extui %lt3A_1000 : vector<16xi1> to vector<16xi32>
        %broadcast_in_dim3A_1002 = arith.constant true
        %broadcast_in_dim3A_1003 = vector.broadcast %broadcast_in_dim3A_1002 : i1 to vector<16xi1>
        %masked_cumsum3A = tpu.scan <sum>, %convert_element_type3A_1001 masked %broadcast_in_dim3A_1003 : vector<16xi32>, vector<16xi1> -> vector<16xi32>
        %add3A_1004 = vector.broadcast %scan3A_986 : i32 to vector<16xi32>
        %add3A_1005 = arith.addi %add3A_1004, %masked_cumsum3A : vector<16xi32>
        %sub3A_1006 = arith.constant 1 : i32
        %sub3A_1007 = vector.broadcast %sub3A_1006 : i32 to vector<16xi32>
        %sub3A_1008 = arith.subi %add3A_1005, %sub3A_1007 : vector<16xi32>
        tpu.vector_store_idx %arg11[%sub3A_1008], %sub3A_998 masked %lt3A_1000 : memref<480xi32, #tpu.memory_space<vmem>>[vector<16xi32>], vector<16xi32>, vector<16xi1>
        tpu.vector_store_idx %arg10[%sub3A_1008], %get3A_996 masked %lt3A_1000 : memref<480xi32, #tpu.memory_space<vmem>>[vector<16xi32>], vector<16xi32>, vector<16xi1>
        %slice3A = vector.extract_strided_slice %masked_cumsum3A {offsets = [15], sizes = [1], strides = [1]} : vector<16xi32> to vector<1xi32>
        %squeeze3A = vector.extract %slice3A[0] : i32 from vector<1xi32>
        %add3A_1009 = arith.addi %scan3A_986, %squeeze3A : i32
        scf.yield %add3A_1009 : i32
      }
      %scan3A_859 = arith.constant 25 : i32
      %jit3A_860 = arith.constant 80 : i32
      %div3A = arith.divsi %scan3A_858, %jit3A_860 : i32
      %sign3A = arith.constant 0 : i32
      %sign3A_861 = arith.cmpi sgt, %scan3A_858, %sign3A : i32
      %sign3A_862 = arith.extui %sign3A_861 : i1 to i32
      %sign3A_863 = arith.constant 0 : i32
      %sign3A_864 = arith.cmpi slt, %scan3A_858, %sign3A_863 : i32
      %sign3A_865 = arith.extui %sign3A_864 : i1 to i32
      %sign3A_866 = arith.subi %sign3A_862, %sign3A_865 : i32
      %sign3A_867 = arith.constant 0 : i32
      %sign3A_868 = arith.cmpi sgt, %jit3A_860, %sign3A_867 : i32
      %sign3A_869 = arith.extui %sign3A_868 : i1 to i32
      %sign3A_870 = arith.constant 0 : i32
      %sign3A_871 = arith.cmpi slt, %jit3A_860, %sign3A_870 : i32
      %sign3A_872 = arith.extui %sign3A_871 : i1 to i32
      %sign3A_873 = arith.subi %sign3A_869, %sign3A_872 : i32
      %ne3A_874 = arith.cmpi ne, %sign3A_866, %sign3A_873 : i32
      %rem3A_875 = arith.remsi %scan3A_858, %jit3A_860 : i32
      %ne3A_876 = arith.constant 0 : i32
      %ne3A_877 = arith.cmpi ne, %rem3A_875, %ne3A_876 : i32
      %and3A_878 = arith.andi %ne3A_874, %ne3A_877 : i1
      %sub3A_879 = arith.constant 1 : i32
      %sub3A_880 = arith.subi %div3A, %sub3A_879 : i32
      %select_n3A_881 = arith.select %and3A_878, %sub3A_880, %div3A : i32
      %mul3A_882 = arith.constant 80 : i32
      %mul3A_883 = arith.muli %select_n3A_881, %mul3A_882 : i32
      %sub3A_884 = arith.subi %scan3A_858, %mul3A_883 : i32
      %gt3A_885 = arith.constant 0 : i32
      %gt3A_886 = arith.cmpi sgt, %scan3A_822, %gt3A_885 : i32
      %convert_element_type3A_887 = arith.extui %gt3A_886 : i1 to i32
      %cond3A_888 = arith.constant 0 : i32
      %cond3A_889 = arith.cmpi ne, %convert_element_type3A_887, %cond3A_888 : i32
      scf.if %cond3A_889 {
        %dma_wait3A_985 = arith.constant 0 : i32
        %dma_wait3A_986 = arith.constant 0 : i32
        %dma_wait3A_987 = arith.constant 0 : i32
        %dma_wait3A_988 = arith.constant 0 : i32
        %dma_wait3A_989 = tpu.memref_slice %arg9[%dma_wait3A_985, %dma_wait3A_987, %dma_wait3A_988] : memref<5x80x64xf32, #tpu.memory_space<vmem>> -> memref<1x80x64xf32, #tpu.memory_space<vmem>>
        %dma_wait3A_990 = tpu.memref_squeeze %dma_wait3A_989 : memref<1x80x64xf32, #tpu.memory_space<vmem>> -> memref<80x64xf32, #tpu.memory_space<vmem>>
        %dma_wait3A_991 = arith.constant 0 : i32
        %dma_wait3A_992 = tpu.memref_slice %arg8[%dma_wait3A_986, %dma_wait3A_991] : memref<5x80xi32, #tpu.memory_space<vmem>> -> memref<1x80xi32, #tpu.memory_space<vmem>>
        %dma_wait3A_993 = tpu.memref_squeeze %dma_wait3A_992 : memref<1x80xi32, #tpu.memory_space<vmem>> -> memref<80xi32, #tpu.memory_space<vmem>>
        %dma_wait3A_994 = arith.constant 0 : i32
        %dma_wait3A_995 = arith.constant 0 : i32
        %dma_wait3A_996 = tpu.memref_slice %arg12[%dma_wait3A_994, %dma_wait3A_995] : memref<25096x64xf32, #tpu.memory_space<vmem_shared>> -> memref<25096x64xf32, #tpu.memory_space<vmem_shared>>
        tpu.wait_indirect_dma semaphore(%arg21 : memref<!tpu.dma_semaphore, #tpu.memory_space<semaphore_mem>>) src(%dma_wait3A_990 : memref<80x64xf32, #tpu.memory_space<vmem>>) dst(%dma_wait3A_996 : memref<25096x64xf32, #tpu.memory_space<vmem_shared>>)
      } else {
      }
      %gt3A_890 = arith.constant 0 : i32
      %gt3A_891 = arith.cmpi sgt, %select_n3A_881, %gt3A_890 : i32
      %convert_element_type3A_892 = arith.extui %gt3A_891 : i1 to i32
      %cond3A_893 = arith.constant 0 : i32
      %cond3A_894 = arith.cmpi ne, %convert_element_type3A_892, %cond3A_893 : i32
      scf.if %cond3A_894 {
        %get3A_985 = arith.constant 0 : index
        %get3A_986 = tpu.vector_load %arg11[%get3A_985] {strides = array<i32>} : memref<480xi32, #tpu.memory_space<vmem>>, vector<16xi32>,
        %swap3A_987 = arith.constant 0 : i32
        %swap3A_988 = arith.index_cast %swap3A_987 : i32 to index
        %swap3A_989 = arith.constant 0 : index
        %swap3A_990 = tpu.vector_load %arg8[%swap3A_988, %swap3A_989] {strides = array<i32>} : memref<5x80xi32, #tpu.memory_space<vmem>>, vector<16xi32>,
        tpu.vector_store %arg8[%swap3A_988, %swap3A_989], %get3A_986 {strides = array<i32>} : memref<5x80xi32, #tpu.memory_space<vmem>>, vector<16xi32>,
        %get3A_991 = arith.constant 16 : index
        %get3A_992 = tpu.vector_load %arg11[%get3A_991] {strides = array<i32>} : memref<480xi32, #tpu.memory_space<vmem>>, vector<16xi32>,
        %swap3A_993 = arith.constant 0 : i32
        %swap3A_994 = arith.index_cast %swap3A_993 : i32 to index
        %swap3A_995 = arith.constant 16 : index
        %swap3A_996 = tpu.vector_load %arg8[%swap3A_994, %swap3A_995] {strides = array<i32>} : memref<5x80xi32, #tpu.memory_space<vmem>>, vector<16xi32>,
        tpu.vector_store %arg8[%swap3A_994, %swap3A_995], %get3A_992 {strides = array<i32>} : memref<5x80xi32, #tpu.memory_space<vmem>>, vector<16xi32>,
        %get3A_997 = arith.constant 32 : index
        %get3A_998 = tpu.vector_load %arg11[%get3A_997] {strides = array<i32>} : memref<480xi32, #tpu.memory_space<vmem>>, vector<16xi32>,
        %swap3A_999 = arith.constant 0 : i32
        %swap3A_1000 = arith.index_cast %swap3A_999 : i32 to index
        %swap3A_1001 = arith.constant 32 : index
        %swap3A_1002 = tpu.vector_load %arg8[%swap3A_1000, %swap3A_1001] {strides = array<i32>} : memref<5x80xi32, #tpu.memory_space<vmem>>, vector<16xi32>,
        tpu.vector_store %arg8[%swap3A_1000, %swap3A_1001], %get3A_998 {strides = array<i32>} : memref<5x80xi32, #tpu.memory_space<vmem>>, vector<16xi32>,
        %get3A_1003 = arith.constant 48 : index
        %get3A_1004 = tpu.vector_load %arg11[%get3A_1003] {strides = array<i32>} : memref<480xi32, #tpu.memory_space<vmem>>, vector<16xi32>,
        %swap3A_1005 = arith.constant 0 : i32
        %swap3A_1006 = arith.index_cast %swap3A_1005 : i32 to index
        %swap3A_1007 = arith.constant 48 : index
        %swap3A_1008 = tpu.vector_load %arg8[%swap3A_1006, %swap3A_1007] {strides = array<i32>} : memref<5x80xi32, #tpu.memory_space<vmem>>, vector<16xi32>,
        tpu.vector_store %arg8[%swap3A_1006, %swap3A_1007], %get3A_1004 {strides = array<i32>} : memref<5x80xi32, #tpu.memory_space<vmem>>, vector<16xi32>,
        %get3A_1009 = arith.constant 64 : index
        %get3A_1010 = tpu.vector_load %arg11[%get3A_1009] {strides = array<i32>} : memref<480xi32, #tpu.memory_space<vmem>>, vector<16xi32>,
        %swap3A_1011 = arith.constant 0 : i32
        %swap3A_1012 = arith.index_cast %swap3A_1011 : i32 to index
        %swap3A_1013 = arith.constant 64 : index
        %swap3A_1014 = tpu.vector_load %arg8[%swap3A_1012, %swap3A_1013] {strides = array<i32>} : memref<5x80xi32, #tpu.memory_space<vmem>>, vector<16xi32>,
        tpu.vector_store %arg8[%swap3A_1012, %swap3A_1013], %get3A_1010 {strides = array<i32>} : memref<5x80xi32, #tpu.memory_space<vmem>>, vector<16xi32>,
        %dma_start3A_1015 = arith.constant 0 : i32
        %dma_start3A_1016 = arith.constant 0 : i32
        %dma_start3A_1017 = arith.constant 0 : i32
        %dma_start3A_1018 = tpu.memref_slice %arg9[%dma_start3A_1015, %dma_start3A_1016, %dma_start3A_1017] : memref<5x80x64xf32, #tpu.memory_space<vmem>> -> memref<1x80x64xf32, #tpu.memory_space<vmem>>
        %dma_start3A_1019 = tpu.memref_squeeze %dma_start3A_1018 : memref<1x80x64xf32, #tpu.memory_space<vmem>> -> memref<80x64xf32, #tpu.memory_space<vmem>>
        %dma_start3A_1020 = arith.constant 0 : i32
        %dma_start3A_1021 = tpu.memref_slice %arg10[%dma_start3A_1020] : memref<480xi32, #tpu.memory_space<vmem>> -> memref<80xi32, #tpu.memory_space<vmem>>
        %dma_start3A_1022 = arith.constant 0 : i32
        %dma_start3A_1023 = arith.constant 0 : i32
        %dma_start3A_1024 = tpu.memref_slice %arg2[%dma_start3A_1022, %dma_start3A_1023] : memref<50000x64xf32, #tpu.memory_space<hbm>> -> memref<50000x64xf32, #tpu.memory_space<hbm>>
        tpu.enqueue_indirect_dma source(%dma_start3A_1024 : memref<50000x64xf32, #tpu.memory_space<hbm>>) target(%dma_start3A_1019 : memref<80x64xf32, #tpu.memory_space<vmem>>) offsets(%dma_start3A_1021 : memref<80xi32, #tpu.memory_space<vmem>>) semaphore(%arg16 : memref<!tpu.dma_semaphore, #tpu.memory_space<semaphore_mem>>)
      } else {
      }
      %gt3A_895 = arith.constant 1 : i32
      %gt3A_896 = arith.cmpi sgt, %scan3A_822, %gt3A_895 : i32
      %convert_element_type3A_897 = arith.extui %gt3A_896 : i1 to i32
      %cond3A_898 = arith.constant 0 : i32
      %cond3A_899 = arith.cmpi ne, %convert_element_type3A_897, %cond3A_898 : i32
      scf.if %cond3A_899 {
        %dma_wait3A_985 = arith.constant 1 : i32
        %dma_wait3A_986 = arith.constant 1 : i32
        %dma_wait3A_987 = arith.constant 0 : i32
        %dma_wait3A_988 = arith.constant 0 : i32
        %dma_wait3A_989 = tpu.memref_slice %arg9[%dma_wait3A_985, %dma_wait3A_987, %dma_wait3A_988] : memref<5x80x64xf32, #tpu.memory_space<vmem>> -> memref<1x80x64xf32, #tpu.memory_space<vmem>>
        %dma_wait3A_990 = tpu.memref_squeeze %dma_wait3A_989 : memref<1x80x64xf32, #tpu.memory_space<vmem>> -> memref<80x64xf32, #tpu.memory_space<vmem>>
        %dma_wait3A_991 = arith.constant 0 : i32
        %dma_wait3A_992 = tpu.memref_slice %arg8[%dma_wait3A_986, %dma_wait3A_991] : memref<5x80xi32, #tpu.memory_space<vmem>> -> memref<1x80xi32, #tpu.memory_space<vmem>>
        %dma_wait3A_993 = tpu.memref_squeeze %dma_wait3A_992 : memref<1x80xi32, #tpu.memory_space<vmem>> -> memref<80xi32, #tpu.memory_space<vmem>>
        %dma_wait3A_994 = arith.constant 0 : i32
        %dma_wait3A_995 = arith.constant 0 : i32
        %dma_wait3A_996 = tpu.memref_slice %arg12[%dma_wait3A_994, %dma_wait3A_995] : memref<25096x64xf32, #tpu.memory_space<vmem_shared>> -> memref<25096x64xf32, #tpu.memory_space<vmem_shared>>
        tpu.wait_indirect_dma semaphore(%arg22 : memref<!tpu.dma_semaphore, #tpu.memory_space<semaphore_mem>>) src(%dma_wait3A_990 : memref<80x64xf32, #tpu.memory_space<vmem>>) dst(%dma_wait3A_996 : memref<25096x64xf32, #tpu.memory_space<vmem_shared>>)
      } else {
      }
      %gt3A_900 = arith.constant 1 : i32
      %gt3A_901 = arith.cmpi sgt, %select_n3A_881, %gt3A_900 : i32
      %convert_element_type3A_902 = arith.extui %gt3A_901 : i1 to i32
      %cond3A_903 = arith.constant 0 : i32
      %cond3A_904 = arith.cmpi ne, %convert_element_type3A_902, %cond3A_903 : i32
      scf.if %cond3A_904 {
        %get3A_985 = arith.constant 80 : index
        %get3A_986 = tpu.vector_load %arg11[%get3A_985] {strides = array<i32>} : memref<480xi32, #tpu.memory_space<vmem>>, vector<16xi32>,
        %swap3A_987 = arith.constant 1 : i32
        %swap3A_988 = arith.index_cast %swap3A_987 : i32 to index
        %swap3A_989 = arith.constant 0 : index
        %swap3A_990 = tpu.vector_load %arg8[%swap3A_988, %swap3A_989] {strides = array<i32>} : memref<5x80xi32, #tpu.memory_space<vmem>>, vector<16xi32>,
        tpu.vector_store %arg8[%swap3A_988, %swap3A_989], %get3A_986 {strides = array<i32>} : memref<5x80xi32, #tpu.memory_space<vmem>>, vector<16xi32>,
        %get3A_991 = arith.constant 96 : index
        %get3A_992 = tpu.vector_load %arg11[%get3A_991] {strides = array<i32>} : memref<480xi32, #tpu.memory_space<vmem>>, vector<16xi32>,
        %swap3A_993 = arith.constant 1 : i32
        %swap3A_994 = arith.index_cast %swap3A_993 : i32 to index
        %swap3A_995 = arith.constant 16 : index
        %swap3A_996 = tpu.vector_load %arg8[%swap3A_994, %swap3A_995] {strides = array<i32>} : memref<5x80xi32, #tpu.memory_space<vmem>>, vector<16xi32>,
        tpu.vector_store %arg8[%swap3A_994, %swap3A_995], %get3A_992 {strides = array<i32>} : memref<5x80xi32, #tpu.memory_space<vmem>>, vector<16xi32>,
        %get3A_997 = arith.constant 112 : index
        %get3A_998 = tpu.vector_load %arg11[%get3A_997] {strides = array<i32>} : memref<480xi32, #tpu.memory_space<vmem>>, vector<16xi32>,
        %swap3A_999 = arith.constant 1 : i32
        %swap3A_1000 = arith.index_cast %swap3A_999 : i32 to index
        %swap3A_1001 = arith.constant 32 : index
        %swap3A_1002 = tpu.vector_load %arg8[%swap3A_1000, %swap3A_1001] {strides = array<i32>} : memref<5x80xi32, #tpu.memory_space<vmem>>, vector<16xi32>,
        tpu.vector_store %arg8[%swap3A_1000, %swap3A_1001], %get3A_998 {strides = array<i32>} : memref<5x80xi32, #tpu.memory_space<vmem>>, vector<16xi32>,
        %get3A_1003 = arith.constant 128 : index
        %get3A_1004 = tpu.vector_load %arg11[%get3A_1003] {strides = array<i32>} : memref<480xi32, #tpu.memory_space<vmem>>, vector<16xi32>,
        %swap3A_1005 = arith.constant 1 : i32
        %swap3A_1006 = arith.index_cast %swap3A_1005 : i32 to index
        %swap3A_1007 = arith.constant 48 : index
        %swap3A_1008 = tpu.vector_load %arg8[%swap3A_1006, %swap3A_1007] {strides = array<i32>} : memref<5x80xi32, #tpu.memory_space<vmem>>, vector<16xi32>,
        tpu.vector_store %arg8[%swap3A_1006, %swap3A_1007], %get3A_1004 {strides = array<i32>} : memref<5x80xi32, #tpu.memory_space<vmem>>, vector<16xi32>,
        %get3A_1009 = arith.constant 144 : index
        %get3A_1010 = tpu.vector_load %arg11[%get3A_1009] {strides = array<i32>} : memref<480xi32, #tpu.memory_space<vmem>>, vector<16xi32>,
        %swap3A_1011 = arith.constant 1 : i32
        %swap3A_1012 = arith.index_cast %swap3A_1011 : i32 to index
        %swap3A_1013 = arith.constant 64 : index
        %swap3A_1014 = tpu.vector_load %arg8[%swap3A_1012, %swap3A_1013] {strides = array<i32>} : memref<5x80xi32, #tpu.memory_space<vmem>>, vector<16xi32>,
        tpu.vector_store %arg8[%swap3A_1012, %swap3A_1013], %get3A_1010 {strides = array<i32>} : memref<5x80xi32, #tpu.memory_space<vmem>>, vector<16xi32>,
        %dma_start3A_1015 = arith.constant 1 : i32
        %dma_start3A_1016 = arith.constant 0 : i32
        %dma_start3A_1017 = arith.constant 0 : i32
        %dma_start3A_1018 = tpu.memref_slice %arg9[%dma_start3A_1015, %dma_start3A_1016, %dma_start3A_1017] : memref<5x80x64xf32, #tpu.memory_space<vmem>> -> memref<1x80x64xf32, #tpu.memory_space<vmem>>
        %dma_start3A_1019 = tpu.memref_squeeze %dma_start3A_1018 : memref<1x80x64xf32, #tpu.memory_space<vmem>> -> memref<80x64xf32, #tpu.memory_space<vmem>>
        %dma_start3A_1020 = arith.constant 80 : i32
        %dma_start3A_1021 = tpu.memref_slice %arg10[%dma_start3A_1020] : memref<480xi32, #tpu.memory_space<vmem>> -> memref<80xi32, #tpu.memory_space<vmem>>
        %dma_start3A_1022 = arith.constant 0 : i32
        %dma_start3A_1023 = arith.constant 0 : i32
        %dma_start3A_1024 = tpu.memref_slice %arg2[%dma_start3A_1022, %dma_start3A_1023] : memref<50000x64xf32, #tpu.memory_space<hbm>> -> memref<50000x64xf32, #tpu.memory_space<hbm>>
        tpu.enqueue_indirect_dma source(%dma_start3A_1024 : memref<50000x64xf32, #tpu.memory_space<hbm>>) target(%dma_start3A_1019 : memref<80x64xf32, #tpu.memory_space<vmem>>) offsets(%dma_start3A_1021 : memref<80xi32, #tpu.memory_space<vmem>>) semaphore(%arg17 : memref<!tpu.dma_semaphore, #tpu.memory_space<semaphore_mem>>)
      } else {
      }
      %gt3A_905 = arith.constant 2 : i32
      %gt3A_906 = arith.cmpi sgt, %scan3A_822, %gt3A_905 : i32
      %convert_element_type3A_907 = arith.extui %gt3A_906 : i1 to i32
      %cond3A_908 = arith.constant 0 : i32
      %cond3A_909 = arith.cmpi ne, %convert_element_type3A_907, %cond3A_908 : i32
      scf.if %cond3A_909 {
        %dma_wait3A_985 = arith.constant 2 : i32
        %dma_wait3A_986 = arith.constant 2 : i32
        %dma_wait3A_987 = arith.constant 0 : i32
        %dma_wait3A_988 = arith.constant 0 : i32
        %dma_wait3A_989 = tpu.memref_slice %arg9[%dma_wait3A_985, %dma_wait3A_987, %dma_wait3A_988] : memref<5x80x64xf32, #tpu.memory_space<vmem>> -> memref<1x80x64xf32, #tpu.memory_space<vmem>>
        %dma_wait3A_990 = tpu.memref_squeeze %dma_wait3A_989 : memref<1x80x64xf32, #tpu.memory_space<vmem>> -> memref<80x64xf32, #tpu.memory_space<vmem>>
        %dma_wait3A_991 = arith.constant 0 : i32
        %dma_wait3A_992 = tpu.memref_slice %arg8[%dma_wait3A_986, %dma_wait3A_991] : memref<5x80xi32, #tpu.memory_space<vmem>> -> memref<1x80xi32, #tpu.memory_space<vmem>>
        %dma_wait3A_993 = tpu.memref_squeeze %dma_wait3A_992 : memref<1x80xi32, #tpu.memory_space<vmem>> -> memref<80xi32, #tpu.memory_space<vmem>>
        %dma_wait3A_994 = arith.constant 0 : i32
        %dma_wait3A_995 = arith.constant 0 : i32
        %dma_wait3A_996 = tpu.memref_slice %arg12[%dma_wait3A_994, %dma_wait3A_995] : memref<25096x64xf32, #tpu.memory_space<vmem_shared>> -> memref<25096x64xf32, #tpu.memory_space<vmem_shared>>
        tpu.wait_indirect_dma semaphore(%arg23 : memref<!tpu.dma_semaphore, #tpu.memory_space<semaphore_mem>>) src(%dma_wait3A_990 : memref<80x64xf32, #tpu.memory_space<vmem>>) dst(%dma_wait3A_996 : memref<25096x64xf32, #tpu.memory_space<vmem_shared>>)
      } else {
      }
      %gt3A_910 = arith.constant 2 : i32
      %gt3A_911 = arith.cmpi sgt, %select_n3A_881, %gt3A_910 : i32
      %convert_element_type3A_912 = arith.extui %gt3A_911 : i1 to i32
      %cond3A_913 = arith.constant 0 : i32
      %cond3A_914 = arith.cmpi ne, %convert_element_type3A_912, %cond3A_913 : i32
      scf.if %cond3A_914 {
        %get3A_985 = arith.constant 160 : index
        %get3A_986 = tpu.vector_load %arg11[%get3A_985] {strides = array<i32>} : memref<480xi32, #tpu.memory_space<vmem>>, vector<16xi32>,
        %swap3A_987 = arith.constant 2 : i32
        %swap3A_988 = arith.index_cast %swap3A_987 : i32 to index
        %swap3A_989 = arith.constant 0 : index
        %swap3A_990 = tpu.vector_load %arg8[%swap3A_988, %swap3A_989] {strides = array<i32>} : memref<5x80xi32, #tpu.memory_space<vmem>>, vector<16xi32>,
        tpu.vector_store %arg8[%swap3A_988, %swap3A_989], %get3A_986 {strides = array<i32>} : memref<5x80xi32, #tpu.memory_space<vmem>>, vector<16xi32>,
        %get3A_991 = arith.constant 176 : index
        %get3A_992 = tpu.vector_load %arg11[%get3A_991] {strides = array<i32>} : memref<480xi32, #tpu.memory_space<vmem>>, vector<16xi32>,
        %swap3A_993 = arith.constant 2 : i32
        %swap3A_994 = arith.index_cast %swap3A_993 : i32 to index
        %swap3A_995 = arith.constant 16 : index
        %swap3A_996 = tpu.vector_load %arg8[%swap3A_994, %swap3A_995] {strides = array<i32>} : memref<5x80xi32, #tpu.memory_space<vmem>>, vector<16xi32>,
        tpu.vector_store %arg8[%swap3A_994, %swap3A_995], %get3A_992 {strides = array<i32>} : memref<5x80xi32, #tpu.memory_space<vmem>>, vector<16xi32>,
        %get3A_997 = arith.constant 192 : index
        %get3A_998 = tpu.vector_load %arg11[%get3A_997] {strides = array<i32>} : memref<480xi32, #tpu.memory_space<vmem>>, vector<16xi32>,
        %swap3A_999 = arith.constant 2 : i32
        %swap3A_1000 = arith.index_cast %swap3A_999 : i32 to index
        %swap3A_1001 = arith.constant 32 : index
        %swap3A_1002 = tpu.vector_load %arg8[%swap3A_1000, %swap3A_1001] {strides = array<i32>} : memref<5x80xi32, #tpu.memory_space<vmem>>, vector<16xi32>,
        tpu.vector_store %arg8[%swap3A_1000, %swap3A_1001], %get3A_998 {strides = array<i32>} : memref<5x80xi32, #tpu.memory_space<vmem>>, vector<16xi32>,
        %get3A_1003 = arith.constant 208 : index
        %get3A_1004 = tpu.vector_load %arg11[%get3A_1003] {strides = array<i32>} : memref<480xi32, #tpu.memory_space<vmem>>, vector<16xi32>,
        %swap3A_1005 = arith.constant 2 : i32
        %swap3A_1006 = arith.index_cast %swap3A_1005 : i32 to index
        %swap3A_1007 = arith.constant 48 : index
        %swap3A_1008 = tpu.vector_load %arg8[%swap3A_1006, %swap3A_1007] {strides = array<i32>} : memref<5x80xi32, #tpu.memory_space<vmem>>, vector<16xi32>,
        tpu.vector_store %arg8[%swap3A_1006, %swap3A_1007], %get3A_1004 {strides = array<i32>} : memref<5x80xi32, #tpu.memory_space<vmem>>, vector<16xi32>,
        %get3A_1009 = arith.constant 224 : index
        %get3A_1010 = tpu.vector_load %arg11[%get3A_1009] {strides = array<i32>} : memref<480xi32, #tpu.memory_space<vmem>>, vector<16xi32>,
        %swap3A_1011 = arith.constant 2 : i32
        %swap3A_1012 = arith.index_cast %swap3A_1011 : i32 to index
        %swap3A_1013 = arith.constant 64 : index
        %swap3A_1014 = tpu.vector_load %arg8[%swap3A_1012, %swap3A_1013] {strides = array<i32>} : memref<5x80xi32, #tpu.memory_space<vmem>>, vector<16xi32>,
        tpu.vector_store %arg8[%swap3A_1012, %swap3A_1013], %get3A_1010 {strides = array<i32>} : memref<5x80xi32, #tpu.memory_space<vmem>>, vector<16xi32>,
        %dma_start3A_1015 = arith.constant 2 : i32
        %dma_start3A_1016 = arith.constant 0 : i32
        %dma_start3A_1017 = arith.constant 0 : i32
        %dma_start3A_1018 = tpu.memref_slice %arg9[%dma_start3A_1015, %dma_start3A_1016, %dma_start3A_1017] : memref<5x80x64xf32, #tpu.memory_space<vmem>> -> memref<1x80x64xf32, #tpu.memory_space<vmem>>
        %dma_start3A_1019 = tpu.memref_squeeze %dma_start3A_1018 : memref<1x80x64xf32, #tpu.memory_space<vmem>> -> memref<80x64xf32, #tpu.memory_space<vmem>>
        %dma_start3A_1020 = arith.constant 160 : i32
        %dma_start3A_1021 = tpu.memref_slice %arg10[%dma_start3A_1020] : memref<480xi32, #tpu.memory_space<vmem>> -> memref<80xi32, #tpu.memory_space<vmem>>
        %dma_start3A_1022 = arith.constant 0 : i32
        %dma_start3A_1023 = arith.constant 0 : i32
        %dma_start3A_1024 = tpu.memref_slice %arg2[%dma_start3A_1022, %dma_start3A_1023] : memref<50000x64xf32, #tpu.memory_space<hbm>> -> memref<50000x64xf32, #tpu.memory_space<hbm>>
        tpu.enqueue_indirect_dma source(%dma_start3A_1024 : memref<50000x64xf32, #tpu.memory_space<hbm>>) target(%dma_start3A_1019 : memref<80x64xf32, #tpu.memory_space<vmem>>) offsets(%dma_start3A_1021 : memref<80xi32, #tpu.memory_space<vmem>>) semaphore(%arg18 : memref<!tpu.dma_semaphore, #tpu.memory_space<semaphore_mem>>)
      } else {
      }
      %gt3A_915 = arith.constant 3 : i32
      %gt3A_916 = arith.cmpi sgt, %scan3A_822, %gt3A_915 : i32
      %convert_element_type3A_917 = arith.extui %gt3A_916 : i1 to i32
      %cond3A_918 = arith.constant 0 : i32
      %cond3A_919 = arith.cmpi ne, %convert_element_type3A_917, %cond3A_918 : i32
      scf.if %cond3A_919 {
        %dma_wait3A_985 = arith.constant 3 : i32
        %dma_wait3A_986 = arith.constant 3 : i32
        %dma_wait3A_987 = arith.constant 0 : i32
        %dma_wait3A_988 = arith.constant 0 : i32
        %dma_wait3A_989 = tpu.memref_slice %arg9[%dma_wait3A_985, %dma_wait3A_987, %dma_wait3A_988] : memref<5x80x64xf32, #tpu.memory_space<vmem>> -> memref<1x80x64xf32, #tpu.memory_space<vmem>>
        %dma_wait3A_990 = tpu.memref_squeeze %dma_wait3A_989 : memref<1x80x64xf32, #tpu.memory_space<vmem>> -> memref<80x64xf32, #tpu.memory_space<vmem>>
        %dma_wait3A_991 = arith.constant 0 : i32
        %dma_wait3A_992 = tpu.memref_slice %arg8[%dma_wait3A_986, %dma_wait3A_991] : memref<5x80xi32, #tpu.memory_space<vmem>> -> memref<1x80xi32, #tpu.memory_space<vmem>>
        %dma_wait3A_993 = tpu.memref_squeeze %dma_wait3A_992 : memref<1x80xi32, #tpu.memory_space<vmem>> -> memref<80xi32, #tpu.memory_space<vmem>>
        %dma_wait3A_994 = arith.constant 0 : i32
        %dma_wait3A_995 = arith.constant 0 : i32
        %dma_wait3A_996 = tpu.memref_slice %arg12[%dma_wait3A_994, %dma_wait3A_995] : memref<25096x64xf32, #tpu.memory_space<vmem_shared>> -> memref<25096x64xf32, #tpu.memory_space<vmem_shared>>
        tpu.wait_indirect_dma semaphore(%arg24 : memref<!tpu.dma_semaphore, #tpu.memory_space<semaphore_mem>>) src(%dma_wait3A_990 : memref<80x64xf32, #tpu.memory_space<vmem>>) dst(%dma_wait3A_996 : memref<25096x64xf32, #tpu.memory_space<vmem_shared>>)
      } else {
      }
      %gt3A_920 = arith.constant 3 : i32
      %gt3A_921 = arith.cmpi sgt, %select_n3A_881, %gt3A_920 : i32
      %convert_element_type3A_922 = arith.extui %gt3A_921 : i1 to i32
      %cond3A_923 = arith.constant 0 : i32
      %cond3A_924 = arith.cmpi ne, %convert_element_type3A_922, %cond3A_923 : i32
      scf.if %cond3A_924 {
        %get3A_985 = arith.constant 240 : index
        %get3A_986 = tpu.vector_load %arg11[%get3A_985] {strides = array<i32>} : memref<480xi32, #tpu.memory_space<vmem>>, vector<16xi32>,
        %swap3A_987 = arith.constant 3 : i32
        %swap3A_988 = arith.index_cast %swap3A_987 : i32 to index
        %swap3A_989 = arith.constant 0 : index
        %swap3A_990 = tpu.vector_load %arg8[%swap3A_988, %swap3A_989] {strides = array<i32>} : memref<5x80xi32, #tpu.memory_space<vmem>>, vector<16xi32>,
        tpu.vector_store %arg8[%swap3A_988, %swap3A_989], %get3A_986 {strides = array<i32>} : memref<5x80xi32, #tpu.memory_space<vmem>>, vector<16xi32>,
        %get3A_991 = arith.constant 256 : index
        %get3A_992 = tpu.vector_load %arg11[%get3A_991] {strides = array<i32>} : memref<480xi32, #tpu.memory_space<vmem>>, vector<16xi32>,
        %swap3A_993 = arith.constant 3 : i32
        %swap3A_994 = arith.index_cast %swap3A_993 : i32 to index
        %swap3A_995 = arith.constant 16 : index
        %swap3A_996 = tpu.vector_load %arg8[%swap3A_994, %swap3A_995] {strides = array<i32>} : memref<5x80xi32, #tpu.memory_space<vmem>>, vector<16xi32>,
        tpu.vector_store %arg8[%swap3A_994, %swap3A_995], %get3A_992 {strides = array<i32>} : memref<5x80xi32, #tpu.memory_space<vmem>>, vector<16xi32>,
        %get3A_997 = arith.constant 272 : index
        %get3A_998 = tpu.vector_load %arg11[%get3A_997] {strides = array<i32>} : memref<480xi32, #tpu.memory_space<vmem>>, vector<16xi32>,
        %swap3A_999 = arith.constant 3 : i32
        %swap3A_1000 = arith.index_cast %swap3A_999 : i32 to index
        %swap3A_1001 = arith.constant 32 : index
        %swap3A_1002 = tpu.vector_load %arg8[%swap3A_1000, %swap3A_1001] {strides = array<i32>} : memref<5x80xi32, #tpu.memory_space<vmem>>, vector<16xi32>,
        tpu.vector_store %arg8[%swap3A_1000, %swap3A_1001], %get3A_998 {strides = array<i32>} : memref<5x80xi32, #tpu.memory_space<vmem>>, vector<16xi32>,
        %get3A_1003 = arith.constant 288 : index
        %get3A_1004 = tpu.vector_load %arg11[%get3A_1003] {strides = array<i32>} : memref<480xi32, #tpu.memory_space<vmem>>, vector<16xi32>,
        %swap3A_1005 = arith.constant 3 : i32
        %swap3A_1006 = arith.index_cast %swap3A_1005 : i32 to index
        %swap3A_1007 = arith.constant 48 : index
        %swap3A_1008 = tpu.vector_load %arg8[%swap3A_1006, %swap3A_1007] {strides = array<i32>} : memref<5x80xi32, #tpu.memory_space<vmem>>, vector<16xi32>,
        tpu.vector_store %arg8[%swap3A_1006, %swap3A_1007], %get3A_1004 {strides = array<i32>} : memref<5x80xi32, #tpu.memory_space<vmem>>, vector<16xi32>,
        %get3A_1009 = arith.constant 304 : index
        %get3A_1010 = tpu.vector_load %arg11[%get3A_1009] {strides = array<i32>} : memref<480xi32, #tpu.memory_space<vmem>>, vector<16xi32>,
        %swap3A_1011 = arith.constant 3 : i32
        %swap3A_1012 = arith.index_cast %swap3A_1011 : i32 to index
        %swap3A_1013 = arith.constant 64 : index
        %swap3A_1014 = tpu.vector_load %arg8[%swap3A_1012, %swap3A_1013] {strides = array<i32>} : memref<5x80xi32, #tpu.memory_space<vmem>>, vector<16xi32>,
        tpu.vector_store %arg8[%swap3A_1012, %swap3A_1013], %get3A_1010 {strides = array<i32>} : memref<5x80xi32, #tpu.memory_space<vmem>>, vector<16xi32>,
        %dma_start3A_1015 = arith.constant 3 : i32
        %dma_start3A_1016 = arith.constant 0 : i32
        %dma_start3A_1017 = arith.constant 0 : i32
        %dma_start3A_1018 = tpu.memref_slice %arg9[%dma_start3A_1015, %dma_start3A_1016, %dma_start3A_1017] : memref<5x80x64xf32, #tpu.memory_space<vmem>> -> memref<1x80x64xf32, #tpu.memory_space<vmem>>
        %dma_start3A_1019 = tpu.memref_squeeze %dma_start3A_1018 : memref<1x80x64xf32, #tpu.memory_space<vmem>> -> memref<80x64xf32, #tpu.memory_space<vmem>>
        %dma_start3A_1020 = arith.constant 240 : i32
        %dma_start3A_1021 = tpu.memref_slice %arg10[%dma_start3A_1020] : memref<480xi32, #tpu.memory_space<vmem>> -> memref<80xi32, #tpu.memory_space<vmem>>
        %dma_start3A_1022 = arith.constant 0 : i32
        %dma_start3A_1023 = arith.constant 0 : i32
        %dma_start3A_1024 = tpu.memref_slice %arg2[%dma_start3A_1022, %dma_start3A_1023] : memref<50000x64xf32, #tpu.memory_space<hbm>> -> memref<50000x64xf32, #tpu.memory_space<hbm>>
        tpu.enqueue_indirect_dma source(%dma_start3A_1024 : memref<50000x64xf32, #tpu.memory_space<hbm>>) target(%dma_start3A_1019 : memref<80x64xf32, #tpu.memory_space<vmem>>) offsets(%dma_start3A_1021 : memref<80xi32, #tpu.memory_space<vmem>>) semaphore(%arg19 : memref<!tpu.dma_semaphore, #tpu.memory_space<semaphore_mem>>)
      } else {
      }
      %gt3A_925 = arith.constant 4 : i32
      %gt3A_926 = arith.cmpi sgt, %scan3A_822, %gt3A_925 : i32
      %convert_element_type3A_927 = arith.extui %gt3A_926 : i1 to i32
      %cond3A_928 = arith.constant 0 : i32
      %cond3A_929 = arith.cmpi ne, %convert_element_type3A_927, %cond3A_928 : i32
      scf.if %cond3A_929 {
        %dma_wait3A_985 = arith.constant 4 : i32
        %dma_wait3A_986 = arith.constant 4 : i32
        %dma_wait3A_987 = arith.constant 0 : i32
        %dma_wait3A_988 = arith.constant 0 : i32
        %dma_wait3A_989 = tpu.memref_slice %arg9[%dma_wait3A_985, %dma_wait3A_987, %dma_wait3A_988] : memref<5x80x64xf32, #tpu.memory_space<vmem>> -> memref<1x80x64xf32, #tpu.memory_space<vmem>>
        %dma_wait3A_990 = tpu.memref_squeeze %dma_wait3A_989 : memref<1x80x64xf32, #tpu.memory_space<vmem>> -> memref<80x64xf32, #tpu.memory_space<vmem>>
        %dma_wait3A_991 = arith.constant 0 : i32
        %dma_wait3A_992 = tpu.memref_slice %arg8[%dma_wait3A_986, %dma_wait3A_991] : memref<5x80xi32, #tpu.memory_space<vmem>> -> memref<1x80xi32, #tpu.memory_space<vmem>>
        %dma_wait3A_993 = tpu.memref_squeeze %dma_wait3A_992 : memref<1x80xi32, #tpu.memory_space<vmem>> -> memref<80xi32, #tpu.memory_space<vmem>>
        %dma_wait3A_994 = arith.constant 0 : i32
        %dma_wait3A_995 = arith.constant 0 : i32
        %dma_wait3A_996 = tpu.memref_slice %arg12[%dma_wait3A_994, %dma_wait3A_995] : memref<25096x64xf32, #tpu.memory_space<vmem_shared>> -> memref<25096x64xf32, #tpu.memory_space<vmem_shared>>
        tpu.wait_indirect_dma semaphore(%arg25 : memref<!tpu.dma_semaphore, #tpu.memory_space<semaphore_mem>>) src(%dma_wait3A_990 : memref<80x64xf32, #tpu.memory_space<vmem>>) dst(%dma_wait3A_996 : memref<25096x64xf32, #tpu.memory_space<vmem_shared>>)
      } else {
      }
      %gt3A_930 = arith.constant 4 : i32
      %gt3A_931 = arith.cmpi sgt, %select_n3A_881, %gt3A_930 : i32
      %convert_element_type3A_932 = arith.extui %gt3A_931 : i1 to i32
      %cond3A_933 = arith.constant 0 : i32
      %cond3A_934 = arith.cmpi ne, %convert_element_type3A_932, %cond3A_933 : i32
      scf.if %cond3A_934 {
        %get3A_985 = arith.constant 320 : index
        %get3A_986 = tpu.vector_load %arg11[%get3A_985] {strides = array<i32>} : memref<480xi32, #tpu.memory_space<vmem>>, vector<16xi32>,
        %swap3A_987 = arith.constant 4 : i32
        %swap3A_988 = arith.index_cast %swap3A_987 : i32 to index
        %swap3A_989 = arith.constant 0 : index
        %swap3A_990 = tpu.vector_load %arg8[%swap3A_988, %swap3A_989] {strides = array<i32>} : memref<5x80xi32, #tpu.memory_space<vmem>>, vector<16xi32>,
        tpu.vector_store %arg8[%swap3A_988, %swap3A_989], %get3A_986 {strides = array<i32>} : memref<5x80xi32, #tpu.memory_space<vmem>>, vector<16xi32>,
        %get3A_991 = arith.constant 336 : index
        %get3A_992 = tpu.vector_load %arg11[%get3A_991] {strides = array<i32>} : memref<480xi32, #tpu.memory_space<vmem>>, vector<16xi32>,
        %swap3A_993 = arith.constant 4 : i32
        %swap3A_994 = arith.index_cast %swap3A_993 : i32 to index
        %swap3A_995 = arith.constant 16 : index
        %swap3A_996 = tpu.vector_load %arg8[%swap3A_994, %swap3A_995] {strides = array<i32>} : memref<5x80xi32, #tpu.memory_space<vmem>>, vector<16xi32>,
        tpu.vector_store %arg8[%swap3A_994, %swap3A_995], %get3A_992 {strides = array<i32>} : memref<5x80xi32, #tpu.memory_space<vmem>>, vector<16xi32>,
        %get3A_997 = arith.constant 352 : index
        %get3A_998 = tpu.vector_load %arg11[%get3A_997] {strides = array<i32>} : memref<480xi32, #tpu.memory_space<vmem>>, vector<16xi32>,
        %swap3A_999 = arith.constant 4 : i32
        %swap3A_1000 = arith.index_cast %swap3A_999 : i32 to index
        %swap3A_1001 = arith.constant 32 : index
        %swap3A_1002 = tpu.vector_load %arg8[%swap3A_1000, %swap3A_1001] {strides = array<i32>} : memref<5x80xi32, #tpu.memory_space<vmem>>, vector<16xi32>,
        tpu.vector_store %arg8[%swap3A_1000, %swap3A_1001], %get3A_998 {strides = array<i32>} : memref<5x80xi32, #tpu.memory_space<vmem>>, vector<16xi32>,
        %get3A_1003 = arith.constant 368 : index
        %get3A_1004 = tpu.vector_load %arg11[%get3A_1003] {strides = array<i32>} : memref<480xi32, #tpu.memory_space<vmem>>, vector<16xi32>,
        %swap3A_1005 = arith.constant 4 : i32
        %swap3A_1006 = arith.index_cast %swap3A_1005 : i32 to index
        %swap3A_1007 = arith.constant 48 : index
        %swap3A_1008 = tpu.vector_load %arg8[%swap3A_1006, %swap3A_1007] {strides = array<i32>} : memref<5x80xi32, #tpu.memory_space<vmem>>, vector<16xi32>,
        tpu.vector_store %arg8[%swap3A_1006, %swap3A_1007], %get3A_1004 {strides = array<i32>} : memref<5x80xi32, #tpu.memory_space<vmem>>, vector<16xi32>,
        %get3A_1009 = arith.constant 384 : index
        %get3A_1010 = tpu.vector_load %arg11[%get3A_1009] {strides = array<i32>} : memref<480xi32, #tpu.memory_space<vmem>>, vector<16xi32>,
        %swap3A_1011 = arith.constant 4 : i32
        %swap3A_1012 = arith.index_cast %swap3A_1011 : i32 to index
        %swap3A_1013 = arith.constant 64 : index
        %swap3A_1014 = tpu.vector_load %arg8[%swap3A_1012, %swap3A_1013] {strides = array<i32>} : memref<5x80xi32, #tpu.memory_space<vmem>>, vector<16xi32>,
        tpu.vector_store %arg8[%swap3A_1012, %swap3A_1013], %get3A_1010 {strides = array<i32>} : memref<5x80xi32, #tpu.memory_space<vmem>>, vector<16xi32>,
        %dma_start3A_1015 = arith.constant 4 : i32
        %dma_start3A_1016 = arith.constant 0 : i32
        %dma_start3A_1017 = arith.constant 0 : i32
        %dma_start3A_1018 = tpu.memref_slice %arg9[%dma_start3A_1015, %dma_start3A_1016, %dma_start3A_1017] : memref<5x80x64xf32, #tpu.memory_space<vmem>> -> memref<1x80x64xf32, #tpu.memory_space<vmem>>
        %dma_start3A_1019 = tpu.memref_squeeze %dma_start3A_1018 : memref<1x80x64xf32, #tpu.memory_space<vmem>> -> memref<80x64xf32, #tpu.memory_space<vmem>>
        %dma_start3A_1020 = arith.constant 320 : i32
        %dma_start3A_1021 = tpu.memref_slice %arg10[%dma_start3A_1020] : memref<480xi32, #tpu.memory_space<vmem>> -> memref<80xi32, #tpu.memory_space<vmem>>
        %dma_start3A_1022 = arith.constant 0 : i32
        %dma_start3A_1023 = arith.constant 0 : i32
        %dma_start3A_1024 = tpu.memref_slice %arg2[%dma_start3A_1022, %dma_start3A_1023] : memref<50000x64xf32, #tpu.memory_space<hbm>> -> memref<50000x64xf32, #tpu.memory_space<hbm>>
        tpu.enqueue_indirect_dma source(%dma_start3A_1024 : memref<50000x64xf32, #tpu.memory_space<hbm>>) target(%dma_start3A_1019 : memref<80x64xf32, #tpu.memory_space<vmem>>) offsets(%dma_start3A_1021 : memref<80xi32, #tpu.memory_space<vmem>>) semaphore(%arg20 : memref<!tpu.dma_semaphore, #tpu.memory_space<semaphore_mem>>)
      } else {
      }
      %gt3A_935 = arith.constant 0 : i32
      %gt3A_936 = arith.cmpi sgt, %select_n3A_881, %gt3A_935 : i32
      %convert_element_type3A_937 = arith.extui %gt3A_936 : i1 to i32
      %cond3A_938 = arith.constant 0 : i32
      %cond3A_939 = arith.cmpi ne, %convert_element_type3A_937, %cond3A_938 : i32
      scf.if %cond3A_939 {
        %dma_wait3A_985 = arith.constant 0 : i32
        %dma_wait3A_986 = arith.constant 0 : i32
        %dma_wait3A_987 = arith.constant 0 : i32
        %dma_wait3A_988 = tpu.memref_slice %arg9[%dma_wait3A_985, %dma_wait3A_986, %dma_wait3A_987] : memref<5x80x64xf32, #tpu.memory_space<vmem>> -> memref<1x80x64xf32, #tpu.memory_space<vmem>>
        %dma_wait3A_989 = tpu.memref_squeeze %dma_wait3A_988 : memref<1x80x64xf32, #tpu.memory_space<vmem>> -> memref<80x64xf32, #tpu.memory_space<vmem>>
        %dma_wait3A_990 = arith.constant 0 : i32
        %dma_wait3A_991 = tpu.memref_slice %arg10[%dma_wait3A_990] : memref<480xi32, #tpu.memory_space<vmem>> -> memref<80xi32, #tpu.memory_space<vmem>>
        %dma_wait3A_992 = arith.constant 0 : i32
        %dma_wait3A_993 = arith.constant 0 : i32
        %dma_wait3A_994 = tpu.memref_slice %arg2[%dma_wait3A_992, %dma_wait3A_993] : memref<50000x64xf32, #tpu.memory_space<hbm>> -> memref<50000x64xf32, #tpu.memory_space<hbm>>
        tpu.wait_indirect_dma semaphore(%arg16 : memref<!tpu.dma_semaphore, #tpu.memory_space<semaphore_mem>>) src(%dma_wait3A_994 : memref<50000x64xf32, #tpu.memory_space<hbm>>) dst(%dma_wait3A_989 : memref<80x64xf32, #tpu.memory_space<vmem>>)
        %dma_start3A_995 = arith.constant 0 : i32
        %dma_start3A_996 = arith.constant 0 : i32
        %dma_start3A_997 = arith.constant 0 : i32
        %dma_start3A_998 = arith.constant 0 : i32
        %dma_start3A_999 = tpu.memref_slice %arg9[%dma_start3A_995, %dma_start3A_997, %dma_start3A_998] : memref<5x80x64xf32, #tpu.memory_space<vmem>> -> memref<1x80x64xf32, #tpu.memory_space<vmem>>
        %dma_start3A_1000 = tpu.memref_squeeze %dma_start3A_999 : memref<1x80x64xf32, #tpu.memory_space<vmem>> -> memref<80x64xf32, #tpu.memory_space<vmem>>
        %dma_start3A_1001 = arith.constant 0 : i32
        %dma_start3A_1002 = tpu.memref_slice %arg8[%dma_start3A_996, %dma_start3A_1001] : memref<5x80xi32, #tpu.memory_space<vmem>> -> memref<1x80xi32, #tpu.memory_space<vmem>>
        %dma_start3A_1003 = tpu.memref_squeeze %dma_start3A_1002 : memref<1x80xi32, #tpu.memory_space<vmem>> -> memref<80xi32, #tpu.memory_space<vmem>>
        %dma_start3A_1004 = arith.constant 0 : i32
        %dma_start3A_1005 = arith.constant 0 : i32
        %dma_start3A_1006 = tpu.memref_slice %arg12[%dma_start3A_1004, %dma_start3A_1005] : memref<25096x64xf32, #tpu.memory_space<vmem_shared>> -> memref<25096x64xf32, #tpu.memory_space<vmem_shared>>
        tpu.enqueue_indirect_dma source(%dma_start3A_1000 : memref<80x64xf32, #tpu.memory_space<vmem>>) target(%dma_start3A_1006 : memref<25096x64xf32, #tpu.memory_space<vmem_shared>>) offsets(%dma_start3A_1003 : memref<80xi32, #tpu.memory_space<vmem>>) semaphore(%arg21 : memref<!tpu.dma_semaphore, #tpu.memory_space<semaphore_mem>>) {add = true}
      } else {
      }
      %gt3A_940 = arith.constant 1 : i32
      %gt3A_941 = arith.cmpi sgt, %select_n3A_881, %gt3A_940 : i32
      %convert_element_type3A_942 = arith.extui %gt3A_941 : i1 to i32
      %cond3A_943 = arith.constant 0 : i32
      %cond3A_944 = arith.cmpi ne, %convert_element_type3A_942, %cond3A_943 : i32
      scf.if %cond3A_944 {
        %dma_wait3A_985 = arith.constant 1 : i32
        %dma_wait3A_986 = arith.constant 0 : i32
        %dma_wait3A_987 = arith.constant 0 : i32
        %dma_wait3A_988 = tpu.memref_slice %arg9[%dma_wait3A_985, %dma_wait3A_986, %dma_wait3A_987] : memref<5x80x64xf32, #tpu.memory_space<vmem>> -> memref<1x80x64xf32, #tpu.memory_space<vmem>>
        %dma_wait3A_989 = tpu.memref_squeeze %dma_wait3A_988 : memref<1x80x64xf32, #tpu.memory_space<vmem>> -> memref<80x64xf32, #tpu.memory_space<vmem>>
        %dma_wait3A_990 = arith.constant 80 : i32
        %dma_wait3A_991 = tpu.memref_slice %arg10[%dma_wait3A_990] : memref<480xi32, #tpu.memory_space<vmem>> -> memref<80xi32, #tpu.memory_space<vmem>>
        %dma_wait3A_992 = arith.constant 0 : i32
        %dma_wait3A_993 = arith.constant 0 : i32
        %dma_wait3A_994 = tpu.memref_slice %arg2[%dma_wait3A_992, %dma_wait3A_993] : memref<50000x64xf32, #tpu.memory_space<hbm>> -> memref<50000x64xf32, #tpu.memory_space<hbm>>
        tpu.wait_indirect_dma semaphore(%arg17 : memref<!tpu.dma_semaphore, #tpu.memory_space<semaphore_mem>>) src(%dma_wait3A_994 : memref<50000x64xf32, #tpu.memory_space<hbm>>) dst(%dma_wait3A_989 : memref<80x64xf32, #tpu.memory_space<vmem>>)
        %dma_start3A_995 = arith.constant 1 : i32
        %dma_start3A_996 = arith.constant 1 : i32
        %dma_start3A_997 = arith.constant 0 : i32
        %dma_start3A_998 = arith.constant 0 : i32
        %dma_start3A_999 = tpu.memref_slice %arg9[%dma_start3A_995, %dma_start3A_997, %dma_start3A_998] : memref<5x80x64xf32, #tpu.memory_space<vmem>> -> memref<1x80x64xf32, #tpu.memory_space<vmem>>
        %dma_start3A_1000 = tpu.memref_squeeze %dma_start3A_999 : memref<1x80x64xf32, #tpu.memory_space<vmem>> -> memref<80x64xf32, #tpu.memory_space<vmem>>
        %dma_start3A_1001 = arith.constant 0 : i32
        %dma_start3A_1002 = tpu.memref_slice %arg8[%dma_start3A_996, %dma_start3A_1001] : memref<5x80xi32, #tpu.memory_space<vmem>> -> memref<1x80xi32, #tpu.memory_space<vmem>>
        %dma_start3A_1003 = tpu.memref_squeeze %dma_start3A_1002 : memref<1x80xi32, #tpu.memory_space<vmem>> -> memref<80xi32, #tpu.memory_space<vmem>>
        %dma_start3A_1004 = arith.constant 0 : i32
        %dma_start3A_1005 = arith.constant 0 : i32
        %dma_start3A_1006 = tpu.memref_slice %arg12[%dma_start3A_1004, %dma_start3A_1005] : memref<25096x64xf32, #tpu.memory_space<vmem_shared>> -> memref<25096x64xf32, #tpu.memory_space<vmem_shared>>
        tpu.enqueue_indirect_dma source(%dma_start3A_1000 : memref<80x64xf32, #tpu.memory_space<vmem>>) target(%dma_start3A_1006 : memref<25096x64xf32, #tpu.memory_space<vmem_shared>>) offsets(%dma_start3A_1003 : memref<80xi32, #tpu.memory_space<vmem>>) semaphore(%arg22 : memref<!tpu.dma_semaphore, #tpu.memory_space<semaphore_mem>>) {add = true}
      } else {
      }
      %gt3A_945 = arith.constant 2 : i32
      %gt3A_946 = arith.cmpi sgt, %select_n3A_881, %gt3A_945 : i32
      %convert_element_type3A_947 = arith.extui %gt3A_946 : i1 to i32
      %cond3A_948 = arith.constant 0 : i32
      %cond3A_949 = arith.cmpi ne, %convert_element_type3A_947, %cond3A_948 : i32
      scf.if %cond3A_949 {
        %dma_wait3A_985 = arith.constant 2 : i32
        %dma_wait3A_986 = arith.constant 0 : i32
        %dma_wait3A_987 = arith.constant 0 : i32
        %dma_wait3A_988 = tpu.memref_slice %arg9[%dma_wait3A_985, %dma_wait3A_986, %dma_wait3A_987] : memref<5x80x64xf32, #tpu.memory_space<vmem>> -> memref<1x80x64xf32, #tpu.memory_space<vmem>>
        %dma_wait3A_989 = tpu.memref_squeeze %dma_wait3A_988 : memref<1x80x64xf32, #tpu.memory_space<vmem>> -> memref<80x64xf32, #tpu.memory_space<vmem>>
        %dma_wait3A_990 = arith.constant 160 : i32
        %dma_wait3A_991 = tpu.memref_slice %arg10[%dma_wait3A_990] : memref<480xi32, #tpu.memory_space<vmem>> -> memref<80xi32, #tpu.memory_space<vmem>>
        %dma_wait3A_992 = arith.constant 0 : i32
        %dma_wait3A_993 = arith.constant 0 : i32
        %dma_wait3A_994 = tpu.memref_slice %arg2[%dma_wait3A_992, %dma_wait3A_993] : memref<50000x64xf32, #tpu.memory_space<hbm>> -> memref<50000x64xf32, #tpu.memory_space<hbm>>
        tpu.wait_indirect_dma semaphore(%arg18 : memref<!tpu.dma_semaphore, #tpu.memory_space<semaphore_mem>>) src(%dma_wait3A_994 : memref<50000x64xf32, #tpu.memory_space<hbm>>) dst(%dma_wait3A_989 : memref<80x64xf32, #tpu.memory_space<vmem>>)
        %dma_start3A_995 = arith.constant 2 : i32
        %dma_start3A_996 = arith.constant 2 : i32
        %dma_start3A_997 = arith.constant 0 : i32
        %dma_start3A_998 = arith.constant 0 : i32
        %dma_start3A_999 = tpu.memref_slice %arg9[%dma_start3A_995, %dma_start3A_997, %dma_start3A_998] : memref<5x80x64xf32, #tpu.memory_space<vmem>> -> memref<1x80x64xf32, #tpu.memory_space<vmem>>
        %dma_start3A_1000 = tpu.memref_squeeze %dma_start3A_999 : memref<1x80x64xf32, #tpu.memory_space<vmem>> -> memref<80x64xf32, #tpu.memory_space<vmem>>
        %dma_start3A_1001 = arith.constant 0 : i32
        %dma_start3A_1002 = tpu.memref_slice %arg8[%dma_start3A_996, %dma_start3A_1001] : memref<5x80xi32, #tpu.memory_space<vmem>> -> memref<1x80xi32, #tpu.memory_space<vmem>>
        %dma_start3A_1003 = tpu.memref_squeeze %dma_start3A_1002 : memref<1x80xi32, #tpu.memory_space<vmem>> -> memref<80xi32, #tpu.memory_space<vmem>>
        %dma_start3A_1004 = arith.constant 0 : i32
        %dma_start3A_1005 = arith.constant 0 : i32
        %dma_start3A_1006 = tpu.memref_slice %arg12[%dma_start3A_1004, %dma_start3A_1005] : memref<25096x64xf32, #tpu.memory_space<vmem_shared>> -> memref<25096x64xf32, #tpu.memory_space<vmem_shared>>
        tpu.enqueue_indirect_dma source(%dma_start3A_1000 : memref<80x64xf32, #tpu.memory_space<vmem>>) target(%dma_start3A_1006 : memref<25096x64xf32, #tpu.memory_space<vmem_shared>>) offsets(%dma_start3A_1003 : memref<80xi32, #tpu.memory_space<vmem>>) semaphore(%arg23 : memref<!tpu.dma_semaphore, #tpu.memory_space<semaphore_mem>>) {add = true}
      } else {
      }
      %gt3A_950 = arith.constant 3 : i32
      %gt3A_951 = arith.cmpi sgt, %select_n3A_881, %gt3A_950 : i32
      %convert_element_type3A_952 = arith.extui %gt3A_951 : i1 to i32
      %cond3A_953 = arith.constant 0 : i32
      %cond3A_954 = arith.cmpi ne, %convert_element_type3A_952, %cond3A_953 : i32
      scf.if %cond3A_954 {
        %dma_wait3A_985 = arith.constant 3 : i32
        %dma_wait3A_986 = arith.constant 0 : i32
        %dma_wait3A_987 = arith.constant 0 : i32
        %dma_wait3A_988 = tpu.memref_slice %arg9[%dma_wait3A_985, %dma_wait3A_986, %dma_wait3A_987] : memref<5x80x64xf32, #tpu.memory_space<vmem>> -> memref<1x80x64xf32, #tpu.memory_space<vmem>>
        %dma_wait3A_989 = tpu.memref_squeeze %dma_wait3A_988 : memref<1x80x64xf32, #tpu.memory_space<vmem>> -> memref<80x64xf32, #tpu.memory_space<vmem>>
        %dma_wait3A_990 = arith.constant 240 : i32
        %dma_wait3A_991 = tpu.memref_slice %arg10[%dma_wait3A_990] : memref<480xi32, #tpu.memory_space<vmem>> -> memref<80xi32, #tpu.memory_space<vmem>>
        %dma_wait3A_992 = arith.constant 0 : i32
        %dma_wait3A_993 = arith.constant 0 : i32
        %dma_wait3A_994 = tpu.memref_slice %arg2[%dma_wait3A_992, %dma_wait3A_993] : memref<50000x64xf32, #tpu.memory_space<hbm>> -> memref<50000x64xf32, #tpu.memory_space<hbm>>
        tpu.wait_indirect_dma semaphore(%arg19 : memref<!tpu.dma_semaphore, #tpu.memory_space<semaphore_mem>>) src(%dma_wait3A_994 : memref<50000x64xf32, #tpu.memory_space<hbm>>) dst(%dma_wait3A_989 : memref<80x64xf32, #tpu.memory_space<vmem>>)
        %dma_start3A_995 = arith.constant 3 : i32
        %dma_start3A_996 = arith.constant 3 : i32
        %dma_start3A_997 = arith.constant 0 : i32
        %dma_start3A_998 = arith.constant 0 : i32
        %dma_start3A_999 = tpu.memref_slice %arg9[%dma_start3A_995, %dma_start3A_997, %dma_start3A_998] : memref<5x80x64xf32, #tpu.memory_space<vmem>> -> memref<1x80x64xf32, #tpu.memory_space<vmem>>
        %dma_start3A_1000 = tpu.memref_squeeze %dma_start3A_999 : memref<1x80x64xf32, #tpu.memory_space<vmem>> -> memref<80x64xf32, #tpu.memory_space<vmem>>
        %dma_start3A_1001 = arith.constant 0 : i32
        %dma_start3A_1002 = tpu.memref_slice %arg8[%dma_start3A_996, %dma_start3A_1001] : memref<5x80xi32, #tpu.memory_space<vmem>> -> memref<1x80xi32, #tpu.memory_space<vmem>>
        %dma_start3A_1003 = tpu.memref_squeeze %dma_start3A_1002 : memref<1x80xi32, #tpu.memory_space<vmem>> -> memref<80xi32, #tpu.memory_space<vmem>>
        %dma_start3A_1004 = arith.constant 0 : i32
        %dma_start3A_1005 = arith.constant 0 : i32
        %dma_start3A_1006 = tpu.memref_slice %arg12[%dma_start3A_1004, %dma_start3A_1005] : memref<25096x64xf32, #tpu.memory_space<vmem_shared>> -> memref<25096x64xf32, #tpu.memory_space<vmem_shared>>
        tpu.enqueue_indirect_dma source(%dma_start3A_1000 : memref<80x64xf32, #tpu.memory_space<vmem>>) target(%dma_start3A_1006 : memref<25096x64xf32, #tpu.memory_space<vmem_shared>>) offsets(%dma_start3A_1003 : memref<80xi32, #tpu.memory_space<vmem>>) semaphore(%arg24 : memref<!tpu.dma_semaphore, #tpu.memory_space<semaphore_mem>>) {add = true}
      } else {
      }
      %gt3A_955 = arith.constant 4 : i32
      %gt3A_956 = arith.cmpi sgt, %select_n3A_881, %gt3A_955 : i32
      %convert_element_type3A_957 = arith.extui %gt3A_956 : i1 to i32
      %cond3A_958 = arith.constant 0 : i32
      %cond3A_959 = arith.cmpi ne, %convert_element_type3A_957, %cond3A_958 : i32
      scf.if %cond3A_959 {
        %dma_wait3A_985 = arith.constant 4 : i32
        %dma_wait3A_986 = arith.constant 0 : i32
        %dma_wait3A_987 = arith.constant 0 : i32
        %dma_wait3A_988 = tpu.memref_slice %arg9[%dma_wait3A_985, %dma_wait3A_986, %dma_wait3A_987] : memref<5x80x64xf32, #tpu.memory_space<vmem>> -> memref<1x80x64xf32, #tpu.memory_space<vmem>>
        %dma_wait3A_989 = tpu.memref_squeeze %dma_wait3A_988 : memref<1x80x64xf32, #tpu.memory_space<vmem>> -> memref<80x64xf32, #tpu.memory_space<vmem>>
        %dma_wait3A_990 = arith.constant 320 : i32
        %dma_wait3A_991 = tpu.memref_slice %arg10[%dma_wait3A_990] : memref<480xi32, #tpu.memory_space<vmem>> -> memref<80xi32, #tpu.memory_space<vmem>>
        %dma_wait3A_992 = arith.constant 0 : i32
        %dma_wait3A_993 = arith.constant 0 : i32
        %dma_wait3A_994 = tpu.memref_slice %arg2[%dma_wait3A_992, %dma_wait3A_993] : memref<50000x64xf32, #tpu.memory_space<hbm>> -> memref<50000x64xf32, #tpu.memory_space<hbm>>
        tpu.wait_indirect_dma semaphore(%arg20 : memref<!tpu.dma_semaphore, #tpu.memory_space<semaphore_mem>>) src(%dma_wait3A_994 : memref<50000x64xf32, #tpu.memory_space<hbm>>) dst(%dma_wait3A_989 : memref<80x64xf32, #tpu.memory_space<vmem>>)
        %dma_start3A_995 = arith.constant 4 : i32
        %dma_start3A_996 = arith.constant 4 : i32
        %dma_start3A_997 = arith.constant 0 : i32
        %dma_start3A_998 = arith.constant 0 : i32
        %dma_start3A_999 = tpu.memref_slice %arg9[%dma_start3A_995, %dma_start3A_997, %dma_start3A_998] : memref<5x80x64xf32, #tpu.memory_space<vmem>> -> memref<1x80x64xf32, #tpu.memory_space<vmem>>
        %dma_start3A_1000 = tpu.memref_squeeze %dma_start3A_999 : memref<1x80x64xf32, #tpu.memory_space<vmem>> -> memref<80x64xf32, #tpu.memory_space<vmem>>
        %dma_start3A_1001 = arith.constant 0 : i32
        %dma_start3A_1002 = tpu.memref_slice %arg8[%dma_start3A_996, %dma_start3A_1001] : memref<5x80xi32, #tpu.memory_space<vmem>> -> memref<1x80xi32, #tpu.memory_space<vmem>>
        %dma_start3A_1003 = tpu.memref_squeeze %dma_start3A_1002 : memref<1x80xi32, #tpu.memory_space<vmem>> -> memref<80xi32, #tpu.memory_space<vmem>>
        %dma_start3A_1004 = arith.constant 0 : i32
        %dma_start3A_1005 = arith.constant 0 : i32
        %dma_start3A_1006 = tpu.memref_slice %arg12[%dma_start3A_1004, %dma_start3A_1005] : memref<25096x64xf32, #tpu.memory_space<vmem_shared>> -> memref<25096x64xf32, #tpu.memory_space<vmem_shared>>
        tpu.enqueue_indirect_dma source(%dma_start3A_1000 : memref<80x64xf32, #tpu.memory_space<vmem>>) target(%dma_start3A_1006 : memref<25096x64xf32, #tpu.memory_space<vmem_shared>>) offsets(%dma_start3A_1003 : memref<80xi32, #tpu.memory_space<vmem>>) semaphore(%arg25 : memref<!tpu.dma_semaphore, #tpu.memory_space<semaphore_mem>>) {add = true}
      } else {
      }
      %gt3A_960 = arith.constant 0 : i32
      %gt3A_961 = arith.cmpi sgt, %sub3A_884, %gt3A_960 : i32
      %convert_element_type3A_962 = arith.extui %gt3A_961 : i1 to i32
      %cond3A_963 = arith.constant 0 : i32
      %cond3A_964 = arith.cmpi ne, %convert_element_type3A_962, %cond3A_963 : i32
      scf.if %cond3A_964 {
        %mul3A_985 = arith.constant 80 : i32
        %mul3A_986 = arith.muli %select_n3A_881, %mul3A_985 : i32
        %add3A_987 = arith.constant 0 : i32
        %add3A_988 = arith.addi %mul3A_986, %add3A_987 : i32
        %get3A_989 = arith.index_cast %add3A_988 : i32 to index
        %get3A_990 = tpu.vector_load %arg11[%get3A_989] {strides = array<i32>} : memref<480xi32, #tpu.memory_space<vmem>>, vector<16xi32>,
        %mul3A_991 = arith.constant 80 : i32
        %mul3A_992 = arith.muli %select_n3A_881, %mul3A_991 : i32
        %add3A_993 = arith.constant 0 : i32
        %add3A_994 = arith.addi %mul3A_992, %add3A_993 : i32
        %get3A_995 = arith.index_cast %add3A_994 : i32 to index
        %get3A_996 = tpu.vector_load %arg10[%get3A_995] {strides = array<i32>} : memref<480xi32, #tpu.memory_space<vmem>>, vector<16xi32>,
        %swap3A_997 = arith.constant 0 : index
        %swap3A_998 = tpu.vector_load %arg11[%swap3A_997] {strides = array<i32>} : memref<480xi32, #tpu.memory_space<vmem>>, vector<16xi32>,
        tpu.vector_store %arg11[%swap3A_997], %get3A_990 {strides = array<i32>} : memref<480xi32, #tpu.memory_space<vmem>>, vector<16xi32>,
        %swap3A_999 = arith.constant 0 : index
        %swap3A_1000 = tpu.vector_load %arg10[%swap3A_999] {strides = array<i32>} : memref<480xi32, #tpu.memory_space<vmem>>, vector<16xi32>,
        tpu.vector_store %arg10[%swap3A_999], %get3A_996 {strides = array<i32>} : memref<480xi32, #tpu.memory_space<vmem>>, vector<16xi32>,
      } else {
      }
      %gt3A_965 = arith.constant 16 : i32
      %gt3A_966 = arith.cmpi sgt, %sub3A_884, %gt3A_965 : i32
      %convert_element_type3A_967 = arith.extui %gt3A_966 : i1 to i32
      %cond3A_968 = arith.constant 0 : i32
      %cond3A_969 = arith.cmpi ne, %convert_element_type3A_967, %cond3A_968 : i32
      scf.if %cond3A_969 {
        %mul3A_985 = arith.constant 80 : i32
        %mul3A_986 = arith.muli %select_n3A_881, %mul3A_985 : i32
        %add3A_987 = arith.constant 16 : i32
        %add3A_988 = arith.addi %mul3A_986, %add3A_987 : i32
        %get3A_989 = arith.index_cast %add3A_988 : i32 to index
        %get3A_990 = tpu.vector_load %arg11[%get3A_989] {strides = array<i32>} : memref<480xi32, #tpu.memory_space<vmem>>, vector<16xi32>,
        %mul3A_991 = arith.constant 80 : i32
        %mul3A_992 = arith.muli %select_n3A_881, %mul3A_991 : i32
        %add3A_993 = arith.constant 16 : i32
        %add3A_994 = arith.addi %mul3A_992, %add3A_993 : i32
        %get3A_995 = arith.index_cast %add3A_994 : i32 to index
        %get3A_996 = tpu.vector_load %arg10[%get3A_995] {strides = array<i32>} : memref<480xi32, #tpu.memory_space<vmem>>, vector<16xi32>,
        %swap3A_997 = arith.constant 16 : index
        %swap3A_998 = tpu.vector_load %arg11[%swap3A_997] {strides = array<i32>} : memref<480xi32, #tpu.memory_space<vmem>>, vector<16xi32>,
        tpu.vector_store %arg11[%swap3A_997], %get3A_990 {strides = array<i32>} : memref<480xi32, #tpu.memory_space<vmem>>, vector<16xi32>,
        %swap3A_999 = arith.constant 16 : index
        %swap3A_1000 = tpu.vector_load %arg10[%swap3A_999] {strides = array<i32>} : memref<480xi32, #tpu.memory_space<vmem>>, vector<16xi32>,
        tpu.vector_store %arg10[%swap3A_999], %get3A_996 {strides = array<i32>} : memref<480xi32, #tpu.memory_space<vmem>>, vector<16xi32>,
      } else {
      }
      %gt3A_970 = arith.constant 32 : i32
      %gt3A_971 = arith.cmpi sgt, %sub3A_884, %gt3A_970 : i32
      %convert_element_type3A_972 = arith.extui %gt3A_971 : i1 to i32
      %cond3A_973 = arith.constant 0 : i32
      %cond3A_974 = arith.cmpi ne, %convert_element_type3A_972, %cond3A_973 : i32
      scf.if %cond3A_974 {
        %mul3A_985 = arith.constant 80 : i32
        %mul3A_986 = arith.muli %select_n3A_881, %mul3A_985 : i32
        %add3A_987 = arith.constant 32 : i32
        %add3A_988 = arith.addi %mul3A_986, %add3A_987 : i32
        %get3A_989 = arith.index_cast %add3A_988 : i32 to index
        %get3A_990 = tpu.vector_load %arg11[%get3A_989] {strides = array<i32>} : memref<480xi32, #tpu.memory_space<vmem>>, vector<16xi32>,
        %mul3A_991 = arith.constant 80 : i32
        %mul3A_992 = arith.muli %select_n3A_881, %mul3A_991 : i32
        %add3A_993 = arith.constant 32 : i32
        %add3A_994 = arith.addi %mul3A_992, %add3A_993 : i32
        %get3A_995 = arith.index_cast %add3A_994 : i32 to index
        %get3A_996 = tpu.vector_load %arg10[%get3A_995] {strides = array<i32>} : memref<480xi32, #tpu.memory_space<vmem>>, vector<16xi32>,
        %swap3A_997 = arith.constant 32 : index
        %swap3A_998 = tpu.vector_load %arg11[%swap3A_997] {strides = array<i32>} : memref<480xi32, #tpu.memory_space<vmem>>, vector<16xi32>,
        tpu.vector_store %arg11[%swap3A_997], %get3A_990 {strides = array<i32>} : memref<480xi32, #tpu.memory_space<vmem>>, vector<16xi32>,
        %swap3A_999 = arith.constant 32 : index
        %swap3A_1000 = tpu.vector_load %arg10[%swap3A_999] {strides = array<i32>} : memref<480xi32, #tpu.memory_space<vmem>>, vector<16xi32>,
        tpu.vector_store %arg10[%swap3A_999], %get3A_996 {strides = array<i32>} : memref<480xi32, #tpu.memory_space<vmem>>, vector<16xi32>,
      } else {
      }
      %gt3A_975 = arith.constant 48 : i32
      %gt3A_976 = arith.cmpi sgt, %sub3A_884, %gt3A_975 : i32
      %convert_element_type3A_977 = arith.extui %gt3A_976 : i1 to i32
      %cond3A_978 = arith.constant 0 : i32
      %cond3A_979 = arith.cmpi ne, %convert_element_type3A_977, %cond3A_978 : i32
      scf.if %cond3A_979 {
        %mul3A_985 = arith.constant 80 : i32
        %mul3A_986 = arith.muli %select_n3A_881, %mul3A_985 : i32
        %add3A_987 = arith.constant 48 : i32
        %add3A_988 = arith.addi %mul3A_986, %add3A_987 : i32
        %get3A_989 = arith.index_cast %add3A_988 : i32 to index
        %get3A_990 = tpu.vector_load %arg11[%get3A_989] {strides = array<i32>} : memref<480xi32, #tpu.memory_space<vmem>>, vector<16xi32>,
        %mul3A_991 = arith.constant 80 : i32
        %mul3A_992 = arith.muli %select_n3A_881, %mul3A_991 : i32
        %add3A_993 = arith.constant 48 : i32
        %add3A_994 = arith.addi %mul3A_992, %add3A_993 : i32
        %get3A_995 = arith.index_cast %add3A_994 : i32 to index
        %get3A_996 = tpu.vector_load %arg10[%get3A_995] {strides = array<i32>} : memref<480xi32, #tpu.memory_space<vmem>>, vector<16xi32>,
        %swap3A_997 = arith.constant 48 : index
        %swap3A_998 = tpu.vector_load %arg11[%swap3A_997] {strides = array<i32>} : memref<480xi32, #tpu.memory_space<vmem>>, vector<16xi32>,
        tpu.vector_store %arg11[%swap3A_997], %get3A_990 {strides = array<i32>} : memref<480xi32, #tpu.memory_space<vmem>>, vector<16xi32>,
        %swap3A_999 = arith.constant 48 : index
        %swap3A_1000 = tpu.vector_load %arg10[%swap3A_999] {strides = array<i32>} : memref<480xi32, #tpu.memory_space<vmem>>, vector<16xi32>,
        tpu.vector_store %arg10[%swap3A_999], %get3A_996 {strides = array<i32>} : memref<480xi32, #tpu.memory_space<vmem>>, vector<16xi32>,
      } else {
      }
      %gt3A_980 = arith.constant 64 : i32
      %gt3A_981 = arith.cmpi sgt, %sub3A_884, %gt3A_980 : i32
      %convert_element_type3A_982 = arith.extui %gt3A_981 : i1 to i32
      %cond3A_983 = arith.constant 0 : i32
      %cond3A_984 = arith.cmpi ne, %convert_element_type3A_982, %cond3A_983 : i32
      scf.if %cond3A_984 {
        %mul3A_985 = arith.constant 80 : i32
        %mul3A_986 = arith.muli %select_n3A_881, %mul3A_985 : i32
        %add3A_987 = arith.constant 64 : i32
        %add3A_988 = arith.addi %mul3A_986, %add3A_987 : i32
        %get3A_989 = arith.index_cast %add3A_988 : i32 to index
        %get3A_990 = tpu.vector_load %arg11[%get3A_989] {strides = array<i32>} : memref<480xi32, #tpu.memory_space<vmem>>, vector<16xi32>,
        %mul3A_991 = arith.constant 80 : i32
        %mul3A_992 = arith.muli %select_n3A_881, %mul3A_991 : i32
        %add3A_993 = arith.constant 64 : i32
        %add3A_994 = arith.addi %mul3A_992, %add3A_993 : i32
        %get3A_995 = arith.index_cast %add3A_994 : i32 to index
        %get3A_996 = tpu.vector_load %arg10[%get3A_995] {strides = array<i32>} : memref<480xi32, #tpu.memory_space<vmem>>, vector<16xi32>,
        %swap3A_997 = arith.constant 64 : index
        %swap3A_998 = tpu.vector_load %arg11[%swap3A_997] {strides = array<i32>} : memref<480xi32, #tpu.memory_space<vmem>>, vector<16xi32>,
        tpu.vector_store %arg11[%swap3A_997], %get3A_990 {strides = array<i32>} : memref<480xi32, #tpu.memory_space<vmem>>, vector<16xi32>,
        %swap3A_999 = arith.constant 64 : index
        %swap3A_1000 = tpu.vector_load %arg10[%swap3A_999] {strides = array<i32>} : memref<480xi32, #tpu.memory_space<vmem>>, vector<16xi32>,
        tpu.vector_store %arg10[%swap3A_999], %get3A_996 {strides = array<i32>} : memref<480xi32, #tpu.memory_space<vmem>>, vector<16xi32>,
      } else {
      }
      scf.yield %sub3A_884, %select_n3A_881 : i32, i32
    }
    %scan3A_641 = arith.constant 125 : i32
    %gt3A = arith.constant 0 : i32
    %gt3A_642 = arith.cmpi sgt, %scan3A_640#1, %gt3A : i32
    %convert_element_type3A = arith.extui %gt3A_642 : i1 to i32
    %cond3A = arith.constant 0 : i32
    %cond3A_643 = arith.cmpi ne, %convert_element_type3A, %cond3A : i32
    scf.if %cond3A_643 {
      %dma_wait3A_820 = arith.constant 0 : i32
      %dma_wait3A_821 = arith.constant 0 : i32
      %dma_wait3A_822 = arith.constant 0 : i32
      %dma_wait3A_823 = arith.constant 0 : i32
      %dma_wait3A_824 = tpu.memref_slice %arg9[%dma_wait3A_820, %dma_wait3A_822, %dma_wait3A_823] : memref<5x80x64xf32, #tpu.memory_space<vmem>> -> memref<1x80x64xf32, #tpu.memory_space<vmem>>
      %dma_wait3A_825 = tpu.memref_squeeze %dma_wait3A_824 : memref<1x80x64xf32, #tpu.memory_space<vmem>> -> memref<80x64xf32, #tpu.memory_space<vmem>>
      %dma_wait3A_826 = arith.constant 0 : i32
      %dma_wait3A_827 = tpu.memref_slice %arg8[%dma_wait3A_821, %dma_wait3A_826] : memref<5x80xi32, #tpu.memory_space<vmem>> -> memref<1x80xi32, #tpu.memory_space<vmem>>
      %dma_wait3A_828 = tpu.memref_squeeze %dma_wait3A_827 : memref<1x80xi32, #tpu.memory_space<vmem>> -> memref<80xi32, #tpu.memory_space<vmem>>
      %dma_wait3A_829 = arith.constant 0 : i32
      %dma_wait3A_830 = arith.constant 0 : i32
      %dma_wait3A_831 = tpu.memref_slice %arg12[%dma_wait3A_829, %dma_wait3A_830] : memref<25096x64xf32, #tpu.memory_space<vmem_shared>> -> memref<25096x64xf32, #tpu.memory_space<vmem_shared>>
      tpu.wait_indirect_dma semaphore(%arg21 : memref<!tpu.dma_semaphore, #tpu.memory_space<semaphore_mem>>) src(%dma_wait3A_825 : memref<80x64xf32, #tpu.memory_space<vmem>>) dst(%dma_wait3A_831 : memref<25096x64xf32, #tpu.memory_space<vmem_shared>>)
    } else {
    }
    %gt3A_644 = arith.constant 1 : i32
    %gt3A_645 = arith.cmpi sgt, %scan3A_640#1, %gt3A_644 : i32
    %convert_element_type3A_646 = arith.extui %gt3A_645 : i1 to i32
    %cond3A_647 = arith.constant 0 : i32
    %cond3A_648 = arith.cmpi ne, %convert_element_type3A_646, %cond3A_647 : i32
    scf.if %cond3A_648 {
      %dma_wait3A_820 = arith.constant 1 : i32
      %dma_wait3A_821 = arith.constant 1 : i32
      %dma_wait3A_822 = arith.constant 0 : i32
      %dma_wait3A_823 = arith.constant 0 : i32
      %dma_wait3A_824 = tpu.memref_slice %arg9[%dma_wait3A_820, %dma_wait3A_822, %dma_wait3A_823] : memref<5x80x64xf32, #tpu.memory_space<vmem>> -> memref<1x80x64xf32, #tpu.memory_space<vmem>>
      %dma_wait3A_825 = tpu.memref_squeeze %dma_wait3A_824 : memref<1x80x64xf32, #tpu.memory_space<vmem>> -> memref<80x64xf32, #tpu.memory_space<vmem>>
      %dma_wait3A_826 = arith.constant 0 : i32
      %dma_wait3A_827 = tpu.memref_slice %arg8[%dma_wait3A_821, %dma_wait3A_826] : memref<5x80xi32, #tpu.memory_space<vmem>> -> memref<1x80xi32, #tpu.memory_space<vmem>>
      %dma_wait3A_828 = tpu.memref_squeeze %dma_wait3A_827 : memref<1x80xi32, #tpu.memory_space<vmem>> -> memref<80xi32, #tpu.memory_space<vmem>>
      %dma_wait3A_829 = arith.constant 0 : i32
      %dma_wait3A_830 = arith.constant 0 : i32
      %dma_wait3A_831 = tpu.memref_slice %arg12[%dma_wait3A_829, %dma_wait3A_830] : memref<25096x64xf32, #tpu.memory_space<vmem_shared>> -> memref<25096x64xf32, #tpu.memory_space<vmem_shared>>
      tpu.wait_indirect_dma semaphore(%arg22 : memref<!tpu.dma_semaphore, #tpu.memory_space<semaphore_mem>>) src(%dma_wait3A_825 : memref<80x64xf32, #tpu.memory_space<vmem>>) dst(%dma_wait3A_831 : memref<25096x64xf32, #tpu.memory_space<vmem_shared>>)
    } else {
    }
    %gt3A_649 = arith.constant 2 : i32
    %gt3A_650 = arith.cmpi sgt, %scan3A_640#1, %gt3A_649 : i32
    %convert_element_type3A_651 = arith.extui %gt3A_650 : i1 to i32
    %cond3A_652 = arith.constant 0 : i32
    %cond3A_653 = arith.cmpi ne, %convert_element_type3A_651, %cond3A_652 : i32
    scf.if %cond3A_653 {
      %dma_wait3A_820 = arith.constant 2 : i32
      %dma_wait3A_821 = arith.constant 2 : i32
      %dma_wait3A_822 = arith.constant 0 : i32
      %dma_wait3A_823 = arith.constant 0 : i32
      %dma_wait3A_824 = tpu.memref_slice %arg9[%dma_wait3A_820, %dma_wait3A_822, %dma_wait3A_823] : memref<5x80x64xf32, #tpu.memory_space<vmem>> -> memref<1x80x64xf32, #tpu.memory_space<vmem>>
      %dma_wait3A_825 = tpu.memref_squeeze %dma_wait3A_824 : memref<1x80x64xf32, #tpu.memory_space<vmem>> -> memref<80x64xf32, #tpu.memory_space<vmem>>
      %dma_wait3A_826 = arith.constant 0 : i32
      %dma_wait3A_827 = tpu.memref_slice %arg8[%dma_wait3A_821, %dma_wait3A_826] : memref<5x80xi32, #tpu.memory_space<vmem>> -> memref<1x80xi32, #tpu.memory_space<vmem>>
      %dma_wait3A_828 = tpu.memref_squeeze %dma_wait3A_827 : memref<1x80xi32, #tpu.memory_space<vmem>> -> memref<80xi32, #tpu.memory_space<vmem>>
      %dma_wait3A_829 = arith.constant 0 : i32
      %dma_wait3A_830 = arith.constant 0 : i32
      %dma_wait3A_831 = tpu.memref_slice %arg12[%dma_wait3A_829, %dma_wait3A_830] : memref<25096x64xf32, #tpu.memory_space<vmem_shared>> -> memref<25096x64xf32, #tpu.memory_space<vmem_shared>>
      tpu.wait_indirect_dma semaphore(%arg23 : memref<!tpu.dma_semaphore, #tpu.memory_space<semaphore_mem>>) src(%dma_wait3A_825 : memref<80x64xf32, #tpu.memory_space<vmem>>) dst(%dma_wait3A_831 : memref<25096x64xf32, #tpu.memory_space<vmem_shared>>)
    } else {
    }
    %gt3A_654 = arith.constant 3 : i32
    %gt3A_655 = arith.cmpi sgt, %scan3A_640#1, %gt3A_654 : i32
    %convert_element_type3A_656 = arith.extui %gt3A_655 : i1 to i32
    %cond3A_657 = arith.constant 0 : i32
    %cond3A_658 = arith.cmpi ne, %convert_element_type3A_656, %cond3A_657 : i32
    scf.if %cond3A_658 {
      %dma_wait3A_820 = arith.constant 3 : i32
      %dma_wait3A_821 = arith.constant 3 : i32
      %dma_wait3A_822 = arith.constant 0 : i32
      %dma_wait3A_823 = arith.constant 0 : i32
      %dma_wait3A_824 = tpu.memref_slice %arg9[%dma_wait3A_820, %dma_wait3A_822, %dma_wait3A_823] : memref<5x80x64xf32, #tpu.memory_space<vmem>> -> memref<1x80x64xf32, #tpu.memory_space<vmem>>
      %dma_wait3A_825 = tpu.memref_squeeze %dma_wait3A_824 : memref<1x80x64xf32, #tpu.memory_space<vmem>> -> memref<80x64xf32, #tpu.memory_space<vmem>>
      %dma_wait3A_826 = arith.constant 0 : i32
      %dma_wait3A_827 = tpu.memref_slice %arg8[%dma_wait3A_821, %dma_wait3A_826] : memref<5x80xi32, #tpu.memory_space<vmem>> -> memref<1x80xi32, #tpu.memory_space<vmem>>
      %dma_wait3A_828 = tpu.memref_squeeze %dma_wait3A_827 : memref<1x80xi32, #tpu.memory_space<vmem>> -> memref<80xi32, #tpu.memory_space<vmem>>
      %dma_wait3A_829 = arith.constant 0 : i32
      %dma_wait3A_830 = arith.constant 0 : i32
      %dma_wait3A_831 = tpu.memref_slice %arg12[%dma_wait3A_829, %dma_wait3A_830] : memref<25096x64xf32, #tpu.memory_space<vmem_shared>> -> memref<25096x64xf32, #tpu.memory_space<vmem_shared>>
      tpu.wait_indirect_dma semaphore(%arg24 : memref<!tpu.dma_semaphore, #tpu.memory_space<semaphore_mem>>) src(%dma_wait3A_825 : memref<80x64xf32, #tpu.memory_space<vmem>>) dst(%dma_wait3A_831 : memref<25096x64xf32, #tpu.memory_space<vmem_shared>>)
    } else {
    }
    %gt3A_659 = arith.constant 4 : i32
    %gt3A_660 = arith.cmpi sgt, %scan3A_640#1, %gt3A_659 : i32
    %convert_element_type3A_661 = arith.extui %gt3A_660 : i1 to i32
    %cond3A_662 = arith.constant 0 : i32
    %cond3A_663 = arith.cmpi ne, %convert_element_type3A_661, %cond3A_662 : i32
    scf.if %cond3A_663 {
      %dma_wait3A_820 = arith.constant 4 : i32
      %dma_wait3A_821 = arith.constant 4 : i32
      %dma_wait3A_822 = arith.constant 0 : i32
      %dma_wait3A_823 = arith.constant 0 : i32
      %dma_wait3A_824 = tpu.memref_slice %arg9[%dma_wait3A_820, %dma_wait3A_822, %dma_wait3A_823] : memref<5x80x64xf32, #tpu.memory_space<vmem>> -> memref<1x80x64xf32, #tpu.memory_space<vmem>>
      %dma_wait3A_825 = tpu.memref_squeeze %dma_wait3A_824 : memref<1x80x64xf32, #tpu.memory_space<vmem>> -> memref<80x64xf32, #tpu.memory_space<vmem>>
      %dma_wait3A_826 = arith.constant 0 : i32
      %dma_wait3A_827 = tpu.memref_slice %arg8[%dma_wait3A_821, %dma_wait3A_826] : memref<5x80xi32, #tpu.memory_space<vmem>> -> memref<1x80xi32, #tpu.memory_space<vmem>>
      %dma_wait3A_828 = tpu.memref_squeeze %dma_wait3A_827 : memref<1x80xi32, #tpu.memory_space<vmem>> -> memref<80xi32, #tpu.memory_space<vmem>>
      %dma_wait3A_829 = arith.constant 0 : i32
      %dma_wait3A_830 = arith.constant 0 : i32
      %dma_wait3A_831 = tpu.memref_slice %arg12[%dma_wait3A_829, %dma_wait3A_830] : memref<25096x64xf32, #tpu.memory_space<vmem_shared>> -> memref<25096x64xf32, #tpu.memory_space<vmem_shared>>
      tpu.wait_indirect_dma semaphore(%arg25 : memref<!tpu.dma_semaphore, #tpu.memory_space<semaphore_mem>>) src(%dma_wait3A_825 : memref<80x64xf32, #tpu.memory_space<vmem>>) dst(%dma_wait3A_831 : memref<25096x64xf32, #tpu.memory_space<vmem_shared>>)
    } else {
    }
    %iota3A = tpu.iota {dimensions = array<i32: 0>} : vector<16xi32>
    %add3A_664 = arith.constant 0 : i32
    %add3A_665 = vector.broadcast %add3A_664 : i32 to vector<16xi32>
    %add3A_666 = arith.addi %iota3A, %add3A_665 : vector<16xi32>
    %lt3A = vector.broadcast %scan3A_640#0 : i32 to vector<16xi32>
    %lt3A_667 = arith.cmpi slt, %add3A_666, %lt3A : vector<16xi32>
    %get3A = arith.constant 0 : index
    %get3A_668 = tpu.vector_load %arg11[%get3A] {strides = array<i32>} : memref<480xi32, #tpu.memory_space<vmem>>, vector<16xi32>,
    %jit3A = arith.constant 25088 : i32
    %broadcast_in_dim3A_669 = vector.broadcast %jit3A : i32 to vector<16xi32>
    %select_n3A = arith.select %lt3A_667, %get3A_668, %broadcast_in_dim3A_669 : vector<16xi1>, vector<16xi32>
    %get3A_670 = arith.constant 0 : index
    %get3A_671 = tpu.vector_load %arg10[%get3A_670] {strides = array<i32>} : memref<480xi32, #tpu.memory_space<vmem>>, vector<16xi32>,
    %jit3A_672 = arith.constant 0 : i32
    %broadcast_in_dim3A_673 = vector.broadcast %jit3A_672 : i32 to vector<16xi32>
    %select_n3A_674 = arith.select %lt3A_667, %get3A_671, %broadcast_in_dim3A_673 : vector<16xi1>, vector<16xi32>
    %swap3A = arith.constant 0 : index
    %swap3A_675 = tpu.vector_load %arg11[%swap3A] {strides = array<i32>} : memref<480xi32, #tpu.memory_space<vmem>>, vector<16xi32>,
    tpu.vector_store %arg11[%swap3A], %select_n3A {strides = array<i32>} : memref<480xi32, #tpu.memory_space<vmem>>, vector<16xi32>,
    %swap3A_676 = arith.constant 0 : index
    %swap3A_677 = tpu.vector_load %arg10[%swap3A_676] {strides = array<i32>} : memref<480xi32, #tpu.memory_space<vmem>>, vector<16xi32>,
    tpu.vector_store %arg10[%swap3A_676], %select_n3A_674 {strides = array<i32>} : memref<480xi32, #tpu.memory_space<vmem>>, vector<16xi32>,
    %swap3A_678 = arith.constant 0 : i32
    %swap3A_679 = arith.index_cast %swap3A_678 : i32 to index
    %swap3A_680 = arith.constant 0 : index
    %swap3A_681 = tpu.vector_load %arg8[%swap3A_679, %swap3A_680] {strides = array<i32>} : memref<5x80xi32, #tpu.memory_space<vmem>>, vector<16xi32>,
    tpu.vector_store %arg8[%swap3A_679, %swap3A_680], %select_n3A {strides = array<i32>} : memref<5x80xi32, #tpu.memory_space<vmem>>, vector<16xi32>,
    %add3A_682 = arith.constant 16 : i32
    %add3A_683 = vector.broadcast %add3A_682 : i32 to vector<16xi32>
    %add3A_684 = arith.addi %iota3A, %add3A_683 : vector<16xi32>
    %lt3A_685 = vector.broadcast %scan3A_640#0 : i32 to vector<16xi32>
    %lt3A_686 = arith.cmpi slt, %add3A_684, %lt3A_685 : vector<16xi32>
    %get3A_687 = arith.constant 16 : index
    %get3A_688 = tpu.vector_load %arg11[%get3A_687] {strides = array<i32>} : memref<480xi32, #tpu.memory_space<vmem>>, vector<16xi32>,
    %jit3A_689 = arith.constant 25088 : i32
    %broadcast_in_dim3A_690 = vector.broadcast %jit3A_689 : i32 to vector<16xi32>
    %select_n3A_691 = arith.select %lt3A_686, %get3A_688, %broadcast_in_dim3A_690 : vector<16xi1>, vector<16xi32>
    %get3A_692 = arith.constant 16 : index
    %get3A_693 = tpu.vector_load %arg10[%get3A_692] {strides = array<i32>} : memref<480xi32, #tpu.memory_space<vmem>>, vector<16xi32>,
    %jit3A_694 = arith.constant 0 : i32
    %broadcast_in_dim3A_695 = vector.broadcast %jit3A_694 : i32 to vector<16xi32>
    %select_n3A_696 = arith.select %lt3A_686, %get3A_693, %broadcast_in_dim3A_695 : vector<16xi1>, vector<16xi32>
    %swap3A_697 = arith.constant 16 : index
    %swap3A_698 = tpu.vector_load %arg11[%swap3A_697] {strides = array<i32>} : memref<480xi32, #tpu.memory_space<vmem>>, vector<16xi32>,
    tpu.vector_store %arg11[%swap3A_697], %select_n3A_691 {strides = array<i32>} : memref<480xi32, #tpu.memory_space<vmem>>, vector<16xi32>,
    %swap3A_699 = arith.constant 16 : index
    %swap3A_700 = tpu.vector_load %arg10[%swap3A_699] {strides = array<i32>} : memref<480xi32, #tpu.memory_space<vmem>>, vector<16xi32>,
    tpu.vector_store %arg10[%swap3A_699], %select_n3A_696 {strides = array<i32>} : memref<480xi32, #tpu.memory_space<vmem>>, vector<16xi32>,
    %swap3A_701 = arith.constant 0 : i32
    %swap3A_702 = arith.index_cast %swap3A_701 : i32 to index
    %swap3A_703 = arith.constant 16 : index
    %swap3A_704 = tpu.vector_load %arg8[%swap3A_702, %swap3A_703] {strides = array<i32>} : memref<5x80xi32, #tpu.memory_space<vmem>>, vector<16xi32>,
    tpu.vector_store %arg8[%swap3A_702, %swap3A_703], %select_n3A_691 {strides = array<i32>} : memref<5x80xi32, #tpu.memory_space<vmem>>, vector<16xi32>,
    %add3A_705 = arith.constant 32 : i32
    %add3A_706 = vector.broadcast %add3A_705 : i32 to vector<16xi32>
    %add3A_707 = arith.addi %iota3A, %add3A_706 : vector<16xi32>
    %lt3A_708 = vector.broadcast %scan3A_640#0 : i32 to vector<16xi32>
    %lt3A_709 = arith.cmpi slt, %add3A_707, %lt3A_708 : vector<16xi32>
    %get3A_710 = arith.constant 32 : index
    %get3A_711 = tpu.vector_load %arg11[%get3A_710] {strides = array<i32>} : memref<480xi32, #tpu.memory_space<vmem>>, vector<16xi32>,
    %jit3A_712 = arith.constant 25088 : i32
    %broadcast_in_dim3A_713 = vector.broadcast %jit3A_712 : i32 to vector<16xi32>
    %select_n3A_714 = arith.select %lt3A_709, %get3A_711, %broadcast_in_dim3A_713 : vector<16xi1>, vector<16xi32>
    %get3A_715 = arith.constant 32 : index
    %get3A_716 = tpu.vector_load %arg10[%get3A_715] {strides = array<i32>} : memref<480xi32, #tpu.memory_space<vmem>>, vector<16xi32>,
    %jit3A_717 = arith.constant 0 : i32
    %broadcast_in_dim3A_718 = vector.broadcast %jit3A_717 : i32 to vector<16xi32>
    %select_n3A_719 = arith.select %lt3A_709, %get3A_716, %broadcast_in_dim3A_718 : vector<16xi1>, vector<16xi32>
    %swap3A_720 = arith.constant 32 : index
    %swap3A_721 = tpu.vector_load %arg11[%swap3A_720] {strides = array<i32>} : memref<480xi32, #tpu.memory_space<vmem>>, vector<16xi32>,
    tpu.vector_store %arg11[%swap3A_720], %select_n3A_714 {strides = array<i32>} : memref<480xi32, #tpu.memory_space<vmem>>, vector<16xi32>,
    %swap3A_722 = arith.constant 32 : index
    %swap3A_723 = tpu.vector_load %arg10[%swap3A_722] {strides = array<i32>} : memref<480xi32, #tpu.memory_space<vmem>>, vector<16xi32>,
    tpu.vector_store %arg10[%swap3A_722], %select_n3A_719 {strides = array<i32>} : memref<480xi32, #tpu.memory_space<vmem>>, vector<16xi32>,
    %swap3A_724 = arith.constant 0 : i32
    %swap3A_725 = arith.index_cast %swap3A_724 : i32 to index
    %swap3A_726 = arith.constant 32 : index
    %swap3A_727 = tpu.vector_load %arg8[%swap3A_725, %swap3A_726] {strides = array<i32>} : memref<5x80xi32, #tpu.memory_space<vmem>>, vector<16xi32>,
    tpu.vector_store %arg8[%swap3A_725, %swap3A_726], %select_n3A_714 {strides = array<i32>} : memref<5x80xi32, #tpu.memory_space<vmem>>, vector<16xi32>,
    %add3A_728 = arith.constant 48 : i32
    %add3A_729 = vector.broadcast %add3A_728 : i32 to vector<16xi32>
    %add3A_730 = arith.addi %iota3A, %add3A_729 : vector<16xi32>
    %lt3A_731 = vector.broadcast %scan3A_640#0 : i32 to vector<16xi32>
    %lt3A_732 = arith.cmpi slt, %add3A_730, %lt3A_731 : vector<16xi32>
    %get3A_733 = arith.constant 48 : index
    %get3A_734 = tpu.vector_load %arg11[%get3A_733] {strides = array<i32>} : memref<480xi32, #tpu.memory_space<vmem>>, vector<16xi32>,
    %jit3A_735 = arith.constant 25088 : i32
    %broadcast_in_dim3A_736 = vector.broadcast %jit3A_735 : i32 to vector<16xi32>
    %select_n3A_737 = arith.select %lt3A_732, %get3A_734, %broadcast_in_dim3A_736 : vector<16xi1>, vector<16xi32>
    %get3A_738 = arith.constant 48 : index
    %get3A_739 = tpu.vector_load %arg10[%get3A_738] {strides = array<i32>} : memref<480xi32, #tpu.memory_space<vmem>>, vector<16xi32>,
    %jit3A_740 = arith.constant 0 : i32
    %broadcast_in_dim3A_741 = vector.broadcast %jit3A_740 : i32 to vector<16xi32>
    %select_n3A_742 = arith.select %lt3A_732, %get3A_739, %broadcast_in_dim3A_741 : vector<16xi1>, vector<16xi32>
    %swap3A_743 = arith.constant 48 : index
    %swap3A_744 = tpu.vector_load %arg11[%swap3A_743] {strides = array<i32>} : memref<480xi32, #tpu.memory_space<vmem>>, vector<16xi32>,
    tpu.vector_store %arg11[%swap3A_743], %select_n3A_737 {strides = array<i32>} : memref<480xi32, #tpu.memory_space<vmem>>, vector<16xi32>,
    %swap3A_745 = arith.constant 48 : index
    %swap3A_746 = tpu.vector_load %arg10[%swap3A_745] {strides = array<i32>} : memref<480xi32, #tpu.memory_space<vmem>>, vector<16xi32>,
    tpu.vector_store %arg10[%swap3A_745], %select_n3A_742 {strides = array<i32>} : memref<480xi32, #tpu.memory_space<vmem>>, vector<16xi32>,
    %swap3A_747 = arith.constant 0 : i32
    %swap3A_748 = arith.index_cast %swap3A_747 : i32 to index
    %swap3A_749 = arith.constant 48 : index
    %swap3A_750 = tpu.vector_load %arg8[%swap3A_748, %swap3A_749] {strides = array<i32>} : memref<5x80xi32, #tpu.memory_space<vmem>>, vector<16xi32>,
    tpu.vector_store %arg8[%swap3A_748, %swap3A_749], %select_n3A_737 {strides = array<i32>} : memref<5x80xi32, #tpu.memory_space<vmem>>, vector<16xi32>,
    %add3A_751 = arith.constant 64 : i32
    %add3A_752 = vector.broadcast %add3A_751 : i32 to vector<16xi32>
    %add3A_753 = arith.addi %iota3A, %add3A_752 : vector<16xi32>
    %lt3A_754 = vector.broadcast %scan3A_640#0 : i32 to vector<16xi32>
    %lt3A_755 = arith.cmpi slt, %add3A_753, %lt3A_754 : vector<16xi32>
    %get3A_756 = arith.constant 64 : index
    %get3A_757 = tpu.vector_load %arg11[%get3A_756] {strides = array<i32>} : memref<480xi32, #tpu.memory_space<vmem>>, vector<16xi32>,
    %jit3A_758 = arith.constant 25088 : i32
    %broadcast_in_dim3A_759 = vector.broadcast %jit3A_758 : i32 to vector<16xi32>
    %select_n3A_760 = arith.select %lt3A_755, %get3A_757, %broadcast_in_dim3A_759 : vector<16xi1>, vector<16xi32>
    %get3A_761 = arith.constant 64 : index
    %get3A_762 = tpu.vector_load %arg10[%get3A_761] {strides = array<i32>} : memref<480xi32, #tpu.memory_space<vmem>>, vector<16xi32>,
    %jit3A_763 = arith.constant 0 : i32
    %broadcast_in_dim3A_764 = vector.broadcast %jit3A_763 : i32 to vector<16xi32>
    %select_n3A_765 = arith.select %lt3A_755, %get3A_762, %broadcast_in_dim3A_764 : vector<16xi1>, vector<16xi32>
    %swap3A_766 = arith.constant 64 : index
    %swap3A_767 = tpu.vector_load %arg11[%swap3A_766] {strides = array<i32>} : memref<480xi32, #tpu.memory_space<vmem>>, vector<16xi32>,
    tpu.vector_store %arg11[%swap3A_766], %select_n3A_760 {strides = array<i32>} : memref<480xi32, #tpu.memory_space<vmem>>, vector<16xi32>,
    %swap3A_768 = arith.constant 64 : index
    %swap3A_769 = tpu.vector_load %arg10[%swap3A_768] {strides = array<i32>} : memref<480xi32, #tpu.memory_space<vmem>>, vector<16xi32>,
    tpu.vector_store %arg10[%swap3A_768], %select_n3A_765 {strides = array<i32>} : memref<480xi32, #tpu.memory_space<vmem>>, vector<16xi32>,
    %swap3A_770 = arith.constant 0 : i32
    %swap3A_771 = arith.index_cast %swap3A_770 : i32 to index
    %swap3A_772 = arith.constant 64 : index
    %swap3A_773 = tpu.vector_load %arg8[%swap3A_771, %swap3A_772] {strides = array<i32>} : memref<5x80xi32, #tpu.memory_space<vmem>>, vector<16xi32>,
    tpu.vector_store %arg8[%swap3A_771, %swap3A_772], %select_n3A_760 {strides = array<i32>} : memref<5x80xi32, #tpu.memory_space<vmem>>, vector<16xi32>,
    %dma_start3A_774 = arith.constant 0 : i32
    %dma_start3A_775 = arith.constant 0 : i32
    %dma_start3A_776 = arith.constant 0 : i32
    %dma_start3A_777 = tpu.memref_slice %arg9[%dma_start3A_774, %dma_start3A_775, %dma_start3A_776] : memref<5x80x64xf32, #tpu.memory_space<vmem>> -> memref<1x80x64xf32, #tpu.memory_space<vmem>>
    %dma_start3A_778 = tpu.memref_squeeze %dma_start3A_777 : memref<1x80x64xf32, #tpu.memory_space<vmem>> -> memref<80x64xf32, #tpu.memory_space<vmem>>
    %dma_start3A_779 = arith.constant 0 : i32
    %dma_start3A_780 = tpu.memref_slice %arg10[%dma_start3A_779] : memref<480xi32, #tpu.memory_space<vmem>> -> memref<80xi32, #tpu.memory_space<vmem>>
    %dma_start3A_781 = arith.constant 0 : i32
    %dma_start3A_782 = arith.constant 0 : i32
    %dma_start3A_783 = tpu.memref_slice %arg2[%dma_start3A_781, %dma_start3A_782] : memref<50000x64xf32, #tpu.memory_space<hbm>> -> memref<50000x64xf32, #tpu.memory_space<hbm>>
    tpu.enqueue_indirect_dma source(%dma_start3A_783 : memref<50000x64xf32, #tpu.memory_space<hbm>>) target(%dma_start3A_778 : memref<80x64xf32, #tpu.memory_space<vmem>>) offsets(%dma_start3A_780 : memref<80xi32, #tpu.memory_space<vmem>>) semaphore(%arg16 : memref<!tpu.dma_semaphore, #tpu.memory_space<semaphore_mem>>)
    %dma_wait3A_784 = arith.constant 0 : i32
    %dma_wait3A_785 = arith.constant 0 : i32
    %dma_wait3A_786 = arith.constant 0 : i32
    %dma_wait3A_787 = tpu.memref_slice %arg9[%dma_wait3A_784, %dma_wait3A_785, %dma_wait3A_786] : memref<5x80x64xf32, #tpu.memory_space<vmem>> -> memref<1x80x64xf32, #tpu.memory_space<vmem>>
    %dma_wait3A_788 = tpu.memref_squeeze %dma_wait3A_787 : memref<1x80x64xf32, #tpu.memory_space<vmem>> -> memref<80x64xf32, #tpu.memory_space<vmem>>
    %dma_wait3A_789 = arith.constant 0 : i32
    %dma_wait3A_790 = tpu.memref_slice %arg10[%dma_wait3A_789] : memref<480xi32, #tpu.memory_space<vmem>> -> memref<80xi32, #tpu.memory_space<vmem>>
    %dma_wait3A_791 = arith.constant 0 : i32
    %dma_wait3A_792 = arith.constant 0 : i32
    %dma_wait3A_793 = tpu.memref_slice %arg2[%dma_wait3A_791, %dma_wait3A_792] : memref<50000x64xf32, #tpu.memory_space<hbm>> -> memref<50000x64xf32, #tpu.memory_space<hbm>>
    tpu.wait_indirect_dma semaphore(%arg16 : memref<!tpu.dma_semaphore, #tpu.memory_space<semaphore_mem>>) src(%dma_wait3A_793 : memref<50000x64xf32, #tpu.memory_space<hbm>>) dst(%dma_wait3A_788 : memref<80x64xf32, #tpu.memory_space<vmem>>)
    %dma_start3A_794 = arith.constant 0 : i32
    %dma_start3A_795 = arith.constant 0 : i32
    %dma_start3A_796 = arith.constant 0 : i32
    %dma_start3A_797 = arith.constant 0 : i32
    %dma_start3A_798 = tpu.memref_slice %arg9[%dma_start3A_794, %dma_start3A_796, %dma_start3A_797] : memref<5x80x64xf32, #tpu.memory_space<vmem>> -> memref<1x80x64xf32, #tpu.memory_space<vmem>>
    %dma_start3A_799 = tpu.memref_squeeze %dma_start3A_798 : memref<1x80x64xf32, #tpu.memory_space<vmem>> -> memref<80x64xf32, #tpu.memory_space<vmem>>
    %dma_start3A_800 = arith.constant 0 : i32
    %dma_start3A_801 = tpu.memref_slice %arg8[%dma_start3A_795, %dma_start3A_800] : memref<5x80xi32, #tpu.memory_space<vmem>> -> memref<1x80xi32, #tpu.memory_space<vmem>>
    %dma_start3A_802 = tpu.memref_squeeze %dma_start3A_801 : memref<1x80xi32, #tpu.memory_space<vmem>> -> memref<80xi32, #tpu.memory_space<vmem>>
    %dma_start3A_803 = arith.constant 0 : i32
    %dma_start3A_804 = arith.constant 0 : i32
    %dma_start3A_805 = tpu.memref_slice %arg12[%dma_start3A_803, %dma_start3A_804] : memref<25096x64xf32, #tpu.memory_space<vmem_shared>> -> memref<25096x64xf32, #tpu.memory_space<vmem_shared>>
    tpu.enqueue_indirect_dma source(%dma_start3A_799 : memref<80x64xf32, #tpu.memory_space<vmem>>) target(%dma_start3A_805 : memref<25096x64xf32, #tpu.memory_space<vmem_shared>>) offsets(%dma_start3A_802 : memref<80xi32, #tpu.memory_space<vmem>>) semaphore(%arg21 : memref<!tpu.dma_semaphore, #tpu.memory_space<semaphore_mem>>) {add = true}
    %dma_wait3A_806 = arith.constant 0 : i32
    %dma_wait3A_807 = arith.constant 0 : i32
    %dma_wait3A_808 = arith.constant 0 : i32
    %dma_wait3A_809 = arith.constant 0 : i32
    %dma_wait3A_810 = tpu.memref_slice %arg9[%dma_wait3A_806, %dma_wait3A_808, %dma_wait3A_809] : memref<5x80x64xf32, #tpu.memory_space<vmem>> -> memref<1x80x64xf32, #tpu.memory_space<vmem>>
    %dma_wait3A_811 = tpu.memref_squeeze %dma_wait3A_810 : memref<1x80x64xf32, #tpu.memory_space<vmem>> -> memref<80x64xf32, #tpu.memory_space<vmem>>
    %dma_wait3A_812 = arith.constant 0 : i32
    %dma_wait3A_813 = tpu.memref_slice %arg8[%dma_wait3A_807, %dma_wait3A_812] : memref<5x80xi32, #tpu.memory_space<vmem>> -> memref<1x80xi32, #tpu.memory_space<vmem>>
    %dma_wait3A_814 = tpu.memref_squeeze %dma_wait3A_813 : memref<1x80xi32, #tpu.memory_space<vmem>> -> memref<80xi32, #tpu.memory_space<vmem>>
    %dma_wait3A_815 = arith.constant 0 : i32
    %dma_wait3A_816 = arith.constant 0 : i32
    %dma_wait3A_817 = tpu.memref_slice %arg12[%dma_wait3A_815, %dma_wait3A_816] : memref<25096x64xf32, #tpu.memory_space<vmem_shared>> -> memref<25096x64xf32, #tpu.memory_space<vmem_shared>>
    tpu.wait_indirect_dma semaphore(%arg21 : memref<!tpu.dma_semaphore, #tpu.memory_space<semaphore_mem>>) src(%dma_wait3A_811 : memref<80x64xf32, #tpu.memory_space<vmem>>) dst(%dma_wait3A_817 : memref<25096x64xf32, #tpu.memory_space<vmem_shared>>)
    %barrier3A_818 = arith.constant 0 : index
    tpu.barrier barrier_id(%barrier3A_818)
    %add3A_819 = arith.addi %mul3A_0, %mul3A_4 : i32
    "tpu.region"() ({
      %run_scoped3A = tpu.sem_alloc : memref<!tpu.dma_semaphore, #tpu.memory_space<semaphore_mem>>
      %dma_start3A_820 = arith.constant 0 : i32
      %dma_start3A_821 = tpu.memref_slice %arg5[%add3A_819, %dma_start3A_820] : memref<50176x64xf32, #tpu.memory_space<hbm>> -> memref<1568x64xf32, #tpu.memory_space<hbm>>
      %dma_start3A_822 = arith.constant 0 : i32
      %dma_start3A_823 = tpu.memref_slice %arg12[%mul3A_4, %dma_start3A_822] : memref<25096x64xf32, #tpu.memory_space<vmem_shared>> -> memref<1568x64xf32, #tpu.memory_space<vmem_shared>>
      tpu.enqueue_dma source(%dma_start3A_823 : memref<1568x64xf32, #tpu.memory_space<vmem_shared>>) target(%dma_start3A_821 : memref<1568x64xf32, #tpu.memory_space<hbm>>) target_semaphore(%run_scoped3A : memref<!tpu.dma_semaphore, #tpu.memory_space<semaphore_mem>>)
      %dma_wait3A_824 = arith.constant 0 : i32
      %dma_wait3A_825 = tpu.memref_slice %arg5[%add3A_819, %dma_wait3A_824] : memref<50176x64xf32, #tpu.memory_space<hbm>> -> memref<1568x64xf32, #tpu.memory_space<hbm>>
      %dma_wait3A_826 = arith.constant 0 : i32
      %dma_wait3A_827 = tpu.memref_slice %arg12[%mul3A_4, %dma_wait3A_826] : memref<25096x64xf32, #tpu.memory_space<vmem_shared>> -> memref<1568x64xf32, #tpu.memory_space<vmem_shared>>
      tpu.wait_dma2 semaphore(%run_scoped3A : memref<!tpu.dma_semaphore, #tpu.memory_space<semaphore_mem>>) src(%dma_wait3A_827 : memref<1568x64xf32, #tpu.memory_space<vmem_shared>>) dst(%dma_wait3A_825 : memref<1568x64xf32, #tpu.memory_space<hbm>>)
      tpu.yield
    }) : () -> ()
    return
  }
}

module attributes {stable_mosaic.version = 14 : i64} {
  func.func @_tc_body(%arg0: i32, %arg1: memref<5000x64xf32, #tpu.memory_space<vmem>>, %arg2: memref<5000x64xf32, #tpu.memory_space<vmem>>, %arg3: memref<5000x1xf32, #tpu.memory_space<vmem>>, %arg4: memref<64x64xf32, #tpu.memory_space<vmem>>, %arg5: memref<5000x64xf32, #tpu.memory_space<vmem>>) attributes {dimension_semantics = [#tpu.dimension_semantics<arbitrary>], iteration_bounds = array<i64: 10>, scalar_prefetch = 0 : i64, scratch_operands = 0 : i64, tpu.core_type = #tpu.core_type<tc>, window_params = [{transform_indices = @transform_0, window_bounds = array<i64: 5000, 64>}, {transform_indices = @transform_1, window_bounds = array<i64: 5000, 64>}, {transform_indices = @transform_2, window_bounds = array<i64: 5000, 1>}, {pipeline_mode = #tpu.pipeline_mode<synchronous>, transform_indices = @transform_3, window_bounds = array<i64: 64, 64>}, {transform_indices = @transform_4, window_bounds = array<i64: 5000, 64>}]} {
    %get3A = arith.constant 0 : index
    %get3A_0 = arith.constant 0 : index
    %get3A_1 = vector.load %arg1[%get3A, %get3A_0] : memref<5000x64xf32, #tpu.memory_space<vmem>>, vector<5000x64xf32>
    %get3A_2 = arith.constant 0 : index
    %get3A_3 = arith.constant 0 : index
    %get3A_4 = vector.load %arg2[%get3A_2, %get3A_3] : memref<5000x64xf32, #tpu.memory_space<vmem>>, vector<5000x64xf32>
    %add3A = arith.addf %get3A_1, %get3A_4 : vector<5000x64xf32>
    %get3A_5 = arith.constant 0 : index
    %get3A_6 = arith.constant 0 : index
    %get3A_7 = vector.load %arg3[%get3A_5, %get3A_6] : memref<5000x1xf32, #tpu.memory_space<vmem>>, vector<5000x1xf32>
    %mul3A = vector.broadcast %get3A_7 : vector<5000x1xf32> to vector<5000x64xf32>
    %mul3A_8 = arith.mulf %add3A, %mul3A : vector<5000x64xf32>
    %get3A_9 = arith.constant 0 : index
    %get3A_10 = arith.constant 0 : index
    %get3A_11 = vector.load %arg4[%get3A_9, %get3A_10] : memref<64x64xf32, #tpu.memory_space<vmem>>, vector<64x64xf32>
    %dot_general3A = arith.constant dense<0.000000e+00> : vector<5000x64xf32>
    %dot_general3A_12 = tpu.matmul %mul3A_8, %get3A_11, %dot_general3A {dimension_numbers = #tpu.dot_dimension_numbers<[1], [0], [0], [1], [0, 0, 1, 1], [], []>, transpose_lhs_hint = false} : vector<5000x64xf32>, vector<64x64xf32>, vector<5000x64xf32> -> vector<5000x64xf32>
    %max3A = arith.constant 0.000000e+00 : f32
    %max3A_13 = vector.broadcast %max3A : f32 to vector<5000x64xf32>
    %max3A_14 = arith.maximumf %dot_general3A_12, %max3A_13 : vector<5000x64xf32>
    %swap3A = arith.constant 0 : index
    %swap3A_15 = arith.constant 0 : index
    %swap3A_16 = vector.load %arg5[%swap3A, %swap3A_15] : memref<5000x64xf32, #tpu.memory_space<vmem>>, vector<5000x64xf32>
    tpu.vector_store %arg5[%swap3A, %swap3A_15], %max3A_14 {strides = array<i32>} : memref<5000x64xf32, #tpu.memory_space<vmem>>, vector<5000x64xf32>,
    return
  }
  func.func @transform_0(%arg0: i32) -> (i32, i32) {
    %c0_i32 = arith.constant 0 : i32
    %c0_i32_0 = arith.constant 0 : i32
    return %arg0, %c0_i32 : i32, i32
  }
  func.func @transform_1(%arg0: i32) -> (i32, i32) {
    %c0_i32 = arith.constant 0 : i32
    %c0_i32_0 = arith.constant 0 : i32
    return %arg0, %c0_i32 : i32, i32
  }
  func.func @transform_2(%arg0: i32) -> (i32, i32) {
    %c0_i32 = arith.constant 0 : i32
    %c0_i32_0 = arith.constant 0 : i32
    return %arg0, %c0_i32 : i32, i32
  }
  func.func @transform_3(%arg0: i32) -> (i32, i32) {
    %c0_i32 = arith.constant 0 : i32
    %c0_i32_0 = arith.constant 0 : i32
    %c0_i32_1 = arith.constant 0 : i32
    return %c0_i32, %c0_i32_0 : i32, i32
  }
  func.func @transform_4(%arg0: i32) -> (i32, i32) {
    %c0_i32 = arith.constant 0 : i32
    %c0_i32_0 = arith.constant 0 : i32
    return %arg0, %c0_i32 : i32, i32
  }
}

</mosaic_0001>

<sc_bundles>
// kernel: kernel.4.cloned.1.call-start
scs
__scs_entry_jumppad:
0x0: {  	(pc) =	sbr.rel $0x88, $3  }
0x1: {  	(tag) =	ssettag $0x0;
	lr =	simm.s32 $0x1  }
0x2: {  	[smem:$0x3F9C] =	sst lr;
	_ =	strace $0xD0000000  }
0x3: {  	_ = 	snop  }
0x4: {  	_ = 	snop  }
0x5: {  	_ = 	snop  }
0x6: {  	_ = 	snop  }
0x7: {  	_ = 	snop  }
__scs_overlays_trampoline_lowered:
0x8: {  	[smem:$0x3FAB] =	sst s0  }
0x9: {  	[smem:$0x3FAC] =	sst s1  }
0xa: {  	[smem:$0x3FAD] =	sst s2  }
0xb: {  	[smem:$0x3FAE] =	sst s3  }
0xc: {  	[smem:$0x3FAF] =	sst s4  }
0xd: {  	[smem:$0x3FB0] =	sst s5  }
0xe: {  	[smem:$0x3FB1] =	sst s6  }
0xf: {  	[smem:$0x3FB2] =	sst s7  }
0x10: {  	[smem:$0x3FB3] =	sst s8  }
0x11: {  	[smem:$0x3FB4] =	sst s9;
	s0 =	simm.s32 @!p0 $0x0  }
0x12: {  	s1 =	sld [smem:$0x3F9A];
	s0 =	simm.s32 @p0 $0x1  }
0x13: {  	[smem:$0x3FB5] =	sst s0;
	s0 =	simm.s32 @!p1 $0x0  }
0x14: {  	s2 =	sld [smem:$0x3F99];
	s0 =	simm.s32 @p1 $0x1  }
0x15: {  	[smem:$0x3FB6] =	sst s0;
	s0 =	simm.s32 @!p2 $0x0  }
0x16: {  	s3 =	sld [smem:$0x3FDB];
	s0 =	simm.s32 @p2 $0x1  }
0x17: {  	s4 =	simm.s32 $0x1BF5;
	[smem:$0x3FB8] =	sst s0  }
0x18: {  	s0 =	sld [smem:$0x3F9B];
	_ =	swait.ge [sflag:s4], $0x0  }
0x19: {  	s7 =	sld [smem:$0x3F9C]  }
0x1a: {  	s8 =	sadd.s32 $0xFFFFE003, lr  }
0x1b: {  	s9 =	sadd.s32 $0xFFFFFEF7, lr;
	s5 =	simm.s32 $0xFFFFFFFF;
	p2 =	slt.u32 s8, $0xFFFFF086  }
0x1c: {  	p1 =	slt.u32 s9, $0xF7A;
	s5 =	simm.s32 @!p2 $0x0  }
0x1d: {  	s5 =	simm.s32 @p1 $0x1;
	p0 =	seq.s32 s7, s2  }
0x1e: {  	s7 =	smul.u32 @!p0 $0xF7A, s2;
	p2 =	seq.s32 @!p0 s5, $0x0  }
0x1f: {  	s9 =	smul.u32 $0xF7A, s1;
	s8 =	simm.s32 @!p0 $0x1BF5;
	p2 =	por !p2, p0  }
0x20: {  	[sflag:s8] =	ssyncset.s32 @!p0 $0xFFFFF086;
	s6 =	sadd.s32 @!p0 s3, s7;
	s7 =	simm.s32 @!p0 $0x108  }
0x21: {  	s3 =	sadd.s32 s3, s9;
	s6 =	sadd.s32 @!p0 $0x88, s6;
	s7 =	simm.s32 @p2 $0x1082  }
0x22: {  	[simem:s7], [sflag:s8] =	dma.local @!p0 [hbm:s6], $0xF7A  }
0x23: {  	s9 =	sor.u32 $0xD0000000, s2;
	s6 =	simm.s32 $0x108;
	_ =	swait.ge @!p0 [sflag:s8], $0x0  }
0x24: {  	s3 =	sadd.s32 $0x88, s3;
	s6 =	simm.s32 @!p1 $0x1082;
	[sflag:s4] =	ssyncset.s32 $0xFFFFF086  }
0x25: {  	[simem:s6], [sflag:s4] =	dma.local [hbm:s3], $0xF7A  }
0x26: {  	[smem:$0x3F9C] =	sst s1;
	(tag) =	ssettag s2;
	_ =	strace s9  }
0x27: {  	s1 =	sld [smem:$0x3FAC]  }
0x28: {  	s2 =	sld [smem:$0x3FAD]  }
0x29: {  	s4 =	sld [smem:$0x3FAF]  }
0x2a: {  	p0 =	seq.s32 s5, $0x0;
	s5 =	sld [smem:$0x3FB0]  }
0x2b: {  	s6 =	sld [smem:$0x3FB1]  }
0x2c: {  	s7 =	sld [smem:$0x3FB2]  }
0x2d: {  	s3 =	simm.s32 $0x108;
	s8 =	sld [smem:$0x3FB3]  }
0x2e: {  	s3 =	simm.s32 @!p0 $0x1082;
	s9 =	sld [smem:$0x3FB4]  }
0x2f: {  	lr =	sadd.s32 s0, s3;
	s0 =	sld [smem:$0x3FAB]  }
0x30: {  	s3 =	sld [smem:$0x3FAE]  }
0x31: {  	[smem:$0x3FB7] =	sst s10  }
0x32: {  	s10 =	sld [smem:$0x3FB5];
	_ =	sdelay $0x3  }
0x33: {  	p0 =	seq.s32 s10, $0x1;
	s10 =	sld [smem:$0x3FB7];
	_ =	sdelay $0x3  }
0x34: {  	[smem:$0x3FB7] =	sst s10  }
0x35: {  	s10 =	sld [smem:$0x3FB6];
	_ =	sdelay $0x3  }
0x36: {  	p1 =	seq.s32 s10, $0x1;
	s10 =	sld [smem:$0x3FB7];
	_ =	sdelay $0x3  }
0x37: {  	[smem:$0x3FB7] =	sst s10  }
0x38: {  	s10 =	sld [smem:$0x3FB8]  }
0x39: {  	_ = 	snop;
	(pc) =	sbr.ind lr, $3  }
0x3a: {  	_ = 	snop  }
0x3b: {  	_ = 	snop  }
0x3c: {  	p2 =	seq.s32 s10, $0x1;
	s10 =	sld [smem:$0x3FB7]  }
0x3d: {  	_ =	shalt  }
0x3e: {  	_ =	shalt  }
0x3f: {  	_ =	shalt  }
0x40: {  	_ =	shalt  }
0x41: {  	_ =	shalt  }
0x42: {  	_ =	shalt  }
0x43: {  	_ =	shalt  }
0x44: {  	_ =	shalt  }
0x45: {  	_ =	shalt  }
0x46: {  	_ =	shalt  }
0x47: {  	_ =	shalt  }
0x48: {  	_ =	shalt  }
0x49: {  	_ =	shalt  }
0x4a: {  	_ =	shalt  }
0x4b: {  	_ =	shalt  }
0x4c: {  	_ =	shalt  }
0x4d: {  	_ =	shalt  }
0x4e: {  	_ =	shalt  }
0x4f: {  	_ =	shalt  }
0x50: {  	_ =	shalt  }
0x51: {  	_ =	shalt  }
0x52: {  	_ =	shalt  }
0x53: {  	_ =	shalt  }
0x54: {  	_ =	shalt  }
0x55: {  	_ =	shalt  }
0x56: {  	_ =	shalt  }
0x57: {  	_ =	shalt  }
0x58: {  	_ =	shalt  }
0x59: {  	_ =	shalt  }
0x5a: {  	_ =	shalt  }
0x5b: {  	_ =	shalt  }
0x5c: {  	_ =	shalt  }
0x5d: {  	_ =	shalt  }
0x5e: {  	_ =	shalt  }
0x5f: {  	_ =	shalt  }
0x60: {  	_ =	shalt  }
0x61: {  	_ =	shalt  }
0x62: {  	_ =	shalt  }
0x63: {  	_ =	shalt  }
0x64: {  	_ =	shalt  }
0x65: {  	_ =	shalt  }
0x66: {  	_ =	shalt  }
0x67: {  	_ =	shalt  }
0x68: {  	_ =	shalt  }
0x69: {  	_ =	shalt  }
0x6a: {  	_ =	shalt  }
0x6b: {  	_ =	shalt  }
0x6c: {  	_ =	shalt  }
0x6d: {  	_ =	shalt  }
0x6e: {  	_ =	shalt  }
0x6f: {  	_ =	shalt  }
0x70: {  	_ =	shalt  }
0x71: {  	_ =	shalt  }
0x72: {  	_ =	shalt  }
0x73: {  	_ =	shalt  }
0x74: {  	_ =	shalt  }
0x75: {  	_ =	shalt  }
0x76: {  	_ =	shalt  }
0x77: {  	_ =	shalt  }
0x78: {  	_ =	shalt  }
0x79: {  	_ =	shalt  }
0x7a: {  	_ =	shalt  }
0x7b: {  	_ =	shalt  }
0x7c: {  	_ =	shalt  }
0x7d: {  	_ =	shalt  }
0x7e: {  	_ =	shalt  }
0x7f: {  	_ =	shalt  }
0x80: {  	_ =	shalt  }
0x81: {  	_ =	shalt  }
0x82: {  	_ =	shalt  }
0x83: {  	_ =	shalt  }
0x84: {  	_ =	shalt  }
0x85: {  	_ =	shalt  }
0x86: {  	_ =	shalt  }
0x87: {  	_ =	shalt  }
.Lfunc_end0:
.L_simem_size_0:
called_computation_lowered:
.L_overlay_start_0:
0x88: {  	s2 =	sld [smem:$0x3FD9]  }
0x89: {  	s3 =	sld [smem:$0x3FFE];
	_ =	sdelay $0x1  }
0x8a: {  	s1 =	srdreg.scid  }
0x8b: {  	s0 =	sand.u32 $0x1, s1  }
0x8c: {  	s17 =	sshll.u32 s0, $0xA;
	s2 =	sadd.s32 s3, s2  }
0x8d: {  	s2 =	sadd.s32 s2, s17  }
0x8e: {  	[smem:$0x3FC3] =	sst s2  }
0x8f: {  	_ = 	snop  }
0x90: {  	s2 =	sld [smem:$0x3FC8]  }
0x91: {  	s18 =	sld [smem:$0x3FC7]  }
0x92: {  	s4 =	sld [smem:$0x3FD0];
	(tm) =	ssettm $0x1  }
0x93: {  	s5 =	sld [smem:$0x3FFB];
	_ =	sdelay $0x3  }
0x94: {  	_ =	strace s5  }
0x95: {  	s5 =	sld [smem:$0x3FFC];
	_ =	sdelay $0x3  }
0x96: {  	_ =	strace s5  }
0x97: {  	s5 =	sld [smem:$0x3FFD];
	_ =	sdelay $0x3  }
0x98: {  	_ =	strace s5  }
0x99: {  	_ =	strace $0x8FFFFFFF  }
0x9a: {  	s19 =	sld [smem:$0x3FDB];
	_ =	sdelay $0x1  }
0x9b: {  	s6 =	simm.s32 $_scs_section_size  }
0x9c: {  	s7 =	simm.s32 $_size__tile_overlayer_lowered;
	s8 =	simm.s32 $_tile_overlayer_lowered  }
0x9d: {  	s22 =	simm.s32 $0x1BFF;
	s21 =	sshll.u32 s8, $0x1;
	s5 =	sadd.s32 s6, s19  }
0x9e: {  	s9 =	simm.s32 $0x0;
	s20 =	sshll.u32 s7, $0x1;
	s7 =	sadd.s32 s21, s5  }
0x9f: {  	[timem:s9], [sflag:s22] =	dma.local [hbm:s7], s20  }
0xa0: {  	_ =	swait.ge [sflag:s22], s20  }
0xa1: {  	s6 =	ssub.s32 $0x0, s20;
	[sflag:s22] =	ssyncset.done $0x0  }
0xa2: {  	[sflag:s22] =	ssyncadd.s32 s6;
	_ =	sdelay $0x1  }
0xa3: {  	s23 =	simm.s32 $0x1B8B  }
0xa4: {  	_ =	swait.ge [sflag:s23], $0x1  }
0xa5: {  	[sflag:s23] =	ssyncset.done $0x0  }
0xa6: {  	s25 =	simm.s32 $0x1B8E;
	s24 =	sld [smem:$0x3FFE];
	[sflag:s23] =	ssyncadd.s32 $0xFFFFFFFF  }
0xa7: {  	s26 =	simm.s32 $execute0_lowered;
	[smem:$0x3FD2] =	sst s25  }
0xa8: {  	s7 =	sshll.u32 s26, $0x1;
	_ =	strace $0x80000046;
	[dreg:$0x1] =	wrdreg $0xFFFFFFFF  }
0xa9: {  	s28 =	simm.s32 $_size_execute0_lowered;
	s5 =	sadd.s32 s5, s7;
	[dreg:$0x0] =	wrdreg $0x0  }
0xaa: {  	s7 =	sshll.u32 s28, $0x1;
	[dreg:$0x2] =	wrdreg s5  }
0xab: {  	[dreg:$0x3] =	wrdreg s7  }
0xac: {  	[dreg:$0x4] =	wrdreg $0xC0  }
0xad: {  	_ =	task [dreg:s9], $0x5FFFF  }
0xae: {  	[dreg:$0x1] =	wrdreg $0xFFFFFFFF  }
0xaf: {  	[dreg:$0x0] =	wrdreg $0x60  }
0xb0: {  	[dreg:$0x2] =	wrdreg s4  }
0xb1: {  	[dreg:$0x3] =	wrdreg s2  }
0xb2: {  	[dreg:$0x4] =	wrdreg s18  }
0xb3: {  	[dreg:$0x5] =	wrdreg s24  }
0xb4: {  	[dreg:$0x6] =	wrdreg $0x6F900  }
0xb5: {  	[dreg:$0x7] =	wrdreg $0x9  }
0xb6: {  	_ =	task.clear_ibuf [dreg:s9], $0x8FFFF;
	_ =	strace $0x90000046  }
0xb7: {  	s29 =	simm.s32 $0x9;
	_ =	strace $0x80000048  }
0xb8: {  	_ =	swait.ge [sflag:s29], $0x1  }
0xb9: {  	[sflag:s29] =	ssyncadd.s32 $0xFFFFFFFF  }
0xba: {  	_ =	strace $0x90000048  }
0xbb: {  	_ =	sfence  }
0xbc: {  	s30 =	sld [smem:$0x0];
	_ =	sdelay $0x2  }
0xbd: {  	s31 =	sshll.u32 s1, $0xD;
	s1 =	sshrl.u32 s1, $0x2  }
0xbe: {  	s3 =	sand.u32 $0x4000, s31;
	s1 =	sadd.s32 s1, s30  }
0xbf: {  	s0 =	sor.u32 s3, s0;
	s1 =	sshll.u32 s1, $0x11  }
0xc0: {  	s0 =	sor.u32 s1, s0  }
0xc1: {  	s0 =	sadd.s32 $0x8F2B, s0  }
0xc2: {  	[sflag:s0] =	ssyncadd.remote.s32 $0x1  }
0xc3: {  	_ =	sfence.sel $0xFFFF  }
0xc4: {  	[dreg:$0x0] =	wrdreg $0xFFFFFFFF;
	(pc) =	sbr.abs _section_cstart, $3  }
0xc5: {  	[dreg:$0x1] =	wrdreg $0xFFFFFFFF  }
0xc6: {  	_ =	task.clear_ibuf [dreg:s9], $0x2FFFF;
	_ =	strace $0x9FFFFFFF  }
0xc7: {  	(tm) =	ssettm $0x7FFFFFFF  }
tec
execute0_lowered:
.L_overlay_start_1:
0x0: {  	(tag) =	ssettag $0x1  }
0x1: {  	s0 =	rddreg [dreg:$0x0]  }
0x2: {  	s2 =	rddreg [dreg:$0x1];
	s1 =	srdreg.scid  }
0x3: {  	s3 =	rddreg [dreg:$0x2];
	s10 =	stileid.u32  }
0x4: {  	s4 =	rddreg [dreg:$0x3];
	s1 =	sand.u32 $0x1, s1;
	s7 =	smul.u32 $0x620, s10  }
0x5: {  	s5 =	rddreg [dreg:$0x4];
	s12 =	smul.u32 $0x6200, s1  }
0x6: {  	s6 =	simm.s32 $0x0;
	s8 =	smul.u32 $0x62000, s10;
	s1 =	ssub.s32 $0x2, s1  }
0x7: {  	[smem:$0x7FF] =	sst s6;
	s28 =	sshrl.u32 s1, $0x1;
	s7 =	sadd.s32 s7, s12  }
0x8: {  	s8 =	sshrl.u32 s8, $0x2;
	s1 =	ssub.s32 s1, s28;
	s7 =	sshll.u32 s7, $0x3  }
0x9: {  	s1 =	smax.u32 s1, $0x1;
	s4 =	sadd.s32 s7, s4;
	s7 =	sadd.s32 s8, s5  }
0xa: {  	_ =	strace $0x80000047;
	[dreg:$0x14] =	wrdreg s1;
	s29 =	sadd.s32 $0x1400, s7  }
0xb: {  	s8 =	smul.u32 $0xC350, s10;
	s10 =	sadd.s32 $0x2800, s7;
	[dreg:$0x6] =	wrdreg s29  }
0xc: {  	s11 =	sadd.s32 $0x3C00, s7;
	[dreg:$0x7] =	wrdreg s10  }
0xd: {  	s14 =	sadd.s32 $0x5000, s7;
	[dreg:$0x8] =	wrdreg s11  }
0xe: {  	s15 =	sadd.s32 $0x6400, s7;
	[dreg:$0x9] =	wrdreg s14  }
0xf: {  	s16 =	sadd.s32 $0x7800, s7;
	[dreg:$0xa] =	wrdreg s15  }
0x10: {  	s17 =	sadd.s32 $0x8C00, s7;
	[dreg:$0xb] =	wrdreg s16  }
0x11: {  	s18 =	sadd.s32 $0xA000, s7;
	[dreg:$0xc] =	wrdreg s17  }
0x12: {  	s19 =	sadd.s32 $0xB400, s7;
	[dreg:$0xd] =	wrdreg s18  }
0x13: {  	s20 =	sadd.s32 $0xC800, s7;
	[dreg:$0xe] =	wrdreg s19  }
0x14: {  	s9 =	ssub.s32 $0xC350, s12;
	s22 =	sadd.s32 $0xDC00, s7;
	[dreg:$0xf] =	wrdreg s20  }
0x15: {  	v0 =	vmov s12;
	s12 =	simm.s32 $0x6DB0;
	s4 =	sadd.s32 $0xC4000, s4;
	[dreg:$0x10] =	wrdreg s22  }
0x16: {  	s13 =	smin.u32 s9, $0x6200;
	s24 =	sadd.s32 $0xF000, s7;
	[dreg:$0x13] =	wrdreg s4  }
0x17: {  	s1 =	simm.s32 $0x7D0;
	s25 =	sadd.s32 $0x10400, s7;
	[dreg:$0x15] =	wrdreg s24  }
0x18: {  	v1 =	vmov s13;
	s13 =	simm.s32 $0x6BD0;
	s26 =	sadd.s32 $0x11800, s7;
	[dreg:$0x16] =	wrdreg s25  }
0x19: {  	s28 =	sadd.s32 $0x12C00, s7;
	s30 =	sadd.s32 $0x15400, s7;
	[dreg:$0x17] =	wrdreg s26  }
0x1a: {  	s31 =	sadd.s32 $0x16800, s7;
	s21 =	sshrl.u32 s8, $0x3;
	[dreg:$0x18] =	wrdreg s28  }
0x1b: {  	s29 =	sadd.s32 $0x14000, s7;
	s4 =	sadd.s32 $0x17C00, s7;
	s10 =	simm.s32 $0x1  }
.Ltmp0:
0x1c: {  	s11 =	simm.s32 $0x2;
	s14 =	simm.s32 $0x50;
	(pc) =	sbr.rel .LBB2_1-.Ltmp0, $4  }
0x1d: {  	s15 =	simm.s32 $0x6D10;
	s16 =	simm.s32 $0x57D0;
	s17 =	simm.s32 $0x4  }
0x1e: {  	v2 =	vlaneseq.u32;
	s18 =	simm.s32 $0x640;
	s23 =	sadd.s32 s2, s21;
	[dreg:$0x19] =	wrdreg s29  }
0x1f: {  	v3 =	vimm.f32 $0.0e+00;
	v4 =	vimm.s32 $0x0;
	v5 =	vor.u32 $0x10, v2;
	s19 =	simm.s32 $0x9;
	s9 =	sadd.s32 s3, s21;
	[dreg:$0x11] =	wrdreg s23  }
0x20: {  	v6 =	vor.u32 $0x20, v2;
	v7 =	vor.u32 $0x30, v2;
	v8 =	vor.u32 $0x40, v2;
	s20 =	simm.s32 $0xE;
	[dreg:$0x12] =	wrdreg s9;
	s9 =	simm.s32 $0x3  }
.LBB2_11:
0x21: {  	s21 =	sld [smem:$0x7FD];
	_ =	sdelay $0x2  }
0x22: {  	p0 =	seq.s32 s21, $0x1  }
0x23: {  	p1 =	seq.s32 @!p0 s22, $0x1  }
0x24: {  	p2 =	por p1, p0  }
0x25: {  	p3 =	slt.u32 @!p2 s22, $0x3  }
0x26: {  	s24 =	simm.s32 @!p3 $0x0;
	p4 =	por @!p0 p3, p1  }
0x27: {  	s24 =	simm.s32 @p3 $0x1;
	p4 =	por p4, p0  }
0x28: {  	s21 =	simm.s32 @!p0 $0x9;
	[smem:$0x7FA] =	sst s24;
	p5 =	seq.s32 @!p4 s22, $0x3  }
0x29: {  	_ =	swait.ge @!p0 [sflag:s21], $0x1400;
	s24 =	simm.s32 @!p5 $0x0  }
0x2a: {  	[sflag:s21] =	ssyncset.done @!p0 $0x0;
	s24 =	simm.s32 @p5 $0x1  }
0x2b: {  	[sflag:s21] =	ssyncadd.s32 @!p0 $0xFFFFEC00;
	s21 =	simm.s32 @!p2 $0xA;
	[smem:$0x7F9] =	sst s24  }
0x2c: {  	_ =	swait.ge @!p2 [sflag:s21], $0x1400  }
0x2d: {  	[sflag:s21] =	ssyncset.done @!p2 $0x0  }
0x2e: {  	[sflag:s21] =	ssyncadd.s32 @!p2 $0xFFFFEC00;
	s21 =	simm.s32 @!p4 $0xB  }
0x2f: {  	_ =	swait.ge @!p4 [sflag:s21], $0x1400  }
0x30: {  	p5 =	por @!p2 p5, p3;
	s29 =	sld [smem:$0x7F9]  }
0x31: {  	p5 =	por @!p0 p5, p1;
	s24 =	sld [smem:$0x7FA]  }
0x32: {  	p5 =	por p5, p0  }
0x33: {  	p6 =	slt.u32 @!p5 s22, $0x5;
	p3 =	seq.s32 s29, $0x1  }
0x34: {  	[sflag:s21] =	ssyncset.done @!p4 $0x0;
	p6 =	por @!p4 p6, p3;
	p3 =	seq.s32 s24, $0x1  }
0x35: {  	[sflag:s21] =	ssyncadd.s32 @!p4 $0xFFFFEC00;
	s21 =	simm.s32 @!p5 $0xC;
	p2 =	por @!p2 p6, p3  }
0x36: {  	_ =	swait.ge @!p5 [sflag:s21], $0x1400;
	p1 =	por @!p0 p2, p1  }
0x37: {  	[sflag:s21] =	ssyncset.done @!p5 $0x0;
	p0 =	por p1, p0  }
0x38: {  	[sflag:s21] =	ssyncadd.s32 @!p5 $0xFFFFEC00;
	s21 =	simm.s32 @!p0 $0xD  }
0x39: {  	_ =	swait.ge @!p0 [sflag:s21], $0x1400  }
0x3a: {  	[sflag:s21] =	ssyncset.done @!p0 $0x0  }
0x3b: {  	[sflag:s21] =	ssyncadd.s32 @!p0 $0xFFFFEC00  }
0x3c: {  	v9 =	vld [tilespmem:$0x6DB0]  }
0x3d: {  	v10 =	vld [tilespmem:$0x6BD0];
	_ =	sdelay $0x1  }
0x3e: {  	v11 =	vmov s23;
	v13 =	vld [tilespmem:$0x6BE0]  }
0x3f: {  	vm0 =	vgt.s32 v11, v2;
	v12 =	vld [tilespmem:$0x6DC0]  }
0x40: {  	v9 =	vnsel vm0, $0x6200, v9  }
0x41: {  	v14 =	vld [tilespmem:$0x6DD0];
	v10 =	vnsel vm0, $0x0, v10;
	[tilespmem:$0x6DB0] =	vst v9  }
0x42: {  	vm12 =	vgt.s32 v11, v5;
	[tilespmem:$0x6BD0] =	vst v10  }
0x43: {  	v60 =	vnsel vm12, $0x0, v13;
	v10 =	vld [tilespmem:$0x6BF0];
	[tilespmem:$0x640] =	vst v9  }
0x44: {  	v61 =	vld [tilespmem:$0x6C00];
	v9 =	vnsel vm12, $0x6200, v12;
	[tilespmem:$0x6BE0] =	vst v60  }
0x45: {  	vm13 =	vgt.s32 v11, v6;
	v62 =	vld [tilespmem:$0x6DE0];
	[tilespmem:$0x6DC0] =	vst v9  }
0x46: {  	[tilespmem:$0x650] =	vst v9;
	v9 =	vnsel vm13, $0x6200, v14  }
0x47: {  	v63 =	vld [tilespmem:$0x6DF0];
	[tilespmem:$0x6DD0] =	vst v9  }
0x48: {  	vm14 =	vgt.s32 v11, v7;
	[tilespmem:$0x660] =	vst v9;
	v10 =	vnsel vm13, $0x0, v10  }
0x49: {  	v9 =	vnsel vm14, $0x0, v61;
	[tilespmem:$0x6BF0] =	vst v10;
	v10 =	vld [tilespmem:$0x6C10]  }
0x4a: {  	[tilespmem:$0x6C00] =	vst v9;
	v9 =	vnsel vm14, $0x6200, v62  }
0x4b: {  	vm15 =	vgt.s32 v11, v8;
	[tilespmem:$0x6DE0] =	vst v9  }
0x4c: {  	[tilespmem:$0x670] =	vst v9;
	v9 =	vnsel vm15, $0x6200, v63  }
0x4d: {  	[tilespmem:$0x6DF0] =	vst v9  }
0x4e: {  	[tilespmem:$0x680] =	vst v9;
	v10 =	vnsel vm15, $0x0, v10  }
0x4f: {  	[tilespmem:$0x6C10] =	vst v10  }
0x50: {  	[tilespmem:s1], [sflag:$0x4] =	stream.indirect.gather [hbm4b:s0+s14], $0x40, s13, s14, $0xb8;
	[tilespmem:$0x1F7B0] =	vst v63  }
0x51: {  	_ =	swait.ge [sflag:s17], $0x1400  }
0x52: {  	[sflag:s17] =	ssyncset.done $0x0  }
0x53: {  	[sflag:s17] =	ssyncadd.s32 $0xFFFFEC00  }
0x54: {  	[spmem:s5] =	stream.indirect.scatter.add.f32 [tilespmem:s1], [sflag:$0x9], $0x40, s18, s14, $0xb8;
	[tilespmem:$0x1F7B0] =	vst v63  }
0x55: {  	_ =	swait.ge [sflag:s19], $0x1400  }
0x56: {  	[sflag:s19] =	ssyncset.done $0x0  }
0x57: {  	s25 =	stileid.u32;
	[sflag:s19] =	ssyncadd.s32 $0xFFFFEC00  }
0x58: {  	s21 =	sshll.u32 s25, $0x6;
	[bflag:$0x0] =	sbarrier.arrive $0xFFFF  }
0x59: {  	s26 =	sshrl.u32 s7, $0x3;
	s21 =	sor.u32 $0x1C0E, s21;
	s28 =	rddreg [dreg:$0x13]  }
0x5a: {  	[hbm:s28], [sflag:s21] =	dma.local [spmem:s26], $0x3100  }
0x5b: {  	_ =	swait.ge [sflag:s20], $0x3100  }
0x5c: {  	s6 =	sadd.s32 $0x1, s6;
	s29 =	rddreg [dreg:$0x14]  }
0x5d: {  	p0 =	sne.s32 s6, s29  }
.Ltmp1:
0x5e: {  	_ = 	snop;
	(pc) =	sbr.rel @!p0 .LBB2_12-.Ltmp1, $3  }
0x5f: {  	_ =	sdelay $0x1  }
0x60: {  	[sflag:s20] =	ssyncset.done $0x0  }
0x61: {  	[sflag:s20] =	ssyncadd.s32 $0xFFFFCF00  }
.LBB2_1:
0x62: {  	s22 =	simm.s32 $0x100;
	s21 =	simm.s32 $0x0  }
.LBB2_2:
0x63: {  	p0 =	sne.s32 s22, $0x4F00;
	[tilespmem:s21+$0x800] =	vst v3;
	s23 =	smov.u32 s22;
	s22 =	sadd.s32 $0x100, s22  }
.Ltmp2:
0x64: {  	[tilespmem:s21+$0x7F0] =	vst v3;
	(pc) =	sbr.rel @p0 .LBB2_2-.Ltmp2, $3  }
0x65: {  	[tilespmem:s21+$0x7D0] =	vst v3  }
0x66: {  	[tilespmem:s21+$0x7E0] =	vst v3;
	_ =	sdelay $0x1  }
0x67: {  	s21 =	sshra.s32 s23, $0x2  }
0x68: {  	[tilespmem:s21+$0x800] =	vst v3  }
0x69: {  	[tilespmem:s21+$0x7F0] =	vst v3  }
0x6a: {  	[tilespmem:s21+$0x7D0] =	vst v3  }
0x6b: {  	[tilespmem:s21+$0x7E0] =	vst v3  }
0x6c: {  	[spmem:s7] =	stream.linear.scatter [tilespmem:s1], [sflag:$0x3], $0x1400, $0x38;
	[tilespmem:$0x1F7B0] =	vst v63  }
0x6d: {  	s25 =	rddreg [dreg:$0x6]  }
0x6e: {  	[spmem:s25] =	stream.linear.scatter [tilespmem:s1], [sflag:$0x3], $0x1400, $0x38;
	[tilespmem:$0x1F7B0] =	vst v63  }
0x6f: {  	s26 =	rddreg [dreg:$0x7]  }
0x70: {  	[spmem:s26] =	stream.linear.scatter [tilespmem:s1], [sflag:$0x3], $0x1400, $0x38;
	[tilespmem:$0x1F7B0] =	vst v63  }
0x71: {  	s28 =	rddreg [dreg:$0x8]  }
0x72: {  	[spmem:s28] =	stream.linear.scatter [tilespmem:s1], [sflag:$0x3], $0x1400, $0x38;
	[tilespmem:$0x1F7B0] =	vst v63  }
0x73: {  	s29 =	rddreg [dreg:$0x9]  }
0x74: {  	[spmem:s29] =	stream.linear.scatter [tilespmem:s1], [sflag:$0x3], $0x1400, $0x38;
	[tilespmem:$0x1F7B0] =	vst v63  }
0x75: {  	s22 =	rddreg [dreg:$0xa]  }
0x76: {  	[spmem:s22] =	stream.linear.scatter [tilespmem:s1], [sflag:$0x3], $0x1400, $0x38;
	[tilespmem:$0x1F7B0] =	vst v63  }
0x77: {  	s23 =	rddreg [dreg:$0xb]  }
0x78: {  	[spmem:s23] =	stream.linear.scatter [tilespmem:s1], [sflag:$0x3], $0x1400, $0x38;
	[tilespmem:$0x1F7B0] =	vst v63  }
0x79: {  	s24 =	rddreg [dreg:$0xc]  }
0x7a: {  	[spmem:s24] =	stream.linear.scatter [tilespmem:s1], [sflag:$0x3], $0x1400, $0x38;
	[tilespmem:$0x1F7B0] =	vst v63  }
0x7b: {  	s25 =	rddreg [dreg:$0xd]  }
0x7c: {  	[spmem:s25] =	stream.linear.scatter [tilespmem:s1], [sflag:$0x3], $0x1400, $0x38;
	[tilespmem:$0x1F7B0] =	vst v63  }
0x7d: {  	s26 =	rddreg [dreg:$0xe]  }
0x7e: {  	[spmem:s26] =	stream.linear.scatter [tilespmem:s1], [sflag:$0x3], $0x1400, $0x38;
	[tilespmem:$0x1F7B0] =	vst v63  }
0x7f: {  	s28 =	rddreg [dreg:$0xf]  }
0x80: {  	[spmem:s28] =	stream.linear.scatter [tilespmem:s1], [sflag:$0x3], $0x1400, $0x38;
	[tilespmem:$0x1F7B0] =	vst v63  }
0x81: {  	s29 =	rddreg [dreg:$0x10]  }
0x82: {  	[spmem:s29] =	stream.linear.scatter [tilespmem:s1], [sflag:$0x3], $0x1400, $0x38;
	[tilespmem:$0x1F7B0] =	vst v63  }
0x83: {  	s22 =	rddreg [dreg:$0x15]  }
0x84: {  	[spmem:s22] =	stream.linear.scatter [tilespmem:s1], [sflag:$0x3], $0x1400, $0x38;
	[tilespmem:$0x1F7B0] =	vst v63  }
0x85: {  	s23 =	rddreg [dreg:$0x16]  }
0x86: {  	[spmem:s23] =	stream.linear.scatter [tilespmem:s1], [sflag:$0x3], $0x1400, $0x38;
	[tilespmem:$0x1F7B0] =	vst v63  }
0x87: {  	s24 =	rddreg [dreg:$0x17]  }
0x88: {  	[spmem:s24] =	stream.linear.scatter [tilespmem:s1], [sflag:$0x3], $0x1400, $0x38;
	[tilespmem:$0x1F7B0] =	vst v63  }
0x89: {  	s25 =	rddreg [dreg:$0x18]  }
0x8a: {  	[spmem:s25] =	stream.linear.scatter [tilespmem:s1], [sflag:$0x3], $0x1400, $0x38;
	[tilespmem:$0x1F7B0] =	vst v63  }
0x8b: {  	s26 =	rddreg [dreg:$0x19]  }
0x8c: {  	[spmem:s26] =	stream.linear.scatter [tilespmem:s1], [sflag:$0x3], $0x1400, $0x38;
	[tilespmem:$0x1F7B0] =	vst v63  }
0x8d: {  	_ = 	snop  }
0x8e: {  	[spmem:s30] =	stream.linear.scatter [tilespmem:s1], [sflag:$0x3], $0x1400, $0x38;
	[tilespmem:$0x1F7B0] =	vst v63  }
0x8f: {  	_ = 	snop  }
0x90: {  	[spmem:s31] =	stream.linear.scatter [tilespmem:s1], [sflag:$0x3], $0x1400, $0x38;
	[tilespmem:$0x1F7B0] =	vst v63  }
0x91: {  	_ = 	snop  }
0x92: {  	[spmem:s4] =	stream.linear.scatter [tilespmem:s1], [sflag:$0x3], $0xC00, $0x38;
	[tilespmem:$0x1F7B0] =	vst v63  }
0x93: {  	_ =	swait.ge [sflag:s9], $0x1400  }
0x94: {  	[sflag:s9] =	ssyncset.done $0x0  }
0x95: {  	[sflag:s9] =	ssyncadd.s32 $0xFFFFEC00  }
0x96: {  	_ =	swait.ge [sflag:s9], $0x1400  }
0x97: {  	[sflag:s9] =	ssyncset.done $0x0  }
0x98: {  	[sflag:s9] =	ssyncadd.s32 $0xFFFFEC00  }
0x99: {  	_ =	swait.ge [sflag:s9], $0x1400  }
0x9a: {  	[sflag:s9] =	ssyncset.done $0x0  }
0x9b: {  	[sflag:s9] =	ssyncadd.s32 $0xFFFFEC00  }
0x9c: {  	_ =	swait.ge [sflag:s9], $0x1400  }
0x9d: {  	[sflag:s9] =	ssyncset.done $0x0  }
0x9e: {  	[sflag:s9] =	ssyncadd.s32 $0xFFFFEC00  }
0x9f: {  	_ =	swait.ge [sflag:s9], $0x1400  }
0xa0: {  	[sflag:s9] =	ssyncset.done $0x0  }
0xa1: {  	[sflag:s9] =	ssyncadd.s32 $0xFFFFEC00  }
0xa2: {  	_ =	swait.ge [sflag:s9], $0x1400  }
0xa3: {  	[sflag:s9] =	ssyncset.done $0x0  }
0xa4: {  	[sflag:s9] =	ssyncadd.s32 $0xFFFFEC00  }
0xa5: {  	_ =	swait.ge [sflag:s9], $0x1400  }
0xa6: {  	[sflag:s9] =	ssyncset.done $0x0  }
0xa7: {  	[sflag:s9] =	ssyncadd.s32 $0xFFFFEC00  }
0xa8: {  	_ =	swait.ge [sflag:s9], $0x1400  }
0xa9: {  	[sflag:s9] =	ssyncset.done $0x0  }
0xaa: {  	[sflag:s9] =	ssyncadd.s32 $0xFFFFEC00  }
0xab: {  	_ =	swait.ge [sflag:s9], $0x1400  }
0xac: {  	[sflag:s9] =	ssyncset.done $0x0  }
0xad: {  	[sflag:s9] =	ssyncadd.s32 $0xFFFFEC00  }
0xae: {  	_ =	swait.ge [sflag:s9], $0x1400  }
0xaf: {  	[sflag:s9] =	ssyncset.done $0x0  }
0xb0: {  	[sflag:s9] =	ssyncadd.s32 $0xFFFFEC00  }
0xb1: {  	_ =	swait.ge [sflag:s9], $0x1400  }
0xb2: {  	[sflag:s9] =	ssyncset.done $0x0  }
0xb3: {  	[sflag:s9] =	ssyncadd.s32 $0xFFFFEC00  }
0xb4: {  	_ =	swait.ge [sflag:s9], $0x1400  }
0xb5: {  	[sflag:s9] =	ssyncset.done $0x0  }
0xb6: {  	[sflag:s9] =	ssyncadd.s32 $0xFFFFEC00  }
0xb7: {  	_ =	swait.ge [sflag:s9], $0x1400  }
0xb8: {  	[sflag:s9] =	ssyncset.done $0x0  }
0xb9: {  	[sflag:s9] =	ssyncadd.s32 $0xFFFFEC00  }
0xba: {  	_ =	swait.ge [sflag:s9], $0x1400  }
0xbb: {  	[sflag:s9] =	ssyncset.done $0x0  }
0xbc: {  	[sflag:s9] =	ssyncadd.s32 $0xFFFFEC00  }
0xbd: {  	_ =	swait.ge [sflag:s9], $0x1400  }
0xbe: {  	[sflag:s9] =	ssyncset.done $0x0  }
0xbf: {  	[sflag:s9] =	ssyncadd.s32 $0xFFFFEC00  }
0xc0: {  	_ =	swait.ge [sflag:s9], $0x1400  }
0xc1: {  	[sflag:s9] =	ssyncset.done $0x0  }
0xc2: {  	[sflag:s9] =	ssyncadd.s32 $0xFFFFEC00  }
0xc3: {  	_ =	swait.ge [sflag:s9], $0x1400  }
0xc4: {  	[sflag:s9] =	ssyncset.done $0x0  }
0xc5: {  	[sflag:s9] =	ssyncadd.s32 $0xFFFFEC00  }
0xc6: {  	_ =	swait.ge [sflag:s9], $0x1400  }
0xc7: {  	[sflag:s9] =	ssyncset.done $0x0  }
0xc8: {  	[sflag:s9] =	ssyncadd.s32 $0xFFFFEC00  }
0xc9: {  	_ =	swait.ge [sflag:s9], $0x1400  }
0xca: {  	[sflag:s9] =	ssyncset.done $0x0  }
0xcb: {  	[sflag:s9] =	ssyncadd.s32 $0xFFFFEC00  }
0xcc: {  	_ =	swait.ge [sflag:s9], $0xC00  }
0xcd: {  	[sflag:s9] =	ssyncset.done $0x0  }
0xce: {  	[sflag:s9] =	ssyncadd.s32 $0xFFFFF400  }
0xcf: {  	[bflag:$0x0] =	sbarrier.arrive $0xFFFF  }
.Ltmp3:
0xd0: {  	s22 =	simm.s32 $0x0;
	s28 =	rddreg [dreg:$0x11];
	(pc) =	sbr.rel .LBB2_4-.Ltmp3, $4  }
0xd1: {  	[tilespmem:s22], [sflag:$0x1] =	stream.linear.gather [hbm4b:s28+s22], $0x190, $0x38;
	[tilespmem:$0x1F7B0] =	vst v63  }
0xd2: {  	s23 =	simm.s32 $0x320;
	s29 =	rddreg [dreg:$0x12]  }
0xd3: {  	[tilespmem:s23], [sflag:$0x2] =	stream.linear.gather [hbm4b:s29+s22], $0x190, $0x38;
	[tilespmem:$0x1F7B0] =	vst v63  }
0xd4: {  	s21 =	simm.s32 $0x0;
	s23 =	simm.s32 $0x0  }
.LBB2_7:
0xd5: {  	v9 =	vld [tilespmem:$0x6EF0]  }
0xd6: {  	v10 =	vld [tilespmem:$0x6F00]  }
0xd7: {  	v11 =	vld [tilespmem:$0x6F10]  }
0xd8: {  	v12 =	vld [tilespmem:$0x6F20]  }
0xd9: {  	v13 =	vld [tilespmem:$0x6F30]  }
0xda: {  	[tilespmem:$0x780] =	vst v9  }
0xdb: {  	[tilespmem:$0x790] =	vst v10  }
0xdc: {  	[tilespmem:$0x7A0] =	vst v11  }
0xdd: {  	[tilespmem:$0x7B0] =	vst v12  }
0xde: {  	[tilespmem:$0x7C0] =	vst v13  }
0xdf: {  	[tilespmem:s16], [sflag:$0x8] =	stream.indirect.gather [hbm4b:s0+s14], $0x40, s15, s14, $0xb8;
	[tilespmem:$0x1F7B0] =	vst v63  }
.LBB2_9:
0xe0: {  	_ =	swait.ge [sflag:s17], $0x1400  }
0xe1: {  	[sflag:s17] =	ssyncset.done $0x0  }
0xe2: {  	s24 =	simm.s32 @!p1 $0x5;
	[sflag:s17] =	ssyncadd.s32 $0xFFFFEC00  }
0xe3: {  	[spmem:s5] =	stream.indirect.scatter.add.f32 [tilespmem:s1], [sflag:$0x9], $0x40, s18, s14, $0xb8;
	[tilespmem:$0x1F7B0] =	vst v63  }
0xe4: {  	p2 =	slt.s32 @!p1 s22, $0x3;
	_ =	swait.ge @!p1 [sflag:s24], $0x1400  }
0xe5: {  	s25 =	simm.s32 @!p1 $0x690;
	s26 =	simm.s32 @!p1 $0x1BD0;
	[sflag:s24] =	ssyncset.done @!p1 $0x0  }
0xe6: {  	p3 =	por p2, p1;
	[sflag:s24] =	ssyncadd.s32 @!p1 $0xFFFFEC00;
	s24 =	simm.s32 @!p1 $0x50  }
0xe7: {  	[spmem:s5] =	stream.indirect.scatter.add.f32 @!p1 [tilespmem:s26], [sflag:$0xA], $0x40, s25, s24, $0xb8;
	[tilespmem:$0x1F7B0] =	vst v63  }
0xe8: {  	p4 =	slt.s32 @!p3 s22, $0x4;
	s24 =	simm.s32 @!p3 $0x6  }
0xe9: {  	p5 =	por @!p1 p4, p2;
	_ =	swait.ge @!p3 [sflag:s24], $0x1400  }
0xea: {  	p5 =	por p5, p1;
	s25 =	simm.s32 @!p3 $0x6E0;
	[sflag:s24] =	ssyncset.done @!p3 $0x0  }
0xeb: {  	s26 =	simm.s32 @!p3 $0x2FD0;
	[sflag:s24] =	ssyncadd.s32 @!p3 $0xFFFFEC00;
	s24 =	simm.s32 @!p3 $0x50  }
0xec: {  	[spmem:s5] =	stream.indirect.scatter.add.f32 @!p3 [tilespmem:s26], [sflag:$0xB], $0x40, s25, s24, $0xb8;
	[tilespmem:$0x1F7B0] =	vst v63  }
0xed: {  	p6 =	slt.s32 @!p5 s22, $0x5;
	s24 =	simm.s32 @!p5 $0x7  }
0xee: {  	s25 =	simm.s32 @!p5 $0x730;
	p3 =	por @!p3 p6, p4;
	_ =	swait.ge @!p5 [sflag:s24], $0x1400  }
0xef: {  	s26 =	simm.s32 @!p5 $0x43D0;
	p2 =	por @!p1 p3, p2;
	[sflag:s24] =	ssyncset.done @!p5 $0x0  }
0xf0: {  	p1 =	por p2, p1;
	[sflag:s24] =	ssyncadd.s32 @!p5 $0xFFFFEC00;
	s24 =	simm.s32 @!p5 $0x50  }
0xf1: {  	[spmem:s5] =	stream.indirect.scatter.add.f32 @!p5 [tilespmem:s26], [sflag:$0xC], $0x40, s25, s24, $0xb8;
	[tilespmem:$0x1F7B0] =	vst v63  }
0xf2: {  	s24 =	simm.s32 @!p1 $0x8  }
0xf3: {  	_ =	swait.ge @!p1 [sflag:s24], $0x1400  }
0xf4: {  	s25 =	simm.s32 @!p1 $0x780;
	[sflag:s24] =	ssyncset.done @!p1 $0x0  }
0xf5: {  	s26 =	simm.s32 @!p1 $0x57D0;
	[sflag:s24] =	ssyncadd.s32 @!p1 $0xFFFFEC00;
	s24 =	simm.s32 @!p1 $0x50  }
0xf6: {  	[spmem:s5] =	stream.indirect.scatter.add.f32 @!p1 [tilespmem:s26], [sflag:$0xD], $0x40, s25, s24, $0xb8;
	[tilespmem:$0x1F7B0] =	vst v63  }
.LBB2_10:
0xf7: {  	s24 =	smul.u32 $0x50, s22;
	_ =	sdelay $0x1  }
0xf8: {  	s23 =	ssub.s32 s23, s24  }
0xf9: {  	p1 =	slt.s32 s23, $0x1  }
0xfa: {  	v9 =	vld @!p1 [tilespmem:s24+$0x6DB0]  }
0xfb: {  	v10 =	vld @!p1 [tilespmem:s24+$0x6BD0];
	_ =	sdelay $0x3  }
0xfc: {  	p2 =	slt.u32 @!p1 s23, $0x11;
	[tilespmem:$0x6DB0] =	vst @!p1 v9  }
0xfd: {  	p3 =	por p2, p1;
	[tilespmem:$0x6BD0] =	vst @!p1 v10  }
0xfe: {  	v9 =	vld @!p3 [tilespmem:s24+$0x6DC0]  }
0xff: {  	v10 =	vld @!p3 [tilespmem:s24+$0x6BE0];
	_ =	sdelay $0x2  }
0x100: {  	p4 =	slt.u32 @!p3 s23, $0x21  }
0x101: {  	p5 =	por @!p1 p4, p2;
	[tilespmem:$0x6DC0] =	vst @!p3 v9  }
0x102: {  	p5 =	por p5, p1;
	[tilespmem:$0x6BE0] =	vst @!p3 v10  }
0x103: {  	v9 =	vld @!p5 [tilespmem:s24+$0x6DD0]  }
0x104: {  	s25 =	simm.s32 @!p4 $0x0;
	v10 =	vld @!p5 [tilespmem:s24+$0x6BF0]  }
0x105: {  	s25 =	simm.s32 @p4 $0x1;
	p0 =	slt.u32 @!p5 s23, $0x31  }
0x106: {  	[smem:$0x7FC] =	sst s25;
	s25 =	simm.s32 @!p0 $0x0  }
0x107: {  	s25 =	simm.s32 @p0 $0x1;
	p0 =	por @!p3 p0, p4  }
0x108: {  	[smem:$0x7FB] =	sst s25;
	p0 =	por @!p1 p0, p2;
	[tilespmem:$0x6DD0] =	vst @!p5 v9  }
0x109: {  	p0 =	por p0, p1;
	s25 =	sld [smem:$0x7FB];
	[tilespmem:$0x6BF0] =	vst @!p5 v10  }
0x10a: {  	s29 =	sld [smem:$0x7FC];
	v9 =	vld @!p0 [tilespmem:s24+$0x6DE0]  }
0x10b: {  	v10 =	vld @!p0 [tilespmem:s24+$0x6C00]  }
0x10c: {  	p6 =	slt.u32 @!p0 s23, $0x41;
	p4 =	seq.s32 s25, $0x1  }
0x10d: {  	p5 =	por @!p5 p6, p4;
	p4 =	seq.s32 s29, $0x1  }
0x10e: {  	p3 =	por @!p3 p5, p4  }
0x10f: {  	p2 =	por @!p1 p3, p2;
	[tilespmem:$0x6DE0] =	vst @!p0 v9  }
0x110: {  	[tilespmem:$0x6C00] =	vst @!p0 v10;
	p0 =	por p2, p1  }
0x111: {  	v9 =	vld @!p0 [tilespmem:s24+$0x6DF0]  }
0x112: {  	p1 =	sne.s32 s21, $0x7D;
	v10 =	vld @!p0 [tilespmem:s24+$0x6C10]  }
.Ltmp4:
0x113: {  	_ = 	snop;
	(pc) =	sbr.rel @!p1 .LBB2_11-.Ltmp4, $3  }
0x114: {  	_ =	sdelay $0x1  }
0x115: {  	[tilespmem:$0x6DF0] =	vst @!p0 v9  }
0x116: {  	[tilespmem:$0x6C10] =	vst @!p0 v10  }
.LBB2_4:
0x117: {  	s24 =	smov.u32 s21;
	_ =	swait.ge [sflag:s10], $0x190;
	s21 =	sadd.s32 $0x1, s21  }
0x118: {  	[sflag:s10] =	ssyncset.done $0x0;
	p0 =	seq.s32 s24, $0x7C;
	s24 =	sand.u32 $0x1, s24  }
0x119: {  	s25 =	smul.u32 @!p0 $0x190, s21;
	p1 =	seq.s32 s24, $0x1;
	s24 =	simm.s32 $0x190  }
0x11a: {  	[sflag:s10] =	ssyncadd.s32 $0xFFFFFE70;
	s24 =	simm.s32 @!p1 $0x0  }
0x11b: {  	_ =	swait.ge [sflag:s11], $0x190;
	s25 =	sadd.s32 @!p0 s8, s25;
	s26 =	sadd.s32 $0x320, s24  }
0x11c: {  	[sflag:s11] =	ssyncset.done $0x0;
	s28 =	ssub.s32 @!p0 $0x190, s24;
	s25 =	sshrl.u32 @!p0 s25, $0x3;
	v10 =	vmov s26  }
0x11d: {  	[sflag:s11] =	ssyncadd.s32 $0xFFFFFE70;
	s26 =	simm.s32 @!p0 $0x0;
	s29 =	sadd.s32 @!p0 s2, s25  }
0x11e: {  	[tilespmem:s28], [sflag:$0x1] =	stream.linear.gather @!p0 [hbm4b:s29+s26], $0x190, $0x38;
	[tilespmem:$0x1F7B0] =	vst v63  }
0x11f: {  	s25 =	sadd.s32 @!p0 s3, s25;
	s28 =	ssub.s32 @!p0 $0x4B0, s24;
	s29 =	simm.s32 $0x0  }
0x120: {  	[tilespmem:s28], [sflag:$0x2] =	stream.linear.gather @!p0 [hbm4b:s25+s26], $0x190, $0x38;
	[tilespmem:$0x1F7B0] =	vst v63  }
0x121: {  	v9 =	vld.idx.msk [tilespmem:v10+s29+$0x0 ss:$0x1], $0xffff;
	_ =	sdelay $0x4  }
0x122: {  	v11 =	vsub.s32 v9, v0  }
0x123: {  	vm0 =	vlt.u32 v11, v1  }
0x124: {  	v9 =	vsel vm0, $0x1, v4  }
0x125: {  	(xrf0) =	vadd.scan.msk.s32 $0xffff, v9;
	_ =	sdelay $0x2  }
0x126: {  	v12 =	vmov s23;
	v9 =	vmov s24  }
0x127: {  	v12 =	vadd.s32 $0xFFFFFFFF, v12  }
0x128: {  	v12 =	vbroadcast v12, $0x0  }
0x129: {  	v13, _, _ =	vpop (xrf0)  }
0x12a: {  	v12 =	vadd.s32 v13, v12;
	(v2sf) =	vpush v13, $0xF  }
0x12b: {  	v14 =	vld.idx.msk [tilespmem:v9+s29+$0x0 ss:$0x1], $0xffff;
	_ =	sdelay $0x3  }
0x12c: {  	[tilespmem:v12+s12+$0x0] =	vst.idx.msk vm0, v11  }
0x12d: {  	s25 =	simm.s32 $0x80;
	s24 =	smov.u32 s22;
	s22 =	simm.s32 $0x10;
	[tilespmem:v12+s13+$0x0] =	vst.idx.msk vm0, v14  }
.LBB2_5:
0x12e: {  	p0 =	sne.s32 s25, $0x600;
	v11 =	vld.idx.msk [tilespmem:v10+s22+$0x0 ss:$0x1], $0xffff;
	_ =	sdelay $0x5  }
0x12f: {  	v11 =	vsub.s32 v11, v0  }
0x130: {  	vm0 =	vlt.u32 v11, v1  }
0x131: {  	v12 =	vsel vm0, $0x1, v4;
	s26 =	spop (v2sf)  }
0x132: {  	(xrf0) =	vadd.scan.msk.s32 $0xffff, v12;
	s23 =	sadd.s32 s23, s26  }
0x133: {  	v12 =	vmov s23  }
0x134: {  	v12 =	vadd.s32 $0xFFFFFFFF, v12  }
0x135: {  	v12 =	vbroadcast v12, $0x0;
	_ =	sdelay $0x2  }
0x136: {  	v13, _, _ =	vpop (xrf0)  }
0x137: {  	v14 =	vld.idx.msk [tilespmem:v9+s22+$0x0 ss:$0x1], $0xffff;
	v12 =	vadd.s32 v13, v12;
	(v2sf) =	vpush v13, $0xF;
	_ =	sdelay $0x1  }
.Ltmp5:
0x138: {  	(pc) =	sbr.rel @p0 .LBB2_5-.Ltmp5, $3  }
0x139: {  	_ =	sdelay $0x1  }
0x13a: {  	[tilespmem:v12+s12+$0x0] =	vst.idx.msk vm0, v11  }
0x13b: {  	s22 =	sshra.s32 s25, $0x2;
	s25 =	sadd.s32 $0x40, s25;
	[tilespmem:v12+s13+$0x0] =	vst.idx.msk vm0, v14  }
0x13c: {  	_ =	sdelay $0x3  }
0x13d: {  	v10 =	vld.idx.msk [tilespmem:v10+s22+$0x0 ss:$0x1], $0xffff;
	_ =	sdelay $0x4  }
0x13e: {  	v10 =	vsub.s32 v10, v0  }
0x13f: {  	vm0 =	vlt.u32 v10, v1  }
0x140: {  	v11 =	vsel vm0, $0x1, v4  }
0x141: {  	(xrf0) =	vadd.scan.msk.s32 $0xffff, v11;
	_ =	sdelay $0x5  }
0x142: {  	v11, _, _ =	vpop (xrf0)  }
0x143: {  	(v2sf) =	vpush v11, $0xF;
	_ =	sdelay $0xd  }
0x144: {  	s25 =	spop (v2sf)  }
0x145: {  	s25 =	sadd.s32 s23, s25;
	s28 =	spop (v2sf)  }
0x146: {  	s23 =	sadd.s32 s25, s28  }
0x147: {  	v12 =	vmov s25;
	s29 =	smulhi.u32 $0x66666667, s23;
	s26 =	sshra.s32 s23, $0x1F  }
0x148: {  	v12 =	vadd.s32 $0xFFFFFFFF, v12;
	s26 =	smul.u32 $0x66666667, s26  }
0x149: {  	v12 =	vbroadcast v12, $0x0  }
0x14a: {  	s25 =	sadd.s32 s26, s29  }
0x14b: {  	v11 =	vadd.s32 v11, v12;
	s26 =	sshrl.u32 s25, $0x1F;
	s25 =	sshra.s32 s25, $0x5  }
0x14c: {  	v9 =	vld.idx.msk [tilespmem:v9+s22+$0x0 ss:$0x1], $0xffff;
	s28 =	sadd.s32 s26, s25  }
0x14d: {  	s25 =	smul.u32 $0xFFFFFFB0, s28  }
0x14e: {  	s29 =	ssub.s32 $0x0, s23  }
0x14f: {  	p0 =	slt.s32 s23, $0x1;
	p1 =	sne.s32 s25, s29  }
0x150: {  	[tilespmem:v11+s12+$0x0] =	vst.idx.msk vm0, v10;
	p0 =	por !p0, !p1;
	p1 =	slt.s32 s24, $0x1  }
0x151: {  	[tilespmem:v11+s13+$0x0] =	vst.idx.msk vm0, v9;
	s25 =	simm.s32 $0x1;
	p0 =	por !p0, !p0;
	s26 =	simm.s32 @!p1 $0x9  }
0x152: {  	s25 =	simm.s32 @!p0 $0x0;
	_ =	swait.ge @!p1 [sflag:s26], $0x1400  }
0x153: {  	s22 =	ssub.s32 s28, s25;
	[sflag:s26] =	ssyncset.done @!p1 $0x0  }
0x154: {  	[sflag:s26] =	ssyncadd.s32 @!p1 $0xFFFFEC00;
	p0 =	slt.s32 s22, $0x1  }
0x155: {  	v9 =	vld @!p0 [tilespmem:$0x6DB0]  }
0x156: {  	v10 =	vld @!p0 [tilespmem:$0x6DC0]  }
0x157: {  	v11 =	vld @!p0 [tilespmem:$0x6DD0]  }
0x158: {  	v12 =	vld @!p0 [tilespmem:$0x6DE0]  }
0x159: {  	v13 =	vld @!p0 [tilespmem:$0x6DF0]  }
0x15a: {  	[tilespmem:$0x640] =	vst @!p0 v9  }
0x15b: {  	[tilespmem:$0x650] =	vst @!p0 v10  }
0x15c: {  	[tilespmem:$0x660] =	vst @!p0 v11  }
0x15d: {  	p1 =	slt.s32 s24, $0x2;
	[tilespmem:$0x670] =	vst @!p0 v12  }
0x15e: {  	s25 =	simm.s32 @!p0 $0x50;
	s26 =	simm.s32 @!p0 $0x6BD0;
	s28 =	simm.s32 @!p0 $0x7D0;
	[tilespmem:$0x680] =	vst @!p0 v13  }
0x15f: {  	[tilespmem:s28], [sflag:$0x4] =	stream.indirect.gather @!p0 [hbm4b:s0+s25], $0x40, s26, s25, $0xb8;
	[tilespmem:$0x1F7B0] =	vst v63  }
0x160: {  	s25 =	simm.s32 @!p1 $0xA  }
0x161: {  	_ =	swait.ge @!p1 [sflag:s25], $0x1400  }
0x162: {  	[sflag:s25] =	ssyncset.done @!p1 $0x0  }
0x163: {  	[sflag:s25] =	ssyncadd.s32 @!p1 $0xFFFFEC00;
	p1 =	slt.s32 s22, $0x2  }
0x164: {  	v9 =	vld @!p1 [tilespmem:$0x6E00]  }
0x165: {  	v10 =	vld @!p1 [tilespmem:$0x6E10]  }
0x166: {  	v11 =	vld @!p1 [tilespmem:$0x6E20]  }
0x167: {  	v12 =	vld @!p1 [tilespmem:$0x6E30]  }
0x168: {  	v13 =	vld @!p1 [tilespmem:$0x6E40]  }
0x169: {  	[tilespmem:$0x690] =	vst @!p1 v9  }
0x16a: {  	[tilespmem:$0x6A0] =	vst @!p1 v10  }
0x16b: {  	[tilespmem:$0x6B0] =	vst @!p1 v11  }
0x16c: {  	p2 =	slt.s32 s24, $0x3;
	[tilespmem:$0x6C0] =	vst @!p1 v12  }
0x16d: {  	s25 =	simm.s32 @!p1 $0x50;
	s26 =	simm.s32 @!p1 $0x6C20;
	s28 =	simm.s32 @!p1 $0x1BD0;
	[tilespmem:$0x6D0] =	vst @!p1 v13  }
0x16e: {  	[tilespmem:s28], [sflag:$0x5] =	stream.indirect.gather @!p1 [hbm4b:s0+s25], $0x40, s26, s25, $0xb8;
	[tilespmem:$0x1F7B0] =	vst v63  }
0x16f: {  	s25 =	simm.s32 @!p2 $0xB  }
0x170: {  	_ =	swait.ge @!p2 [sflag:s25], $0x1400  }
0x171: {  	[sflag:s25] =	ssyncset.done @!p2 $0x0  }
0x172: {  	[sflag:s25] =	ssyncadd.s32 @!p2 $0xFFFFEC00;
	p2 =	slt.s32 s22, $0x3  }
0x173: {  	v9 =	vld @!p2 [tilespmem:$0x6E50]  }
0x174: {  	v10 =	vld @!p2 [tilespmem:$0x6E60]  }
0x175: {  	v11 =	vld @!p2 [tilespmem:$0x6E70]  }
0x176: {  	v12 =	vld @!p2 [tilespmem:$0x6E80]  }
0x177: {  	v13 =	vld @!p2 [tilespmem:$0x6E90]  }
0x178: {  	[tilespmem:$0x6E0] =	vst @!p2 v9  }
0x179: {  	[tilespmem:$0x6F0] =	vst @!p2 v10  }
0x17a: {  	[tilespmem:$0x700] =	vst @!p2 v11  }
0x17b: {  	[tilespmem:$0x710] =	vst @!p2 v12  }
0x17c: {  	s25 =	simm.s32 @!p2 $0x50;
	s26 =	simm.s32 @!p2 $0x6C70;
	s28 =	simm.s32 @!p2 $0x2FD0;
	[tilespmem:$0x720] =	vst @!p2 v13  }
0x17d: {  	[tilespmem:s28], [sflag:$0x6] =	stream.indirect.gather @!p2 [hbm4b:s0+s25], $0x40, s26, s25, $0xb8;
	[tilespmem:$0x1F7B0] =	vst v63  }
0x17e: {  	p2 =	slt.s32 s24, $0x4  }
0x17f: {  	s25 =	simm.s32 @!p2 $0xC  }
0x180: {  	_ =	swait.ge @!p2 [sflag:s25], $0x1400  }
0x181: {  	[sflag:s25] =	ssyncset.done @!p2 $0x0  }
0x182: {  	[sflag:s25] =	ssyncadd.s32 @!p2 $0xFFFFEC00;
	p2 =	slt.s32 s22, $0x4  }
0x183: {  	v9 =	vld @!p2 [tilespmem:$0x6EA0]  }
0x184: {  	v10 =	vld @!p2 [tilespmem:$0x6EB0]  }
0x185: {  	v11 =	vld @!p2 [tilespmem:$0x6EC0]  }
0x186: {  	v12 =	vld @!p2 [tilespmem:$0x6ED0]  }
0x187: {  	v13 =	vld @!p2 [tilespmem:$0x6EE0]  }
0x188: {  	[tilespmem:$0x730] =	vst @!p2 v9  }
0x189: {  	[tilespmem:$0x740] =	vst @!p2 v10  }
0x18a: {  	[tilespmem:$0x750] =	vst @!p2 v11  }
0x18b: {  	[tilespmem:$0x760] =	vst @!p2 v12  }
0x18c: {  	s25 =	simm.s32 @!p2 $0x50;
	s26 =	simm.s32 @!p2 $0x6CC0;
	s28 =	simm.s32 @!p2 $0x43D0;
	[tilespmem:$0x770] =	vst @!p2 v13  }
0x18d: {  	[tilespmem:s28], [sflag:$0x7] =	stream.indirect.gather @!p2 [hbm4b:s0+s25], $0x40, s26, s25, $0xb8;
	[tilespmem:$0x1F7B0] =	vst v63  }
0x18e: {  	p2 =	slt.s32 s24, $0x5  }
0x18f: {  	p3 =	slt.s32 s22, $0x5;
	s24 =	simm.s32 @!p2 $0xD  }
.Ltmp6:
0x190: {  	_ =	swait.ge @!p2 [sflag:s24], $0x1400;
	(pc) =	sbr.rel @!p3 .LBB2_7-.Ltmp6, $4  }
0x191: {  	[sflag:s24] =	ssyncset.done @!p2 $0x0  }
0x192: {  	[sflag:s24] =	ssyncadd.s32 @!p2 $0xFFFFEC00;
	s24 =	simm.s32 @!p0 $0x0  }
0x193: {  	s24 =	simm.s32 @p0 $0x1  }
0x194: {  	[smem:$0x7FD] =	sst s24  }
.Ltmp7:
0x195: {  	(pc) =	sbr.rel @!p0 .LBB2_9-.Ltmp7, $4  }
.Ltmp8:
0x196: {  	(pc) =	sbr.rel @p0 .LBB2_10-.Ltmp8, $4  }
0x197: {  	_ = 	snop  }
0x198: {  	_ = 	snop  }
0x199: {  	_ = 	snop  }
0x19a: {  	_ = 	snop  }
.LBB2_12:
0x19b: {  	_ =	sfence.sel $0x180000  }
0x19c: {  	[bflag:$0x0] =	sbarrier.arrive $0xFFFF  }
0x19d: {  	_ =	strace $0x90000047  }
0x19e: {  	s0 =	stileid.u32;
	[bflag:$0x2] =	sbarrier.arrive $0xFFFF  }
0x19f: {  	p0 =	sne.s32 s0, $0x0;
	s0 =	rddreg [dreg:$0x5]  }
0x1a0: {  	s0 =	sadd.s32 @!p0 $0x100000, s0  }
0x1a1: {  	[sflag:s0] =	ssyncadd.tile.s32 @!p0 $0x1;
	_ =	shalt  }
.Lfunc_end2:
_tile_overlayer_lowered:
.L_overlay_start_2:
0x1a2: {  	(tag) =	ssettag $0x2  }
0x1a3: {  	s0 =	rddreg [dreg:$0x0];
	s2 =	stileid.u32  }
0x1a4: {  	s1 =	rddreg [dreg:$0x1];
	p0 =	sne.s32 s2, $0x0  }
0x1a5: {  	s3 =	rddreg [dreg:$0x2];
	[bflag:$0x3] =	sbarrier.arrive $0xFFFF;
	s2 =	simm.s32 @!p0 $0x1C0E  }
0x1a6: {  	[timem:s3], [sflag:s2] =	dma.local @!p0 [hbm:s0], s1  }
0x1a7: {  	s0 =	simm.s32 @!p0 $0xE  }
0x1a8: {  	_ =	swait.ge @!p0 [sflag:s0], s1  }
0x1a9: {  	s1 =	ssub.s32 @!p0 $0x0, s1;
	[sflag:s0] =	ssyncset.done @!p0 $0x0  }
0x1aa: {  	[sflag:s0] =	ssyncadd.s32 @!p0 s1  }
0x1ab: {  	[bflag:$0x3] =	sbarrier.arrive $0xFFFF  }
0x1ac: {  	_ =	shalt  }

</sc_bundles>
